<compile_context>
chip_gen: v7x
topology: tpu7x:2x2x1
jax: 0.10.2.dev20260603
libtpu: 0.0.44.dev20260713+nightly
codegen_flags: <defaults>
</compile_context>

<pallas_src>
import functools

import jax
import jax.numpy as jnp
from jax import lax
from jax.experimental import pallas as pl
from jax.experimental.pallas import tpu as pltpu
from jax.experimental.pallas import tpu_sc as plsc

RES_ = 128
GRID_ = RES_ * RES_ * RES_
NC_ = 2
NS_ = 16
LANES_ = 16
HALF_ = GRID_ // NC_
TILEG_ = HALF_ // NS_
P_ = 1024
NVEC_ = P_ // LANES_
RP_ = NS_ * P_
HB_ = RP_ // 2
HV_ = HB_ // LANES_


def _voxelize(p):
    u = (p + 1.0) * jnp.float32(0.5) * jnp.float32(RES_)
    i = u.astype(jnp.int32)
    return jnp.clip(i, 0, RES_ - 1)


def _sc_body(n_total, pos_hbm, imp_hbm, gv_hbm, out_hbm, idxscr_hbm,
             posbuf, prodidx, considx, consval, resp8, outbuf, subgrid,
             sp_idx, sp_val, sp_resp,
             sem_pos, sem_imp, sem_scr, sem_ci, sem_cv, sem_h0, sem_h1,
             sem_resp):
    c = lax.axis_index("c")
    s = lax.axis_index("s")
    chunk = n_total // NS_
    rounds = chunk // P_
    half_lo = c * HALF_
    lane = jnp.arange(LANES_, dtype=jnp.int32)
    lane3 = lane * 3

    pltpu.sync_copy(gv_hbm.at[pl.ds(half_lo + s * TILEG_, TILEG_)],
                    subgrid.at[pl.ds(0, TILEG_)])
    subgrid[pl.ds(TILEG_, LANES_)] = jnp.zeros((LANES_,), jnp.float32)
    plsc.subcore_barrier()

    chunkbase = s * chunk

    def pos_copy(r, pb):
        return pltpu.make_async_copy(
            pos_hbm.at[pl.ds((chunkbase + r * P_) * 3, P_ * 3)],
            posbuf.at[pl.ds(pb * (P_ * 3), P_ * 3)], sem_pos)

    def imp_copy(r):
        return pltpu.make_async_copy(
            imp_hbm.at[pl.ds(chunkbase + r * P_, P_)],
            sp_val.at[pl.ds((r % 3) * RP_ + s * P_, P_)], sem_imp)

    pos_copy(0, 0).start()
    imp_copy(0).start()

    @pl.loop(0, rounds)
    def _p1(r):
        pb = r % 2
        par = (r % 2) * RP_
        pos_copy(r, pb).wait()

        @plsc.parallel_loop(0, NVEC_, unroll=8)
        def _vec(j):
            off = pb * (P_ * 3) + j * (3 * LANES_)
            x = plsc.load_gather(posbuf, [lane3 + off])
            y = plsc.load_gather(posbuf, [lane3 + (off + 1)])
            z = plsc.load_gather(posbuf, [lane3 + (off + 2)])
            lin = (_voxelize(x) * RES_ + _voxelize(y)) * RES_ + _voxelize(z)
            keep = (lin >= half_lo) & (lin < half_lo + HALF_)
            prodidx[pl.ds(j * LANES_, LANES_)] = (
                jnp.where(keep, lin - half_lo, HALF_))

        cp_scr = pltpu.async_copy(
            prodidx, idxscr_hbm.at[c, pl.ds(r * RP_ + s * P_, P_)], sem_scr)

        @pl.when(r + 1 < rounds)
        def _prefetch():
            pos_copy(r + 1, 1 - pb).start()
            imp_copy(r + 1).start()

        pltpu.sync_copy(prodidx, sp_idx.at[pl.ds(par + s * P_, P_)])
        cp_scr.wait()
        imp_copy(r).wait()
        plsc.subcore_barrier()

        vpar = (r % 3) * RP_
        cp_ci0 = pltpu.async_copy(sp_idx.at[pl.ds(par, HB_)],
                                  considx.at[pl.ds(0, HB_)], sem_h0)
        cp_ci1 = pltpu.async_copy(sp_idx.at[pl.ds(par + HB_, HB_)],
                                  considx.at[pl.ds(HB_, HB_)], sem_h1)
        cp_cv = pltpu.async_copy(sp_val.at[pl.ds(vpar, HB_)],
                                 consval, sem_cv)

        def add_half(h):
            @plsc.parallel_loop(0, HV_, unroll=16)
            def _add(j):
                vidx = considx[pl.ds(h * HB_ + j * LANES_, LANES_)]
                vval = consval[pl.ds(j * LANES_, LANES_)]
                own = (vidx >> 16) == s
                plsc.addupdate_scatter(subgrid, [vidx & (TILEG_ - 1)], vval,
                                       mask=own)

        cp_ci0.wait()
        cp_cv.wait()
        add_half(0)
        pltpu.sync_copy(sp_val.at[pl.ds(vpar + HB_, HB_)], consval)
        cp_ci1.wait()
        add_half(1)

    plsc.subcore_barrier()

    @pl.loop(0, rounds)
    def _p2(r):
        base = chunkbase + r * P_
        cp_h0 = pltpu.async_copy(
            idxscr_hbm.at[c, pl.ds(r * RP_, HB_)],
            considx.at[pl.ds(0, HB_)], sem_h0)
        cp_h1 = pltpu.async_copy(
            idxscr_hbm.at[c, pl.ds(r * RP_ + HB_, HB_)],
            considx.at[pl.ds(HB_, HB_)], sem_h1)

        def answer_half(h):
            @plsc.parallel_loop(0, HV_, unroll=16)
            def _ans(j):
                vidx = considx[pl.ds(h * HB_ + j * LANES_, LANES_)]
                own = (vidx >> 16) == s
                lidx = jnp.where(own, vidx & (TILEG_ - 1), TILEG_)
                consval[pl.ds(j * LANES_, LANES_)] = (
                    plsc.load_gather(subgrid, [lidx]))
            return [pltpu.async_copy(
                consval.at[pl.ds(p * P_, P_)],
                sp_resp.at[pl.ds(((h * 8 + p) * NS_ + s) * P_, P_)],
                sem_resp) for p in range(8)]

        cp_h0.wait()
        resp_cp = answer_half(0)
        cp_h1.wait()
        for cp in resp_cp:
            cp.wait()
        resp_cp = answer_half(1)
        for cp in resp_cp:
            cp.wait()
        plsc.subcore_barrier()

        for h in range(2):
            pltpu.sync_copy(
                sp_resp.at[pl.ds((s * NS_ + h * 8) * P_, 8 * P_)],
                resp8.at[pl.ds(0, 8 * P_)])

            @plsc.parallel_loop(0, NVEC_, unroll=8)
            def _comb(j):
                slot = lane + j * LANES_
                vidx = considx[pl.ds(s * P_ + j * LANES_, LANES_)]
                dloc = (vidx >> 16) - h * 8
                inh = (dloc >= 0) & (dloc < 8)
                rv = plsc.load_gather(
                    resp8, [jnp.where(inh, dloc, 8) * P_ + slot])
                val = jnp.where(inh, rv, jnp.float32(0.0))
                if h == 0:
                    outbuf[pl.ds(j * LANES_, LANES_)] = val
                else:
                    prev = outbuf[pl.ds(j * LANES_, LANES_)]
                    outbuf[pl.ds(j * LANES_, LANES_)] = prev + val

        pltpu.sync_copy(outbuf, out_hbm.at[c, pl.ds(base, P_)])
        plsc.subcore_barrier()


def kernel(positions, importances, grid_values):
    n = positions.shape[0]
    pos_flat = positions.reshape(-1)
    imp_flat = importances.reshape(-1)
    gv = grid_values.reshape(-1)
    mesh = plsc.VectorSubcoreMesh(core_axis_name="c", subcore_axis_name="s",
                                  num_cores=NC_, num_subcores=NS_)
    out, _ = pl.kernel(
        functools.partial(_sc_body, n),
        out_type=(jax.ShapeDtypeStruct((NC_, n), jnp.float32),
                  jax.ShapeDtypeStruct((NC_, n), jnp.int32)),
        mesh=mesh,
        compiler_params=pltpu.CompilerParams(needs_layout_passes=False),
        scratch_types=[
            pltpu.VMEM((2 * P_ * 3,), jnp.float32),
            pltpu.VMEM((P_,), jnp.int32),
            pltpu.VMEM((RP_,), jnp.int32),
            pltpu.VMEM((HB_,), jnp.float32),
            pltpu.VMEM((9 * P_,), jnp.float32),
            pltpu.VMEM((P_,), jnp.float32),
            pltpu.VMEM((TILEG_ + LANES_,), jnp.float32),
            pltpu.VMEM_SHARED((2 * RP_,), jnp.int32),
            pltpu.VMEM_SHARED((3 * RP_,), jnp.float32),
            pltpu.VMEM_SHARED((NS_ * RP_,), jnp.float32),
            pltpu.SemaphoreType.DMA,
            pltpu.SemaphoreType.DMA,
            pltpu.SemaphoreType.DMA,
            pltpu.SemaphoreType.DMA,
            pltpu.SemaphoreType.DMA,
            pltpu.SemaphoreType.DMA,
            pltpu.SemaphoreType.DMA,
            pltpu.SemaphoreType.DMA,
        ],
    )(pos_flat, imp_flat, gv)
    return (out[0] + out[1]).reshape(n, 1)

# --- scband reference (transcript-rebuilt; emitter-appended) ---
"""Pipeline reference for scband-nearest-grid-sampler-88837103551029 (READ-ONLY COPY).

The authoritative reference and input builder live on the scoring server;
editing this copy changes nothing except your own understanding.
"""

import jax, jax.numpy as jnp
import numpy as np

RES = 128
CENTER = jnp.array([0.0, 0.0, 0.0], dtype=jnp.float32)
SCALE = 1.0


def _voxel_indices(positions):
    # Nearest-grid voxelization: grid spans [center - scale, center + scale] per axis.
    lo = CENTER - SCALE
    size = 2.0 * SCALE
    u = (positions - lo) / size
    ijk = jnp.clip(jnp.floor(u * RES).astype(jnp.int32), 0, RES - 1)
    lin = (ijk[..., 0] * RES + ijk[..., 1]) * RES + ijk[..., 2]
    return lin


def setup_inputs(seed: int = 0) -> dict:
    key = jax.random.key(seed)
    k1, k2 = jax.random.split(key)
    N = 4194304
    positions = jax.random.uniform(k1, (N, 3), dtype=jnp.float32, minval=-1.0, maxval=1.0)
    importances = jax.random.uniform(k2, (N, 1), dtype=jnp.float32)
    # Grid state buffer (resolution^3 voxels, feature_dim=1), starts at zero like NearestGrid.reset()
    grid_values = jnp.zeros((RES * RES * RES, 1), dtype=jnp.float32)
    return {"positions": positions, "importances": importances, "grid_values": grid_values}


def reference(positions, importances, grid_values):
    # aggregate(): scatter-add importances into nearest voxel cells
    lin = _voxel_indices(positions)
    grid = grid_values.at[lin].add(importances)
    # get_density(): gather grid values at the nearest voxel of each query position
    density = grid[lin]
    return density

if __name__ == "__main__":
    import jax
    _d = setup_inputs()
    print(jax.jit(kernel)(*tuple(_d.values())))

</pallas_src>

<mosaic_0001>
#map = affine_map<(d0, d1) -> (0)>
#map1 = affine_map<(d0, d1) -> (0, 0)>
module attributes {stable_mosaic.version = 14 : i64} {
  func.func @_sc_body(%arg0: i32, %arg1: i32, %arg2: memref<12582912xf32, #tpu.memory_space<hbm>>, %arg3: memref<4194304xf32, #tpu.memory_space<hbm>>, %arg4: memref<2097152xf32, #tpu.memory_space<hbm>>, %arg5: memref<2x4194304xf32, #tpu.memory_space<hbm>>, %arg6: memref<2x4194304xi32, #tpu.memory_space<hbm>>, %arg7: memref<6144xf32, #tpu.memory_space<vmem>>, %arg8: memref<1024xi32, #tpu.memory_space<vmem>>, %arg9: memref<16384xi32, #tpu.memory_space<vmem>>, %arg10: memref<8192xf32, #tpu.memory_space<vmem>>, %arg11: memref<9216xf32, #tpu.memory_space<vmem>>, %arg12: memref<1024xf32, #tpu.memory_space<vmem>>, %arg13: memref<65552xf32, #tpu.memory_space<vmem>>, %arg14: memref<32768xi32, #tpu.memory_space<vmem_shared>>, %arg15: memref<49152xf32, #tpu.memory_space<vmem_shared>>, %arg16: memref<262144xf32, #tpu.memory_space<vmem_shared>>, %arg17: memref<!tpu.dma_semaphore, #tpu.memory_space<semaphore_mem>>, %arg18: memref<!tpu.dma_semaphore, #tpu.memory_space<semaphore_mem>>, %arg19: memref<!tpu.dma_semaphore, #tpu.memory_space<semaphore_mem>>, %arg20: memref<!tpu.dma_semaphore, #tpu.memory_space<semaphore_mem>>, %arg21: memref<!tpu.dma_semaphore, #tpu.memory_space<semaphore_mem>>, %arg22: memref<!tpu.dma_semaphore, #tpu.memory_space<semaphore_mem>>, %arg23: memref<!tpu.dma_semaphore, #tpu.memory_space<semaphore_mem>>, %arg24: memref<!tpu.dma_semaphore, #tpu.memory_space<semaphore_mem>>) attributes {dimension_semantics = [#tpu.dimension_semantics<core_parallel>, #tpu.dimension_semantics<subcore_parallel>], iteration_bounds = array<i64: 2, 16>, scalar_prefetch = 0 : i64, scratch_operands = 18 : i64, tpu.core_type = #tpu.core_type<sc_vector_subcore>, window_params = [{transform_indices = #map}, {transform_indices = #map}, {transform_indices = #map}, {transform_indices = #map1}, {transform_indices = #map1}]} {
    %mul3A = arith.constant 1048576 : i32
    %mul3A_0 = arith.muli %arg0, %mul3A : i32
    %iota3A = tpu.iota {dimensions = array<i32: 0>} : vector<16xi32>
    %mul3A_1 = arith.constant 3 : i32
    %mul3A_2 = vector.broadcast %mul3A_1 : i32 to vector<16xi32>
    %mul3A_3 = arith.muli %iota3A, %mul3A_2 : vector<16xi32>
    %mul3A_4 = arith.constant 65536 : i32
    %mul3A_5 = arith.muli %arg1, %mul3A_4 : i32
    %add3A = arith.addi %mul3A_0, %mul3A_5 : i32
    "tpu.region"() ({
      %run_scoped3A = tpu.sem_alloc : memref<!tpu.dma_semaphore, #tpu.memory_space<semaphore_mem>>
      %dma_start3A_37 = arith.constant 0 : i32
      %dma_start3A_38 = tpu.memref_slice %arg13[%dma_start3A_37] : memref<65552xf32, #tpu.memory_space<vmem>> -> memref<65536xf32, #tpu.memory_space<vmem>>
      %dma_start3A_39 = tpu.memref_slice %arg4[%add3A] : memref<2097152xf32, #tpu.memory_space<hbm>> -> memref<65536xf32, #tpu.memory_space<hbm>>
      %dma_start3A_40 = arith.constant 0 : i32
      %dma_start3A_41 = tpu.memref_slice %arg13[%dma_start3A_40] : memref<65552xf32, #tpu.memory_space<vmem>> -> memref<65536xf32, #tpu.memory_space<vmem>>
      %dma_start3A_42 = tpu.memref_slice %arg4[%add3A] : memref<2097152xf32, #tpu.memory_space<hbm>> -> memref<65536xf32, #tpu.memory_space<hbm>>
      tpu.enqueue_dma source(%dma_start3A_42 : memref<65536xf32, #tpu.memory_space<hbm>>) target(%dma_start3A_41 : memref<65536xf32, #tpu.memory_space<vmem>>) target_semaphore(%run_scoped3A : memref<!tpu.dma_semaphore, #tpu.memory_space<semaphore_mem>>)
      %dma_wait3A = arith.constant 0 : i32
      %dma_wait3A_43 = tpu.memref_slice %arg13[%dma_wait3A] : memref<65552xf32, #tpu.memory_space<vmem>> -> memref<65536xf32, #tpu.memory_space<vmem>>
      %dma_wait3A_44 = tpu.memref_slice %arg4[%add3A] : memref<2097152xf32, #tpu.memory_space<hbm>> -> memref<65536xf32, #tpu.memory_space<hbm>>
      %dma_wait3A_45 = arith.constant 0 : i32
      %dma_wait3A_46 = tpu.memref_slice %arg13[%dma_wait3A_45] : memref<65552xf32, #tpu.memory_space<vmem>> -> memref<65536xf32, #tpu.memory_space<vmem>>
      %dma_wait3A_47 = tpu.memref_slice %arg4[%add3A] : memref<2097152xf32, #tpu.memory_space<hbm>> -> memref<65536xf32, #tpu.memory_space<hbm>>
      tpu.wait_dma2 semaphore(%run_scoped3A : memref<!tpu.dma_semaphore, #tpu.memory_space<semaphore_mem>>) src(%dma_wait3A_47 : memref<65536xf32, #tpu.memory_space<hbm>>) dst(%dma_wait3A_46 : memref<65536xf32, #tpu.memory_space<vmem>>)
      tpu.yield
    }) : () -> ()
    %broadcast_in_dim3A = arith.constant 0.000000e+00 : f32
    %broadcast_in_dim3A_6 = vector.broadcast %broadcast_in_dim3A : f32 to vector<16xf32>
    %swap3A = arith.constant 65536 : index
    %swap3A_7 = tpu.vector_load %arg13[%swap3A] {strides = array<i32>} : memref<65552xf32, #tpu.memory_space<vmem>>, vector<16xf32>,
    tpu.vector_store %arg13[%swap3A], %broadcast_in_dim3A_6 {strides = array<i32>} : memref<65552xf32, #tpu.memory_space<vmem>>, vector<16xf32>,
    %barrier3A = arith.constant 0 : index
    tpu.barrier barrier_id(%barrier3A)
    %mul3A_8 = arith.constant 262144 : i32
    %mul3A_9 = arith.muli %arg1, %mul3A_8 : i32
    %add3A_10 = arith.constant 0 : i32
    %add3A_11 = arith.addi %mul3A_9, %add3A_10 : i32
    %mul3A_12 = arith.constant 3 : i32
    %mul3A_13 = arith.muli %add3A_11, %mul3A_12 : i32
    %dma_start3A = arith.constant 0 : i32
    %dma_start3A_14 = tpu.memref_slice %arg7[%dma_start3A] : memref<6144xf32, #tpu.memory_space<vmem>> -> memref<3072xf32, #tpu.memory_space<vmem>>
    %dma_start3A_15 = tpu.memref_slice %arg2[%mul3A_13] : memref<12582912xf32, #tpu.memory_space<hbm>> -> memref<3072xf32, #tpu.memory_space<hbm>>
    %dma_start3A_16 = arith.constant 0 : i32
    %dma_start3A_17 = tpu.memref_slice %arg7[%dma_start3A_16] : memref<6144xf32, #tpu.memory_space<vmem>> -> memref<3072xf32, #tpu.memory_space<vmem>>
    %dma_start3A_18 = tpu.memref_slice %arg2[%mul3A_13] : memref<12582912xf32, #tpu.memory_space<hbm>> -> memref<3072xf32, #tpu.memory_space<hbm>>
    tpu.enqueue_dma source(%dma_start3A_18 : memref<3072xf32, #tpu.memory_space<hbm>>) target(%dma_start3A_17 : memref<3072xf32, #tpu.memory_space<vmem>>) target_semaphore(%arg17 : memref<!tpu.dma_semaphore, #tpu.memory_space<semaphore_mem>>)
    %add3A_19 = arith.constant 0 : i32
    %add3A_20 = arith.addi %mul3A_9, %add3A_19 : i32
    %mul3A_21 = arith.constant 1024 : i32
    %mul3A_22 = arith.muli %arg1, %mul3A_21 : i32
    %add3A_23 = arith.constant 0 : i32
    %add3A_24 = arith.addi %add3A_23, %mul3A_22 : i32
    %dma_start3A_25 = tpu.memref_slice %arg15[%add3A_24] : memref<49152xf32, #tpu.memory_space<vmem_shared>> -> memref<1024xf32, #tpu.memory_space<vmem_shared>>
    %dma_start3A_26 = tpu.memref_slice %arg3[%add3A_20] : memref<4194304xf32, #tpu.memory_space<hbm>> -> memref<1024xf32, #tpu.memory_space<hbm>>
    tpu.enqueue_dma source(%dma_start3A_26 : memref<1024xf32, #tpu.memory_space<hbm>>) target(%dma_start3A_25 : memref<1024xf32, #tpu.memory_space<vmem_shared>>) target_semaphore(%arg18 : memref<!tpu.dma_semaphore, #tpu.memory_space<semaphore_mem>>)
    %scan3A = arith.constant 0 : i32
    %scan3A_27 = arith.constant 256 : i32
    %scan3A_28 = arith.addi %scan3A, %scan3A_27 : i32
    %scan3A_29 = arith.constant 1 : i32
    scf.for %scan3A_37 = %scan3A to %scan3A_28 step %scan3A_29  : i32 {
      %mul3A_38 = arith.constant 1 : i32
      %mul3A_39 = arith.muli %scan3A_37, %mul3A_38 : i32
      %add3A_40 = arith.constant 0 : i32
      %add3A_41 = arith.addi %add3A_40, %mul3A_39 : i32
      %jit3A = arith.constant 2 : i32
      %eq3A = arith.constant 0 : i32
      %eq3A_42 = arith.cmpi eq, %jit3A, %eq3A : i32
      %jit3A_43 = arith.constant 1 : i32
      %select_n3A = arith.select %eq3A_42, %jit3A_43, %jit3A : i32
      %rem3A = arith.remsi %add3A_41, %select_n3A : i32
      %ne3A = arith.constant 0 : i32
      %ne3A_44 = arith.cmpi ne, %rem3A, %ne3A : i32
      %lt3A = arith.constant 0 : i32
      %lt3A_45 = arith.cmpi slt, %rem3A, %lt3A : i32
      %lt3A_46 = arith.constant 0 : i32
      %lt3A_47 = arith.cmpi slt, %select_n3A, %lt3A_46 : i32
      %ne3A_48 = arith.xori %lt3A_45, %lt3A_47 : i1
      %and3A = arith.andi %ne3A_48, %ne3A_44 : i1
      %add3A_49 = arith.addi %rem3A, %select_n3A : i32
      %select_n3A_50 = arith.select %and3A, %add3A_49, %rem3A : i32
      %jit3A_51 = arith.constant 2 : i32
      %eq3A_52 = arith.constant 0 : i32
      %eq3A_53 = arith.cmpi eq, %jit3A_51, %eq3A_52 : i32
      %jit3A_54 = arith.constant 1 : i32
      %select_n3A_55 = arith.select %eq3A_53, %jit3A_54, %jit3A_51 : i32
      %rem3A_56 = arith.remsi %add3A_41, %select_n3A_55 : i32
      %ne3A_57 = arith.constant 0 : i32
      %ne3A_58 = arith.cmpi ne, %rem3A_56, %ne3A_57 : i32
      %lt3A_59 = arith.constant 0 : i32
      %lt3A_60 = arith.cmpi slt, %rem3A_56, %lt3A_59 : i32
      %lt3A_61 = arith.constant 0 : i32
      %lt3A_62 = arith.cmpi slt, %select_n3A_55, %lt3A_61 : i32
      %ne3A_63 = arith.xori %lt3A_60, %lt3A_62 : i1
      %and3A_64 = arith.andi %ne3A_63, %ne3A_58 : i1
      %add3A_65 = arith.addi %rem3A_56, %select_n3A_55 : i32
      %select_n3A_66 = arith.select %and3A_64, %add3A_65, %rem3A_56 : i32
      %mul3A_67 = arith.constant 16384 : i32
      %mul3A_68 = arith.muli %select_n3A_66, %mul3A_67 : i32
      %mul3A_69 = arith.constant 1024 : i32
      %mul3A_70 = arith.muli %add3A_41, %mul3A_69 : i32
      %add3A_71 = arith.addi %mul3A_9, %mul3A_70 : i32
      %mul3A_72 = arith.constant 3 : i32
      %mul3A_73 = arith.muli %add3A_71, %mul3A_72 : i32
      %mul3A_74 = arith.constant 3072 : i32
      %mul3A_75 = arith.muli %select_n3A_50, %mul3A_74 : i32
      %dma_wait3A = tpu.memref_slice %arg7[%mul3A_75] : memref<6144xf32, #tpu.memory_space<vmem>> -> memref<3072xf32, #tpu.memory_space<vmem>>
      %dma_wait3A_76 = tpu.memref_slice %arg2[%mul3A_73] : memref<12582912xf32, #tpu.memory_space<hbm>> -> memref<3072xf32, #tpu.memory_space<hbm>>
      %dma_wait3A_77 = tpu.memref_slice %arg7[%mul3A_75] : memref<6144xf32, #tpu.memory_space<vmem>> -> memref<3072xf32, #tpu.memory_space<vmem>>
      %dma_wait3A_78 = tpu.memref_slice %arg2[%mul3A_73] : memref<12582912xf32, #tpu.memory_space<hbm>> -> memref<3072xf32, #tpu.memory_space<hbm>>
      tpu.wait_dma2 semaphore(%arg17 : memref<!tpu.dma_semaphore, #tpu.memory_space<semaphore_mem>>) src(%dma_wait3A_78 : memref<3072xf32, #tpu.memory_space<hbm>>) dst(%dma_wait3A_77 : memref<3072xf32, #tpu.memory_space<vmem>>)
      %parallel_loop3A = arith.constant 0 : i32
      %parallel_loop3A_79 = arith.constant 64 : i32
      %parallel_loop3A_80 = arith.constant 1 : i32
      scf.for %parallel_loop3A_185 = %parallel_loop3A to %parallel_loop3A_79 step %parallel_loop3A_80  : i32 {
        %parallel_loop3A_186 = arith.constant 3072 : i32
        %parallel_loop3A_187 = arith.muli %select_n3A_50, %parallel_loop3A_186 : i32
        %parallel_loop3A_188 = arith.constant 48 : i32
        %parallel_loop3A_189 = arith.muli %parallel_loop3A_185, %parallel_loop3A_188 : i32
        %parallel_loop3A_190 = arith.addi %parallel_loop3A_187, %parallel_loop3A_189 : i32
        %parallel_loop3A_191 = vector.broadcast %parallel_loop3A_190 : i32 to vector<16xi32>
        %parallel_loop3A_192 = arith.addi %mul3A_3, %parallel_loop3A_191 : vector<16xi32>
        %parallel_loop3A_193 = tpu.vector_load_idx %arg7[%parallel_loop3A_192] : memref<6144xf32, #tpu.memory_space<vmem>>[vector<16xi32>], vector<16xf32>,
        %parallel_loop3A_194 = arith.constant 1 : i32
        %parallel_loop3A_195 = arith.addi %parallel_loop3A_190, %parallel_loop3A_194 : i32
        %parallel_loop3A_196 = vector.broadcast %parallel_loop3A_195 : i32 to vector<16xi32>
        %parallel_loop3A_197 = arith.addi %mul3A_3, %parallel_loop3A_196 : vector<16xi32>
        %parallel_loop3A_198 = tpu.vector_load_idx %arg7[%parallel_loop3A_197] : memref<6144xf32, #tpu.memory_space<vmem>>[vector<16xi32>], vector<16xf32>,
        %parallel_loop3A_199 = arith.constant 2 : i32
        %parallel_loop3A_200 = arith.addi %parallel_loop3A_190, %parallel_loop3A_199 : i32
        %parallel_loop3A_201 = vector.broadcast %parallel_loop3A_200 : i32 to vector<16xi32>
        %parallel_loop3A_202 = arith.addi %mul3A_3, %parallel_loop3A_201 : vector<16xi32>
        %parallel_loop3A_203 = tpu.vector_load_idx %arg7[%parallel_loop3A_202] : memref<6144xf32, #tpu.memory_space<vmem>>[vector<16xi32>], vector<16xf32>,
        %parallel_loop3A_204 = arith.constant 1.000000e+00 : f32
        %parallel_loop3A_205 = vector.broadcast %parallel_loop3A_204 : f32 to vector<16xf32>
        %parallel_loop3A_206 = arith.addf %parallel_loop3A_193, %parallel_loop3A_205 : vector<16xf32>
        %parallel_loop3A_207 = arith.constant 5.000000e-01 : f32
        %parallel_loop3A_208 = vector.broadcast %parallel_loop3A_207 : f32 to vector<16xf32>
        %parallel_loop3A_209 = arith.mulf %parallel_loop3A_206, %parallel_loop3A_208 : vector<16xf32>
        %parallel_loop3A_210 = arith.constant 1.280000e+02 : f32
        %parallel_loop3A_211 = vector.broadcast %parallel_loop3A_210 : f32 to vector<16xf32>
        %parallel_loop3A_212 = arith.mulf %parallel_loop3A_209, %parallel_loop3A_211 : vector<16xf32>
        %parallel_loop3A_213 = arith.fptosi %parallel_loop3A_212 : vector<16xf32> to vector<16xi32>
        %parallel_loop3A_214 = arith.constant 0 : i32
        %parallel_loop3A_215 = arith.constant 127 : i32
        %parallel_loop3A_216 = vector.broadcast %parallel_loop3A_214 : i32 to vector<16xi32>
        %parallel_loop3A_217 = arith.maxsi %parallel_loop3A_216, %parallel_loop3A_213 : vector<16xi32>
        %parallel_loop3A_218 = vector.broadcast %parallel_loop3A_215 : i32 to vector<16xi32>
        %parallel_loop3A_219 = arith.minsi %parallel_loop3A_218, %parallel_loop3A_217 : vector<16xi32>
        %parallel_loop3A_220 = arith.constant 128 : i32
        %parallel_loop3A_221 = vector.broadcast %parallel_loop3A_220 : i32 to vector<16xi32>
        %parallel_loop3A_222 = arith.muli %parallel_loop3A_219, %parallel_loop3A_221 : vector<16xi32>
        %parallel_loop3A_223 = arith.constant 1.000000e+00 : f32
        %parallel_loop3A_224 = vector.broadcast %parallel_loop3A_223 : f32 to vector<16xf32>
        %parallel_loop3A_225 = arith.addf %parallel_loop3A_198, %parallel_loop3A_224 : vector<16xf32>
        %parallel_loop3A_226 = arith.constant 5.000000e-01 : f32
        %parallel_loop3A_227 = vector.broadcast %parallel_loop3A_226 : f32 to vector<16xf32>
        %parallel_loop3A_228 = arith.mulf %parallel_loop3A_225, %parallel_loop3A_227 : vector<16xf32>
        %parallel_loop3A_229 = arith.constant 1.280000e+02 : f32
        %parallel_loop3A_230 = vector.broadcast %parallel_loop3A_229 : f32 to vector<16xf32>
        %parallel_loop3A_231 = arith.mulf %parallel_loop3A_228, %parallel_loop3A_230 : vector<16xf32>
        %parallel_loop3A_232 = arith.fptosi %parallel_loop3A_231 : vector<16xf32> to vector<16xi32>
        %parallel_loop3A_233 = arith.constant 0 : i32
        %parallel_loop3A_234 = arith.constant 127 : i32
        %parallel_loop3A_235 = vector.broadcast %parallel_loop3A_233 : i32 to vector<16xi32>
        %parallel_loop3A_236 = arith.maxsi %parallel_loop3A_235, %parallel_loop3A_232 : vector<16xi32>
        %parallel_loop3A_237 = vector.broadcast %parallel_loop3A_234 : i32 to vector<16xi32>
        %parallel_loop3A_238 = arith.minsi %parallel_loop3A_237, %parallel_loop3A_236 : vector<16xi32>
        %parallel_loop3A_239 = arith.addi %parallel_loop3A_222, %parallel_loop3A_238 : vector<16xi32>
        %parallel_loop3A_240 = arith.constant 128 : i32
        %parallel_loop3A_241 = vector.broadcast %parallel_loop3A_240 : i32 to vector<16xi32>
        %parallel_loop3A_242 = arith.muli %parallel_loop3A_239, %parallel_loop3A_241 : vector<16xi32>
        %parallel_loop3A_243 = arith.constant 1.000000e+00 : f32
        %parallel_loop3A_244 = vector.broadcast %parallel_loop3A_243 : f32 to vector<16xf32>
        %parallel_loop3A_245 = arith.addf %parallel_loop3A_203, %parallel_loop3A_244 : vector<16xf32>
        %parallel_loop3A_246 = arith.constant 5.000000e-01 : f32
        %parallel_loop3A_247 = vector.broadcast %parallel_loop3A_246 : f32 to vector<16xf32>
        %parallel_loop3A_248 = arith.mulf %parallel_loop3A_245, %parallel_loop3A_247 : vector<16xf32>
        %parallel_loop3A_249 = arith.constant 1.280000e+02 : f32
        %parallel_loop3A_250 = vector.broadcast %parallel_loop3A_249 : f32 to vector<16xf32>
        %parallel_loop3A_251 = arith.mulf %parallel_loop3A_248, %parallel_loop3A_250 : vector<16xf32>
        %parallel_loop3A_252 = arith.fptosi %parallel_loop3A_251 : vector<16xf32> to vector<16xi32>
        %parallel_loop3A_253 = arith.constant 0 : i32
        %parallel_loop3A_254 = arith.constant 127 : i32
        %parallel_loop3A_255 = vector.broadcast %parallel_loop3A_253 : i32 to vector<16xi32>
        %parallel_loop3A_256 = arith.maxsi %parallel_loop3A_255, %parallel_loop3A_252 : vector<16xi32>
        %parallel_loop3A_257 = vector.broadcast %parallel_loop3A_254 : i32 to vector<16xi32>
        %parallel_loop3A_258 = arith.minsi %parallel_loop3A_257, %parallel_loop3A_256 : vector<16xi32>
        %parallel_loop3A_259 = arith.addi %parallel_loop3A_242, %parallel_loop3A_258 : vector<16xi32>
        %parallel_loop3A_260 = vector.broadcast %mul3A_0 : i32 to vector<16xi32>
        %parallel_loop3A_261 = arith.cmpi sge, %parallel_loop3A_259, %parallel_loop3A_260 : vector<16xi32>
        %parallel_loop3A_262 = arith.constant 1048576 : i32
        %parallel_loop3A_263 = arith.addi %mul3A_0, %parallel_loop3A_262 : i32
        %parallel_loop3A_264 = vector.broadcast %parallel_loop3A_263 : i32 to vector<16xi32>
        %parallel_loop3A_265 = arith.cmpi slt, %parallel_loop3A_259, %parallel_loop3A_264 : vector<16xi32>
        %parallel_loop3A_266 = arith.andi %parallel_loop3A_261, %parallel_loop3A_265 : vector<16xi1>
        %parallel_loop3A_267 = vector.broadcast %mul3A_0 : i32 to vector<16xi32>
        %parallel_loop3A_268 = arith.subi %parallel_loop3A_259, %parallel_loop3A_267 : vector<16xi32>
        %parallel_loop3A_269 = arith.constant 1048576 : i32
        %parallel_loop3A_270 = vector.broadcast %parallel_loop3A_269 : i32 to vector<16xi32>
        %parallel_loop3A_271 = arith.select %parallel_loop3A_266, %parallel_loop3A_268, %parallel_loop3A_270 : vector<16xi1>, vector<16xi32>
        %parallel_loop3A_272 = arith.constant 16 : i32
        %parallel_loop3A_273 = arith.muli %parallel_loop3A_185, %parallel_loop3A_272 : i32
        %parallel_loop3A_274 = arith.index_cast %parallel_loop3A_273 : i32 to index
        %parallel_loop3A_275 = tpu.vector_load %arg8[%parallel_loop3A_274] {strides = array<i32>} : memref<1024xi32, #tpu.memory_space<vmem>>, vector<16xi32>,
        tpu.vector_store %arg8[%parallel_loop3A_274], %parallel_loop3A_271 {strides = array<i32>} : memref<1024xi32, #tpu.memory_space<vmem>>, vector<16xi32>,
      } {sc.loop_unroll_factor = 8 : i64, sc.parallel_access}
      %mul3A_81 = arith.constant 16384 : i32
      %mul3A_82 = arith.muli %add3A_41, %mul3A_81 : i32
      %mul3A_83 = arith.constant 1024 : i32
      %mul3A_84 = arith.muli %arg1, %mul3A_83 : i32
      %add3A_85 = arith.addi %mul3A_82, %mul3A_84 : i32
      %dma_start3A_86 = tpu.memref_slice %arg6[%arg0, %add3A_85] : memref<2x4194304xi32, #tpu.memory_space<hbm>> -> memref<1x1024xi32, #tpu.memory_space<hbm>>
      %dma_start3A_87 = tpu.memref_squeeze %dma_start3A_86 : memref<1x1024xi32, #tpu.memory_space<hbm>> -> memref<1024xi32, #tpu.memory_space<hbm>>
      %dma_start3A_88 = tpu.memref_slice %arg6[%arg0, %add3A_85] : memref<2x4194304xi32, #tpu.memory_space<hbm>> -> memref<1x1024xi32, #tpu.memory_space<hbm>>
      %dma_start3A_89 = tpu.memref_squeeze %dma_start3A_88 : memref<1x1024xi32, #tpu.memory_space<hbm>> -> memref<1024xi32, #tpu.memory_space<hbm>>
      tpu.enqueue_dma source(%arg8 : memref<1024xi32, #tpu.memory_space<vmem>>) target(%dma_start3A_89 : memref<1024xi32, #tpu.memory_space<hbm>>) target_semaphore(%arg19 : memref<!tpu.dma_semaphore, #tpu.memory_space<semaphore_mem>>)
      %add3A_90 = arith.constant 1 : i32
      %add3A_91 = arith.addi %add3A_41, %add3A_90 : i32
      %lt3A_92 = arith.constant 256 : i32
      %lt3A_93 = arith.cmpi slt, %add3A_91, %lt3A_92 : i32
      %convert_element_type3A = arith.extui %lt3A_93 : i1 to i32
      %cond3A = arith.constant 0 : i32
      %cond3A_94 = arith.cmpi ne, %convert_element_type3A, %cond3A : i32
      scf.if %cond3A_94 {
        %add3A_185 = arith.constant 1 : i32
        %add3A_186 = arith.addi %add3A_41, %add3A_185 : i32
        %sub3A = arith.constant 1 : i32
        %sub3A_187 = arith.subi %sub3A, %select_n3A_50 : i32
        %mul3A_188 = arith.constant 1024 : i32
        %mul3A_189 = arith.muli %add3A_186, %mul3A_188 : i32
        %add3A_190 = arith.addi %mul3A_9, %mul3A_189 : i32
        %mul3A_191 = arith.constant 3 : i32
        %mul3A_192 = arith.muli %add3A_190, %mul3A_191 : i32
        %mul3A_193 = arith.constant 3072 : i32
        %mul3A_194 = arith.muli %sub3A_187, %mul3A_193 : i32
        %dma_start3A_195 = tpu.memref_slice %arg7[%mul3A_194] : memref<6144xf32, #tpu.memory_space<vmem>> -> memref<3072xf32, #tpu.memory_space<vmem>>
        %dma_start3A_196 = tpu.memref_slice %arg2[%mul3A_192] : memref<12582912xf32, #tpu.memory_space<hbm>> -> memref<3072xf32, #tpu.memory_space<hbm>>
        %dma_start3A_197 = tpu.memref_slice %arg7[%mul3A_194] : memref<6144xf32, #tpu.memory_space<vmem>> -> memref<3072xf32, #tpu.memory_space<vmem>>
        %dma_start3A_198 = tpu.memref_slice %arg2[%mul3A_192] : memref<12582912xf32, #tpu.memory_space<hbm>> -> memref<3072xf32, #tpu.memory_space<hbm>>
        tpu.enqueue_dma source(%dma_start3A_198 : memref<3072xf32, #tpu.memory_space<hbm>>) target(%dma_start3A_197 : memref<3072xf32, #tpu.memory_space<vmem>>) target_semaphore(%arg17 : memref<!tpu.dma_semaphore, #tpu.memory_space<semaphore_mem>>)
        %add3A_199 = arith.constant 1 : i32
        %add3A_200 = arith.addi %add3A_41, %add3A_199 : i32
        %mul3A_201 = arith.constant 1024 : i32
        %mul3A_202 = arith.muli %add3A_200, %mul3A_201 : i32
        %add3A_203 = arith.addi %mul3A_9, %mul3A_202 : i32
        %jit3A_204 = arith.constant 3 : i32
        %eq3A_205 = arith.constant 0 : i32
        %eq3A_206 = arith.cmpi eq, %jit3A_204, %eq3A_205 : i32
        %jit3A_207 = arith.constant 1 : i32
        %select_n3A_208 = arith.select %eq3A_206, %jit3A_207, %jit3A_204 : i32
        %rem3A_209 = arith.remsi %add3A_200, %select_n3A_208 : i32
        %ne3A_210 = arith.constant 0 : i32
        %ne3A_211 = arith.cmpi ne, %rem3A_209, %ne3A_210 : i32
        %lt3A_212 = arith.constant 0 : i32
        %lt3A_213 = arith.cmpi slt, %rem3A_209, %lt3A_212 : i32
        %lt3A_214 = arith.constant 0 : i32
        %lt3A_215 = arith.cmpi slt, %select_n3A_208, %lt3A_214 : i32
        %ne3A_216 = arith.xori %lt3A_213, %lt3A_215 : i1
        %and3A_217 = arith.andi %ne3A_216, %ne3A_211 : i1
        %add3A_218 = arith.addi %rem3A_209, %select_n3A_208 : i32
        %select_n3A_219 = arith.select %and3A_217, %add3A_218, %rem3A_209 : i32
        %mul3A_220 = arith.constant 16384 : i32
        %mul3A_221 = arith.muli %select_n3A_219, %mul3A_220 : i32
        %mul3A_222 = arith.constant 1024 : i32
        %mul3A_223 = arith.muli %arg1, %mul3A_222 : i32
        %add3A_224 = arith.addi %mul3A_221, %mul3A_223 : i32
        %dma_start3A_225 = tpu.memref_slice %arg15[%add3A_224] : memref<49152xf32, #tpu.memory_space<vmem_shared>> -> memref<1024xf32, #tpu.memory_space<vmem_shared>>
        %dma_start3A_226 = tpu.memref_slice %arg3[%add3A_203] : memref<4194304xf32, #tpu.memory_space<hbm>> -> memref<1024xf32, #tpu.memory_space<hbm>>
        tpu.enqueue_dma source(%dma_start3A_226 : memref<1024xf32, #tpu.memory_space<hbm>>) target(%dma_start3A_225 : memref<1024xf32, #tpu.memory_space<vmem_shared>>) target_semaphore(%arg18 : memref<!tpu.dma_semaphore, #tpu.memory_space<semaphore_mem>>)
      } else {
      }
      %mul3A_95 = arith.constant 1024 : i32
      %mul3A_96 = arith.muli %arg1, %mul3A_95 : i32
      %add3A_97 = arith.addi %mul3A_68, %mul3A_96 : i32
      "tpu.region"() ({
        %run_scoped3A = tpu.sem_alloc : memref<!tpu.dma_semaphore, #tpu.memory_space<semaphore_mem>>
        %dma_start3A_185 = tpu.memref_slice %arg14[%add3A_97] : memref<32768xi32, #tpu.memory_space<vmem_shared>> -> memref<1024xi32, #tpu.memory_space<vmem_shared>>
        %dma_start3A_186 = tpu.memref_slice %arg14[%add3A_97] : memref<32768xi32, #tpu.memory_space<vmem_shared>> -> memref<1024xi32, #tpu.memory_space<vmem_shared>>
        tpu.enqueue_dma source(%arg8 : memref<1024xi32, #tpu.memory_space<vmem>>) target(%dma_start3A_186 : memref<1024xi32, #tpu.memory_space<vmem_shared>>) target_semaphore(%run_scoped3A : memref<!tpu.dma_semaphore, #tpu.memory_space<semaphore_mem>>)
        %dma_wait3A_187 = tpu.memref_slice %arg14[%add3A_97] : memref<32768xi32, #tpu.memory_space<vmem_shared>> -> memref<1024xi32, #tpu.memory_space<vmem_shared>>
        %dma_wait3A_188 = tpu.memref_slice %arg14[%add3A_97] : memref<32768xi32, #tpu.memory_space<vmem_shared>> -> memref<1024xi32, #tpu.memory_space<vmem_shared>>
        tpu.wait_dma2 semaphore(%run_scoped3A : memref<!tpu.dma_semaphore, #tpu.memory_space<semaphore_mem>>) src(%arg8 : memref<1024xi32, #tpu.memory_space<vmem>>) dst(%dma_wait3A_188 : memref<1024xi32, #tpu.memory_space<vmem_shared>>)
        tpu.yield
      }) : () -> ()
      %dma_wait3A_98 = tpu.memref_slice %arg6[%arg0, %add3A_85] : memref<2x4194304xi32, #tpu.memory_space<hbm>> -> memref<1x1024xi32, #tpu.memory_space<hbm>>
      %dma_wait3A_99 = tpu.memref_squeeze %dma_wait3A_98 : memref<1x1024xi32, #tpu.memory_space<hbm>> -> memref<1024xi32, #tpu.memory_space<hbm>>
      %dma_wait3A_100 = tpu.memref_slice %arg6[%arg0, %add3A_85] : memref<2x4194304xi32, #tpu.memory_space<hbm>> -> memref<1x1024xi32, #tpu.memory_space<hbm>>
      %dma_wait3A_101 = tpu.memref_squeeze %dma_wait3A_100 : memref<1x1024xi32, #tpu.memory_space<hbm>> -> memref<1024xi32, #tpu.memory_space<hbm>>
      tpu.wait_dma2 semaphore(%arg19 : memref<!tpu.dma_semaphore, #tpu.memory_space<semaphore_mem>>) src(%arg8 : memref<1024xi32, #tpu.memory_space<vmem>>) dst(%dma_wait3A_101 : memref<1024xi32, #tpu.memory_space<hbm>>)
      %mul3A_102 = arith.constant 1024 : i32
      %mul3A_103 = arith.muli %add3A_41, %mul3A_102 : i32
      %add3A_104 = arith.addi %mul3A_9, %mul3A_103 : i32
      %jit3A_105 = arith.constant 3 : i32
      %eq3A_106 = arith.constant 0 : i32
      %eq3A_107 = arith.cmpi eq, %jit3A_105, %eq3A_106 : i32
      %jit3A_108 = arith.constant 1 : i32
      %select_n3A_109 = arith.select %eq3A_107, %jit3A_108, %jit3A_105 : i32
      %rem3A_110 = arith.remsi %add3A_41, %select_n3A_109 : i32
      %ne3A_111 = arith.constant 0 : i32
      %ne3A_112 = arith.cmpi ne, %rem3A_110, %ne3A_111 : i32
      %lt3A_113 = arith.constant 0 : i32
      %lt3A_114 = arith.cmpi slt, %rem3A_110, %lt3A_113 : i32
      %lt3A_115 = arith.constant 0 : i32
      %lt3A_116 = arith.cmpi slt, %select_n3A_109, %lt3A_115 : i32
      %ne3A_117 = arith.xori %lt3A_114, %lt3A_116 : i1
      %and3A_118 = arith.andi %ne3A_117, %ne3A_112 : i1
      %add3A_119 = arith.addi %rem3A_110, %select_n3A_109 : i32
      %select_n3A_120 = arith.select %and3A_118, %add3A_119, %rem3A_110 : i32
      %mul3A_121 = arith.constant 16384 : i32
      %mul3A_122 = arith.muli %select_n3A_120, %mul3A_121 : i32
      %mul3A_123 = arith.constant 1024 : i32
      %mul3A_124 = arith.muli %arg1, %mul3A_123 : i32
      %add3A_125 = arith.addi %mul3A_122, %mul3A_124 : i32
      %dma_wait3A_126 = tpu.memref_slice %arg15[%add3A_125] : memref<49152xf32, #tpu.memory_space<vmem_shared>> -> memref<1024xf32, #tpu.memory_space<vmem_shared>>
      %dma_wait3A_127 = tpu.memref_slice %arg3[%add3A_104] : memref<4194304xf32, #tpu.memory_space<hbm>> -> memref<1024xf32, #tpu.memory_space<hbm>>
      tpu.wait_dma2 semaphore(%arg18 : memref<!tpu.dma_semaphore, #tpu.memory_space<semaphore_mem>>) src(%dma_wait3A_127 : memref<1024xf32, #tpu.memory_space<hbm>>) dst(%dma_wait3A_126 : memref<1024xf32, #tpu.memory_space<vmem_shared>>)
      %barrier3A_128 = arith.constant 0 : index
      tpu.barrier barrier_id(%barrier3A_128)
      %jit3A_129 = arith.constant 3 : i32
      %eq3A_130 = arith.constant 0 : i32
      %eq3A_131 = arith.cmpi eq, %jit3A_129, %eq3A_130 : i32
      %jit3A_132 = arith.constant 1 : i32
      %select_n3A_133 = arith.select %eq3A_131, %jit3A_132, %jit3A_129 : i32
      %rem3A_134 = arith.remsi %add3A_41, %select_n3A_133 : i32
      %ne3A_135 = arith.constant 0 : i32
      %ne3A_136 = arith.cmpi ne, %rem3A_134, %ne3A_135 : i32
      %lt3A_137 = arith.constant 0 : i32
      %lt3A_138 = arith.cmpi slt, %rem3A_134, %lt3A_137 : i32
      %lt3A_139 = arith.constant 0 : i32
      %lt3A_140 = arith.cmpi slt, %select_n3A_133, %lt3A_139 : i32
      %ne3A_141 = arith.xori %lt3A_138, %lt3A_140 : i1
      %and3A_142 = arith.andi %ne3A_141, %ne3A_136 : i1
      %add3A_143 = arith.addi %rem3A_134, %select_n3A_133 : i32
      %select_n3A_144 = arith.select %and3A_142, %add3A_143, %rem3A_134 : i32
      %mul3A_145 = arith.constant 16384 : i32
      %mul3A_146 = arith.muli %select_n3A_144, %mul3A_145 : i32
      %dma_start3A_147 = arith.constant 0 : i32
      %dma_start3A_148 = tpu.memref_slice %arg9[%dma_start3A_147] : memref<16384xi32, #tpu.memory_space<vmem>> -> memref<8192xi32, #tpu.memory_space<vmem>>
      %dma_start3A_149 = tpu.memref_slice %arg14[%mul3A_68] : memref<32768xi32, #tpu.memory_space<vmem_shared>> -> memref<8192xi32, #tpu.memory_space<vmem_shared>>
      %dma_start3A_150 = arith.constant 0 : i32
      %dma_start3A_151 = tpu.memref_slice %arg9[%dma_start3A_150] : memref<16384xi32, #tpu.memory_space<vmem>> -> memref<8192xi32, #tpu.memory_space<vmem>>
      %dma_start3A_152 = tpu.memref_slice %arg14[%mul3A_68] : memref<32768xi32, #tpu.memory_space<vmem_shared>> -> memref<8192xi32, #tpu.memory_space<vmem_shared>>
      tpu.enqueue_dma source(%dma_start3A_152 : memref<8192xi32, #tpu.memory_space<vmem_shared>>) target(%dma_start3A_151 : memref<8192xi32, #tpu.memory_space<vmem>>) target_semaphore(%arg22 : memref<!tpu.dma_semaphore, #tpu.memory_space<semaphore_mem>>)
      %add3A_153 = arith.constant 8192 : i32
      %add3A_154 = arith.addi %mul3A_68, %add3A_153 : i32
      %dma_start3A_155 = arith.constant 8192 : i32
      %dma_start3A_156 = tpu.memref_slice %arg9[%dma_start3A_155] : memref<16384xi32, #tpu.memory_space<vmem>> -> memref<8192xi32, #tpu.memory_space<vmem>>
      %dma_start3A_157 = tpu.memref_slice %arg14[%add3A_154] : memref<32768xi32, #tpu.memory_space<vmem_shared>> -> memref<8192xi32, #tpu.memory_space<vmem_shared>>
      %dma_start3A_158 = arith.constant 8192 : i32
      %dma_start3A_159 = tpu.memref_slice %arg9[%dma_start3A_158] : memref<16384xi32, #tpu.memory_space<vmem>> -> memref<8192xi32, #tpu.memory_space<vmem>>
      %dma_start3A_160 = tpu.memref_slice %arg14[%add3A_154] : memref<32768xi32, #tpu.memory_space<vmem_shared>> -> memref<8192xi32, #tpu.memory_space<vmem_shared>>
      tpu.enqueue_dma source(%dma_start3A_160 : memref<8192xi32, #tpu.memory_space<vmem_shared>>) target(%dma_start3A_159 : memref<8192xi32, #tpu.memory_space<vmem>>) target_semaphore(%arg23 : memref<!tpu.dma_semaphore, #tpu.memory_space<semaphore_mem>>)
      %dma_start3A_161 = tpu.memref_slice %arg15[%mul3A_146] : memref<49152xf32, #tpu.memory_space<vmem_shared>> -> memref<8192xf32, #tpu.memory_space<vmem_shared>>
      %dma_start3A_162 = tpu.memref_slice %arg15[%mul3A_146] : memref<49152xf32, #tpu.memory_space<vmem_shared>> -> memref<8192xf32, #tpu.memory_space<vmem_shared>>
      tpu.enqueue_dma source(%dma_start3A_162 : memref<8192xf32, #tpu.memory_space<vmem_shared>>) target(%arg10 : memref<8192xf32, #tpu.memory_space<vmem>>) target_semaphore(%arg21 : memref<!tpu.dma_semaphore, #tpu.memory_space<semaphore_mem>>)
      %dma_wait3A_163 = arith.constant 0 : i32
      %dma_wait3A_164 = tpu.memref_slice %arg9[%dma_wait3A_163] : memref<16384xi32, #tpu.memory_space<vmem>> -> memref<8192xi32, #tpu.memory_space<vmem>>
      %dma_wait3A_165 = tpu.memref_slice %arg14[%mul3A_68] : memref<32768xi32, #tpu.memory_space<vmem_shared>> -> memref<8192xi32, #tpu.memory_space<vmem_shared>>
      %dma_wait3A_166 = arith.constant 0 : i32
      %dma_wait3A_167 = tpu.memref_slice %arg9[%dma_wait3A_166] : memref<16384xi32, #tpu.memory_space<vmem>> -> memref<8192xi32, #tpu.memory_space<vmem>>
      %dma_wait3A_168 = tpu.memref_slice %arg14[%mul3A_68] : memref<32768xi32, #tpu.memory_space<vmem_shared>> -> memref<8192xi32, #tpu.memory_space<vmem_shared>>
      tpu.wait_dma2 semaphore(%arg22 : memref<!tpu.dma_semaphore, #tpu.memory_space<semaphore_mem>>) src(%dma_wait3A_168 : memref<8192xi32, #tpu.memory_space<vmem_shared>>) dst(%dma_wait3A_167 : memref<8192xi32, #tpu.memory_space<vmem>>)
      %dma_wait3A_169 = tpu.memref_slice %arg15[%mul3A_146] : memref<49152xf32, #tpu.memory_space<vmem_shared>> -> memref<8192xf32, #tpu.memory_space<vmem_shared>>
      %dma_wait3A_170 = tpu.memref_slice %arg15[%mul3A_146] : memref<49152xf32, #tpu.memory_space<vmem_shared>> -> memref<8192xf32, #tpu.memory_space<vmem_shared>>
      tpu.wait_dma2 semaphore(%arg21 : memref<!tpu.dma_semaphore, #tpu.memory_space<semaphore_mem>>) src(%dma_wait3A_170 : memref<8192xf32, #tpu.memory_space<vmem_shared>>) dst(%arg10 : memref<8192xf32, #tpu.memory_space<vmem>>)
      %parallel_loop3A_171 = arith.constant 0 : i32
      %parallel_loop3A_172 = arith.constant 512 : i32
      %parallel_loop3A_173 = arith.constant 1 : i32
      scf.for %parallel_loop3A_185 = %parallel_loop3A_171 to %parallel_loop3A_172 step %parallel_loop3A_173  : i32 {
        %parallel_loop3A_186 = arith.constant 16 : i32
        %parallel_loop3A_187 = arith.muli %parallel_loop3A_185, %parallel_loop3A_186 : i32
        %parallel_loop3A_188 = arith.constant 0 : i32
        %parallel_loop3A_189 = arith.addi %parallel_loop3A_188, %parallel_loop3A_187 : i32
        %parallel_loop3A_190 = arith.index_cast %parallel_loop3A_189 : i32 to index
        %parallel_loop3A_191 = tpu.vector_load %arg9[%parallel_loop3A_190] {strides = array<i32>} : memref<16384xi32, #tpu.memory_space<vmem>>, vector<16xi32>,
        %parallel_loop3A_192 = arith.constant 16 : i32
        %parallel_loop3A_193 = arith.muli %parallel_loop3A_185, %parallel_loop3A_192 : i32
        %parallel_loop3A_194 = arith.index_cast %parallel_loop3A_193 : i32 to index
        %parallel_loop3A_195 = tpu.vector_load %arg10[%parallel_loop3A_194] {strides = array<i32>} : memref<8192xf32, #tpu.memory_space<vmem>>, vector<16xf32>,
        %parallel_loop3A_196 = arith.constant 16 : i32
        %parallel_loop3A_197 = vector.broadcast %parallel_loop3A_196 : i32 to vector<16xi32>
        %parallel_loop3A_198 = arith.shrsi %parallel_loop3A_191, %parallel_loop3A_197 : vector<16xi32>
        %parallel_loop3A_199 = vector.broadcast %arg1 : i32 to vector<16xi32>
        %parallel_loop3A_200 = arith.cmpi eq, %parallel_loop3A_198, %parallel_loop3A_199 : vector<16xi32>
        %parallel_loop3A_201 = arith.constant 65535 : i32
        %parallel_loop3A_202 = vector.broadcast %parallel_loop3A_201 : i32 to vector<16xi32>
        %parallel_loop3A_203 = arith.andi %parallel_loop3A_191, %parallel_loop3A_202 : vector<16xi32>
        tpu.vector_store_idx %arg13[%parallel_loop3A_203], %parallel_loop3A_195 masked %parallel_loop3A_200 {add = true} : memref<65552xf32, #tpu.memory_space<vmem>>[vector<16xi32>], vector<16xf32>, vector<16xi1>
      } {sc.loop_unroll_factor = 16 : i64, sc.parallel_access}
      %add3A_174 = arith.constant 8192 : i32
      %add3A_175 = arith.addi %mul3A_146, %add3A_174 : i32
      "tpu.region"() ({
        %run_scoped3A = tpu.sem_alloc : memref<!tpu.dma_semaphore, #tpu.memory_space<semaphore_mem>>
        %dma_start3A_185 = tpu.memref_slice %arg15[%add3A_175] : memref<49152xf32, #tpu.memory_space<vmem_shared>> -> memref<8192xf32, #tpu.memory_space<vmem_shared>>
        %dma_start3A_186 = tpu.memref_slice %arg15[%add3A_175] : memref<49152xf32, #tpu.memory_space<vmem_shared>> -> memref<8192xf32, #tpu.memory_space<vmem_shared>>
        tpu.enqueue_dma source(%dma_start3A_186 : memref<8192xf32, #tpu.memory_space<vmem_shared>>) target(%arg10 : memref<8192xf32, #tpu.memory_space<vmem>>) target_semaphore(%run_scoped3A : memref<!tpu.dma_semaphore, #tpu.memory_space<semaphore_mem>>)
        %dma_wait3A_187 = tpu.memref_slice %arg15[%add3A_175] : memref<49152xf32, #tpu.memory_space<vmem_shared>> -> memref<8192xf32, #tpu.memory_space<vmem_shared>>
        %dma_wait3A_188 = tpu.memref_slice %arg15[%add3A_175] : memref<49152xf32, #tpu.memory_space<vmem_shared>> -> memref<8192xf32, #tpu.memory_space<vmem_shared>>
        tpu.wait_dma2 semaphore(%run_scoped3A : memref<!tpu.dma_semaphore, #tpu.memory_space<semaphore_mem>>) src(%dma_wait3A_188 : memref<8192xf32, #tpu.memory_space<vmem_shared>>) dst(%arg10 : memref<8192xf32, #tpu.memory_space<vmem>>)
        tpu.yield
      }) : () -> ()
      %dma_wait3A_176 = arith.constant 8192 : i32
      %dma_wait3A_177 = tpu.memref_slice %arg9[%dma_wait3A_176] : memref<16384xi32, #tpu.memory_space<vmem>> -> memref<8192xi32, #tpu.memory_space<vmem>>
      %dma_wait3A_178 = tpu.memref_slice %arg14[%add3A_154] : memref<32768xi32, #tpu.memory_space<vmem_shared>> -> memref<8192xi32, #tpu.memory_space<vmem_shared>>
      %dma_wait3A_179 = arith.constant 8192 : i32
      %dma_wait3A_180 = tpu.memref_slice %arg9[%dma_wait3A_179] : memref<16384xi32, #tpu.memory_space<vmem>> -> memref<8192xi32, #tpu.memory_space<vmem>>
      %dma_wait3A_181 = tpu.memref_slice %arg14[%add3A_154] : memref<32768xi32, #tpu.memory_space<vmem_shared>> -> memref<8192xi32, #tpu.memory_space<vmem_shared>>
      tpu.wait_dma2 semaphore(%arg23 : memref<!tpu.dma_semaphore, #tpu.memory_space<semaphore_mem>>) src(%dma_wait3A_181 : memref<8192xi32, #tpu.memory_space<vmem_shared>>) dst(%dma_wait3A_180 : memref<8192xi32, #tpu.memory_space<vmem>>)
      %parallel_loop3A_182 = arith.constant 0 : i32
      %parallel_loop3A_183 = arith.constant 512 : i32
      %parallel_loop3A_184 = arith.constant 1 : i32
      scf.for %parallel_loop3A_185 = %parallel_loop3A_182 to %parallel_loop3A_183 step %parallel_loop3A_184  : i32 {
        %parallel_loop3A_186 = arith.constant 16 : i32
        %parallel_loop3A_187 = arith.muli %parallel_loop3A_185, %parallel_loop3A_186 : i32
        %parallel_loop3A_188 = arith.constant 8192 : i32
        %parallel_loop3A_189 = arith.addi %parallel_loop3A_188, %parallel_loop3A_187 : i32
        %parallel_loop3A_190 = arith.index_cast %parallel_loop3A_189 : i32 to index
        %parallel_loop3A_191 = tpu.vector_load %arg9[%parallel_loop3A_190] {strides = array<i32>} : memref<16384xi32, #tpu.memory_space<vmem>>, vector<16xi32>,
        %parallel_loop3A_192 = arith.constant 16 : i32
        %parallel_loop3A_193 = arith.muli %parallel_loop3A_185, %parallel_loop3A_192 : i32
        %parallel_loop3A_194 = arith.index_cast %parallel_loop3A_193 : i32 to index
        %parallel_loop3A_195 = tpu.vector_load %arg10[%parallel_loop3A_194] {strides = array<i32>} : memref<8192xf32, #tpu.memory_space<vmem>>, vector<16xf32>,
        %parallel_loop3A_196 = arith.constant 16 : i32
        %parallel_loop3A_197 = vector.broadcast %parallel_loop3A_196 : i32 to vector<16xi32>
        %parallel_loop3A_198 = arith.shrsi %parallel_loop3A_191, %parallel_loop3A_197 : vector<16xi32>
        %parallel_loop3A_199 = vector.broadcast %arg1 : i32 to vector<16xi32>
        %parallel_loop3A_200 = arith.cmpi eq, %parallel_loop3A_198, %parallel_loop3A_199 : vector<16xi32>
        %parallel_loop3A_201 = arith.constant 65535 : i32
        %parallel_loop3A_202 = vector.broadcast %parallel_loop3A_201 : i32 to vector<16xi32>
        %parallel_loop3A_203 = arith.andi %parallel_loop3A_191, %parallel_loop3A_202 : vector<16xi32>
        tpu.vector_store_idx %arg13[%parallel_loop3A_203], %parallel_loop3A_195 masked %parallel_loop3A_200 {add = true} : memref<65552xf32, #tpu.memory_space<vmem>>[vector<16xi32>], vector<16xf32>, vector<16xi1>
      } {sc.loop_unroll_factor = 16 : i64, sc.parallel_access}
    }
    %scan3A_30 = arith.constant 256 : i32
    %barrier3A_31 = arith.constant 0 : index
    tpu.barrier barrier_id(%barrier3A_31)
    %scan3A_32 = arith.constant 0 : i32
    %scan3A_33 = arith.constant 256 : i32
    %scan3A_34 = arith.addi %scan3A_32, %scan3A_33 : i32
    %scan3A_35 = arith.constant 1 : i32
    scf.for %scan3A_37 = %scan3A_32 to %scan3A_34 step %scan3A_35  : i32 {
      %mul3A_38 = arith.constant 1 : i32
      %mul3A_39 = arith.muli %scan3A_37, %mul3A_38 : i32
      %add3A_40 = arith.constant 0 : i32
      %add3A_41 = arith.addi %add3A_40, %mul3A_39 : i32
      %mul3A_42 = arith.constant 1024 : i32
      %mul3A_43 = arith.muli %add3A_41, %mul3A_42 : i32
      %add3A_44 = arith.addi %mul3A_9, %mul3A_43 : i32
      %mul3A_45 = arith.constant 16384 : i32
      %mul3A_46 = arith.muli %add3A_41, %mul3A_45 : i32
      %dma_start3A_47 = arith.constant 0 : i32
      %dma_start3A_48 = tpu.memref_slice %arg9[%dma_start3A_47] : memref<16384xi32, #tpu.memory_space<vmem>> -> memref<8192xi32, #tpu.memory_space<vmem>>
      %dma_start3A_49 = tpu.memref_slice %arg6[%arg0, %mul3A_46] : memref<2x4194304xi32, #tpu.memory_space<hbm>> -> memref<1x8192xi32, #tpu.memory_space<hbm>>
      %dma_start3A_50 = tpu.memref_squeeze %dma_start3A_49 : memref<1x8192xi32, #tpu.memory_space<hbm>> -> memref<8192xi32, #tpu.memory_space<hbm>>
      %dma_start3A_51 = arith.constant 0 : i32
      %dma_start3A_52 = tpu.memref_slice %arg9[%dma_start3A_51] : memref<16384xi32, #tpu.memory_space<vmem>> -> memref<8192xi32, #tpu.memory_space<vmem>>
      %dma_start3A_53 = tpu.memref_slice %arg6[%arg0, %mul3A_46] : memref<2x4194304xi32, #tpu.memory_space<hbm>> -> memref<1x8192xi32, #tpu.memory_space<hbm>>
      %dma_start3A_54 = tpu.memref_squeeze %dma_start3A_53 : memref<1x8192xi32, #tpu.memory_space<hbm>> -> memref<8192xi32, #tpu.memory_space<hbm>>
      tpu.enqueue_dma source(%dma_start3A_54 : memref<8192xi32, #tpu.memory_space<hbm>>) target(%dma_start3A_52 : memref<8192xi32, #tpu.memory_space<vmem>>) target_semaphore(%arg22 : memref<!tpu.dma_semaphore, #tpu.memory_space<semaphore_mem>>)
      %mul3A_55 = arith.constant 16384 : i32
      %mul3A_56 = arith.muli %add3A_41, %mul3A_55 : i32
      %add3A_57 = arith.constant 8192 : i32
      %add3A_58 = arith.addi %mul3A_56, %add3A_57 : i32
      %dma_start3A_59 = arith.constant 8192 : i32
      %dma_start3A_60 = tpu.memref_slice %arg9[%dma_start3A_59] : memref<16384xi32, #tpu.memory_space<vmem>> -> memref<8192xi32, #tpu.memory_space<vmem>>
      %dma_start3A_61 = tpu.memref_slice %arg6[%arg0, %add3A_58] : memref<2x4194304xi32, #tpu.memory_space<hbm>> -> memref<1x8192xi32, #tpu.memory_space<hbm>>
      %dma_start3A_62 = tpu.memref_squeeze %dma_start3A_61 : memref<1x8192xi32, #tpu.memory_space<hbm>> -> memref<8192xi32, #tpu.memory_space<hbm>>
      %dma_start3A_63 = arith.constant 8192 : i32
      %dma_start3A_64 = tpu.memref_slice %arg9[%dma_start3A_63] : memref<16384xi32, #tpu.memory_space<vmem>> -> memref<8192xi32, #tpu.memory_space<vmem>>
      %dma_start3A_65 = tpu.memref_slice %arg6[%arg0, %add3A_58] : memref<2x4194304xi32, #tpu.memory_space<hbm>> -> memref<1x8192xi32, #tpu.memory_space<hbm>>
      %dma_start3A_66 = tpu.memref_squeeze %dma_start3A_65 : memref<1x8192xi32, #tpu.memory_space<hbm>> -> memref<8192xi32, #tpu.memory_space<hbm>>
      tpu.enqueue_dma source(%dma_start3A_66 : memref<8192xi32, #tpu.memory_space<hbm>>) target(%dma_start3A_64 : memref<8192xi32, #tpu.memory_space<vmem>>) target_semaphore(%arg23 : memref<!tpu.dma_semaphore, #tpu.memory_space<semaphore_mem>>)
      %dma_wait3A = arith.constant 0 : i32
      %dma_wait3A_67 = tpu.memref_slice %arg9[%dma_wait3A] : memref<16384xi32, #tpu.memory_space<vmem>> -> memref<8192xi32, #tpu.memory_space<vmem>>
      %dma_wait3A_68 = tpu.memref_slice %arg6[%arg0, %mul3A_46] : memref<2x4194304xi32, #tpu.memory_space<hbm>> -> memref<1x8192xi32, #tpu.memory_space<hbm>>
      %dma_wait3A_69 = tpu.memref_squeeze %dma_wait3A_68 : memref<1x8192xi32, #tpu.memory_space<hbm>> -> memref<8192xi32, #tpu.memory_space<hbm>>
      %dma_wait3A_70 = arith.constant 0 : i32
      %dma_wait3A_71 = tpu.memref_slice %arg9[%dma_wait3A_70] : memref<16384xi32, #tpu.memory_space<vmem>> -> memref<8192xi32, #tpu.memory_space<vmem>>
      %dma_wait3A_72 = tpu.memref_slice %arg6[%arg0, %mul3A_46] : memref<2x4194304xi32, #tpu.memory_space<hbm>> -> memref<1x8192xi32, #tpu.memory_space<hbm>>
      %dma_wait3A_73 = tpu.memref_squeeze %dma_wait3A_72 : memref<1x8192xi32, #tpu.memory_space<hbm>> -> memref<8192xi32, #tpu.memory_space<hbm>>
      tpu.wait_dma2 semaphore(%arg22 : memref<!tpu.dma_semaphore, #tpu.memory_space<semaphore_mem>>) src(%dma_wait3A_73 : memref<8192xi32, #tpu.memory_space<hbm>>) dst(%dma_wait3A_71 : memref<8192xi32, #tpu.memory_space<vmem>>)
      %parallel_loop3A = arith.constant 0 : i32
      %parallel_loop3A_74 = arith.constant 512 : i32
      %parallel_loop3A_75 = arith.constant 1 : i32
      scf.for %parallel_loop3A_363 = %parallel_loop3A to %parallel_loop3A_74 step %parallel_loop3A_75  : i32 {
        %parallel_loop3A_364 = arith.constant 16 : i32
        %parallel_loop3A_365 = arith.muli %parallel_loop3A_363, %parallel_loop3A_364 : i32
        %parallel_loop3A_366 = arith.constant 0 : i32
        %parallel_loop3A_367 = arith.addi %parallel_loop3A_366, %parallel_loop3A_365 : i32
        %parallel_loop3A_368 = arith.index_cast %parallel_loop3A_367 : i32 to index
        %parallel_loop3A_369 = tpu.vector_load %arg9[%parallel_loop3A_368] {strides = array<i32>} : memref<16384xi32, #tpu.memory_space<vmem>>, vector<16xi32>,
        %parallel_loop3A_370 = arith.constant 16 : i32
        %parallel_loop3A_371 = vector.broadcast %parallel_loop3A_370 : i32 to vector<16xi32>
        %parallel_loop3A_372 = arith.shrsi %parallel_loop3A_369, %parallel_loop3A_371 : vector<16xi32>
        %parallel_loop3A_373 = vector.broadcast %arg1 : i32 to vector<16xi32>
        %parallel_loop3A_374 = arith.cmpi eq, %parallel_loop3A_372, %parallel_loop3A_373 : vector<16xi32>
        %parallel_loop3A_375 = arith.constant 65535 : i32
        %parallel_loop3A_376 = vector.broadcast %parallel_loop3A_375 : i32 to vector<16xi32>
        %parallel_loop3A_377 = arith.andi %parallel_loop3A_369, %parallel_loop3A_376 : vector<16xi32>
        %parallel_loop3A_378 = arith.constant 65536 : i32
        %parallel_loop3A_379 = vector.broadcast %parallel_loop3A_378 : i32 to vector<16xi32>
        %parallel_loop3A_380 = arith.select %parallel_loop3A_374, %parallel_loop3A_377, %parallel_loop3A_379 : vector<16xi1>, vector<16xi32>
        %parallel_loop3A_381 = tpu.vector_load_idx %arg13[%parallel_loop3A_380] : memref<65552xf32, #tpu.memory_space<vmem>>[vector<16xi32>], vector<16xf32>,
        %parallel_loop3A_382 = arith.constant 16 : i32
        %parallel_loop3A_383 = arith.muli %parallel_loop3A_363, %parallel_loop3A_382 : i32
        %parallel_loop3A_384 = arith.index_cast %parallel_loop3A_383 : i32 to index
        %parallel_loop3A_385 = tpu.vector_load %arg10[%parallel_loop3A_384] {strides = array<i32>} : memref<8192xf32, #tpu.memory_space<vmem>>, vector<16xf32>,
        tpu.vector_store %arg10[%parallel_loop3A_384], %parallel_loop3A_381 {strides = array<i32>} : memref<8192xf32, #tpu.memory_space<vmem>>, vector<16xf32>,
      } {sc.loop_unroll_factor = 16 : i64, sc.parallel_access}
      %add3A_76 = arith.constant 0 : i32
      %add3A_77 = arith.addi %add3A_76, %arg1 : i32
      %mul3A_78 = arith.constant 1024 : i32
      %mul3A_79 = arith.muli %add3A_77, %mul3A_78 : i32
      %dma_start3A_80 = arith.constant 0 : i32
      %dma_start3A_81 = tpu.memref_slice %arg10[%dma_start3A_80] : memref<8192xf32, #tpu.memory_space<vmem>> -> memref<1024xf32, #tpu.memory_space<vmem>>
      %dma_start3A_82 = tpu.memref_slice %arg16[%mul3A_79] : memref<262144xf32, #tpu.memory_space<vmem_shared>> -> memref<1024xf32, #tpu.memory_space<vmem_shared>>
      %dma_start3A_83 = tpu.memref_slice %arg16[%mul3A_79] : memref<262144xf32, #tpu.memory_space<vmem_shared>> -> memref<1024xf32, #tpu.memory_space<vmem_shared>>
      %dma_start3A_84 = arith.constant 0 : i32
      %dma_start3A_85 = tpu.memref_slice %arg10[%dma_start3A_84] : memref<8192xf32, #tpu.memory_space<vmem>> -> memref<1024xf32, #tpu.memory_space<vmem>>
      tpu.enqueue_dma source(%dma_start3A_85 : memref<1024xf32, #tpu.memory_space<vmem>>) target(%dma_start3A_83 : memref<1024xf32, #tpu.memory_space<vmem_shared>>) target_semaphore(%arg24 : memref<!tpu.dma_semaphore, #tpu.memory_space<semaphore_mem>>)
      %add3A_86 = arith.constant 16 : i32
      %add3A_87 = arith.addi %add3A_86, %arg1 : i32
      %mul3A_88 = arith.constant 1024 : i32
      %mul3A_89 = arith.muli %add3A_87, %mul3A_88 : i32
      %dma_start3A_90 = arith.constant 1024 : i32
      %dma_start3A_91 = tpu.memref_slice %arg10[%dma_start3A_90] : memref<8192xf32, #tpu.memory_space<vmem>> -> memref<1024xf32, #tpu.memory_space<vmem>>
      %dma_start3A_92 = tpu.memref_slice %arg16[%mul3A_89] : memref<262144xf32, #tpu.memory_space<vmem_shared>> -> memref<1024xf32, #tpu.memory_space<vmem_shared>>
      %dma_start3A_93 = tpu.memref_slice %arg16[%mul3A_89] : memref<262144xf32, #tpu.memory_space<vmem_shared>> -> memref<1024xf32, #tpu.memory_space<vmem_shared>>
      %dma_start3A_94 = arith.constant 1024 : i32
      %dma_start3A_95 = tpu.memref_slice %arg10[%dma_start3A_94] : memref<8192xf32, #tpu.memory_space<vmem>> -> memref<1024xf32, #tpu.memory_space<vmem>>
      tpu.enqueue_dma source(%dma_start3A_95 : memref<1024xf32, #tpu.memory_space<vmem>>) target(%dma_start3A_93 : memref<1024xf32, #tpu.memory_space<vmem_shared>>) target_semaphore(%arg24 : memref<!tpu.dma_semaphore, #tpu.memory_space<semaphore_mem>>)
      %add3A_96 = arith.constant 32 : i32
      %add3A_97 = arith.addi %add3A_96, %arg1 : i32
      %mul3A_98 = arith.constant 1024 : i32
      %mul3A_99 = arith.muli %add3A_97, %mul3A_98 : i32
      %dma_start3A_100 = arith.constant 2048 : i32
      %dma_start3A_101 = tpu.memref_slice %arg10[%dma_start3A_100] : memref<8192xf32, #tpu.memory_space<vmem>> -> memref<1024xf32, #tpu.memory_space<vmem>>
      %dma_start3A_102 = tpu.memref_slice %arg16[%mul3A_99] : memref<262144xf32, #tpu.memory_space<vmem_shared>> -> memref<1024xf32, #tpu.memory_space<vmem_shared>>
      %dma_start3A_103 = tpu.memref_slice %arg16[%mul3A_99] : memref<262144xf32, #tpu.memory_space<vmem_shared>> -> memref<1024xf32, #tpu.memory_space<vmem_shared>>
      %dma_start3A_104 = arith.constant 2048 : i32
      %dma_start3A_105 = tpu.memref_slice %arg10[%dma_start3A_104] : memref<8192xf32, #tpu.memory_space<vmem>> -> memref<1024xf32, #tpu.memory_space<vmem>>
      tpu.enqueue_dma source(%dma_start3A_105 : memref<1024xf32, #tpu.memory_space<vmem>>) target(%dma_start3A_103 : memref<1024xf32, #tpu.memory_space<vmem_shared>>) target_semaphore(%arg24 : memref<!tpu.dma_semaphore, #tpu.memory_space<semaphore_mem>>)
      %add3A_106 = arith.constant 48 : i32
      %add3A_107 = arith.addi %add3A_106, %arg1 : i32
      %mul3A_108 = arith.constant 1024 : i32
      %mul3A_109 = arith.muli %add3A_107, %mul3A_108 : i32
      %dma_start3A_110 = arith.constant 3072 : i32
      %dma_start3A_111 = tpu.memref_slice %arg10[%dma_start3A_110] : memref<8192xf32, #tpu.memory_space<vmem>> -> memref<1024xf32, #tpu.memory_space<vmem>>
      %dma_start3A_112 = tpu.memref_slice %arg16[%mul3A_109] : memref<262144xf32, #tpu.memory_space<vmem_shared>> -> memref<1024xf32, #tpu.memory_space<vmem_shared>>
      %dma_start3A_113 = tpu.memref_slice %arg16[%mul3A_109] : memref<262144xf32, #tpu.memory_space<vmem_shared>> -> memref<1024xf32, #tpu.memory_space<vmem_shared>>
      %dma_start3A_114 = arith.constant 3072 : i32
      %dma_start3A_115 = tpu.memref_slice %arg10[%dma_start3A_114] : memref<8192xf32, #tpu.memory_space<vmem>> -> memref<1024xf32, #tpu.memory_space<vmem>>
      tpu.enqueue_dma source(%dma_start3A_115 : memref<1024xf32, #tpu.memory_space<vmem>>) target(%dma_start3A_113 : memref<1024xf32, #tpu.memory_space<vmem_shared>>) target_semaphore(%arg24 : memref<!tpu.dma_semaphore, #tpu.memory_space<semaphore_mem>>)
      %add3A_116 = arith.constant 64 : i32
      %add3A_117 = arith.addi %add3A_116, %arg1 : i32
      %mul3A_118 = arith.constant 1024 : i32
      %mul3A_119 = arith.muli %add3A_117, %mul3A_118 : i32
      %dma_start3A_120 = arith.constant 4096 : i32
      %dma_start3A_121 = tpu.memref_slice %arg10[%dma_start3A_120] : memref<8192xf32, #tpu.memory_space<vmem>> -> memref<1024xf32, #tpu.memory_space<vmem>>
      %dma_start3A_122 = tpu.memref_slice %arg16[%mul3A_119] : memref<262144xf32, #tpu.memory_space<vmem_shared>> -> memref<1024xf32, #tpu.memory_space<vmem_shared>>
      %dma_start3A_123 = tpu.memref_slice %arg16[%mul3A_119] : memref<262144xf32, #tpu.memory_space<vmem_shared>> -> memref<1024xf32, #tpu.memory_space<vmem_shared>>
      %dma_start3A_124 = arith.constant 4096 : i32
      %dma_start3A_125 = tpu.memref_slice %arg10[%dma_start3A_124] : memref<8192xf32, #tpu.memory_space<vmem>> -> memref<1024xf32, #tpu.memory_space<vmem>>
      tpu.enqueue_dma source(%dma_start3A_125 : memref<1024xf32, #tpu.memory_space<vmem>>) target(%dma_start3A_123 : memref<1024xf32, #tpu.memory_space<vmem_shared>>) target_semaphore(%arg24 : memref<!tpu.dma_semaphore, #tpu.memory_space<semaphore_mem>>)
      %add3A_126 = arith.constant 80 : i32
      %add3A_127 = arith.addi %add3A_126, %arg1 : i32
      %mul3A_128 = arith.constant 1024 : i32
      %mul3A_129 = arith.muli %add3A_127, %mul3A_128 : i32
      %dma_start3A_130 = arith.constant 5120 : i32
      %dma_start3A_131 = tpu.memref_slice %arg10[%dma_start3A_130] : memref<8192xf32, #tpu.memory_space<vmem>> -> memref<1024xf32, #tpu.memory_space<vmem>>
      %dma_start3A_132 = tpu.memref_slice %arg16[%mul3A_129] : memref<262144xf32, #tpu.memory_space<vmem_shared>> -> memref<1024xf32, #tpu.memory_space<vmem_shared>>
      %dma_start3A_133 = tpu.memref_slice %arg16[%mul3A_129] : memref<262144xf32, #tpu.memory_space<vmem_shared>> -> memref<1024xf32, #tpu.memory_space<vmem_shared>>
      %dma_start3A_134 = arith.constant 5120 : i32
      %dma_start3A_135 = tpu.memref_slice %arg10[%dma_start3A_134] : memref<8192xf32, #tpu.memory_space<vmem>> -> memref<1024xf32, #tpu.memory_space<vmem>>
      tpu.enqueue_dma source(%dma_start3A_135 : memref<1024xf32, #tpu.memory_space<vmem>>) target(%dma_start3A_133 : memref<1024xf32, #tpu.memory_space<vmem_shared>>) target_semaphore(%arg24 : memref<!tpu.dma_semaphore, #tpu.memory_space<semaphore_mem>>)
      %add3A_136 = arith.constant 96 : i32
      %add3A_137 = arith.addi %add3A_136, %arg1 : i32
      %mul3A_138 = arith.constant 1024 : i32
      %mul3A_139 = arith.muli %add3A_137, %mul3A_138 : i32
      %dma_start3A_140 = arith.constant 6144 : i32
      %dma_start3A_141 = tpu.memref_slice %arg10[%dma_start3A_140] : memref<8192xf32, #tpu.memory_space<vmem>> -> memref<1024xf32, #tpu.memory_space<vmem>>
      %dma_start3A_142 = tpu.memref_slice %arg16[%mul3A_139] : memref<262144xf32, #tpu.memory_space<vmem_shared>> -> memref<1024xf32, #tpu.memory_space<vmem_shared>>
      %dma_start3A_143 = tpu.memref_slice %arg16[%mul3A_139] : memref<262144xf32, #tpu.memory_space<vmem_shared>> -> memref<1024xf32, #tpu.memory_space<vmem_shared>>
      %dma_start3A_144 = arith.constant 6144 : i32
      %dma_start3A_145 = tpu.memref_slice %arg10[%dma_start3A_144] : memref<8192xf32, #tpu.memory_space<vmem>> -> memref<1024xf32, #tpu.memory_space<vmem>>
      tpu.enqueue_dma source(%dma_start3A_145 : memref<1024xf32, #tpu.memory_space<vmem>>) target(%dma_start3A_143 : memref<1024xf32, #tpu.memory_space<vmem_shared>>) target_semaphore(%arg24 : memref<!tpu.dma_semaphore, #tpu.memory_space<semaphore_mem>>)
      %add3A_146 = arith.constant 112 : i32
      %add3A_147 = arith.addi %add3A_146, %arg1 : i32
      %mul3A_148 = arith.constant 1024 : i32
      %mul3A_149 = arith.muli %add3A_147, %mul3A_148 : i32
      %dma_start3A_150 = arith.constant 7168 : i32
      %dma_start3A_151 = tpu.memref_slice %arg10[%dma_start3A_150] : memref<8192xf32, #tpu.memory_space<vmem>> -> memref<1024xf32, #tpu.memory_space<vmem>>
      %dma_start3A_152 = tpu.memref_slice %arg16[%mul3A_149] : memref<262144xf32, #tpu.memory_space<vmem_shared>> -> memref<1024xf32, #tpu.memory_space<vmem_shared>>
      %dma_start3A_153 = tpu.memref_slice %arg16[%mul3A_149] : memref<262144xf32, #tpu.memory_space<vmem_shared>> -> memref<1024xf32, #tpu.memory_space<vmem_shared>>
      %dma_start3A_154 = arith.constant 7168 : i32
      %dma_start3A_155 = tpu.memref_slice %arg10[%dma_start3A_154] : memref<8192xf32, #tpu.memory_space<vmem>> -> memref<1024xf32, #tpu.memory_space<vmem>>
      tpu.enqueue_dma source(%dma_start3A_155 : memref<1024xf32, #tpu.memory_space<vmem>>) target(%dma_start3A_153 : memref<1024xf32, #tpu.memory_space<vmem_shared>>) target_semaphore(%arg24 : memref<!tpu.dma_semaphore, #tpu.memory_space<semaphore_mem>>)
      %dma_wait3A_156 = arith.constant 8192 : i32
      %dma_wait3A_157 = tpu.memref_slice %arg9[%dma_wait3A_156] : memref<16384xi32, #tpu.memory_space<vmem>> -> memref<8192xi32, #tpu.memory_space<vmem>>
      %dma_wait3A_158 = tpu.memref_slice %arg6[%arg0, %add3A_58] : memref<2x4194304xi32, #tpu.memory_space<hbm>> -> memref<1x8192xi32, #tpu.memory_space<hbm>>
      %dma_wait3A_159 = tpu.memref_squeeze %dma_wait3A_158 : memref<1x8192xi32, #tpu.memory_space<hbm>> -> memref<8192xi32, #tpu.memory_space<hbm>>
      %dma_wait3A_160 = arith.constant 8192 : i32
      %dma_wait3A_161 = tpu.memref_slice %arg9[%dma_wait3A_160] : memref<16384xi32, #tpu.memory_space<vmem>> -> memref<8192xi32, #tpu.memory_space<vmem>>
      %dma_wait3A_162 = tpu.memref_slice %arg6[%arg0, %add3A_58] : memref<2x4194304xi32, #tpu.memory_space<hbm>> -> memref<1x8192xi32, #tpu.memory_space<hbm>>
      %dma_wait3A_163 = tpu.memref_squeeze %dma_wait3A_162 : memref<1x8192xi32, #tpu.memory_space<hbm>> -> memref<8192xi32, #tpu.memory_space<hbm>>
      tpu.wait_dma2 semaphore(%arg23 : memref<!tpu.dma_semaphore, #tpu.memory_space<semaphore_mem>>) src(%dma_wait3A_163 : memref<8192xi32, #tpu.memory_space<hbm>>) dst(%dma_wait3A_161 : memref<8192xi32, #tpu.memory_space<vmem>>)
      %dma_wait3A_164 = arith.constant 0 : i32
      %dma_wait3A_165 = tpu.memref_slice %arg10[%dma_wait3A_164] : memref<8192xf32, #tpu.memory_space<vmem>> -> memref<1024xf32, #tpu.memory_space<vmem>>
      %dma_wait3A_166 = tpu.memref_slice %arg16[%mul3A_79] : memref<262144xf32, #tpu.memory_space<vmem_shared>> -> memref<1024xf32, #tpu.memory_space<vmem_shared>>
      %dma_wait3A_167 = tpu.memref_slice %arg16[%mul3A_79] : memref<262144xf32, #tpu.memory_space<vmem_shared>> -> memref<1024xf32, #tpu.memory_space<vmem_shared>>
      %dma_wait3A_168 = arith.constant 0 : i32
      %dma_wait3A_169 = tpu.memref_slice %arg10[%dma_wait3A_168] : memref<8192xf32, #tpu.memory_space<vmem>> -> memref<1024xf32, #tpu.memory_space<vmem>>
      tpu.wait_dma2 semaphore(%arg24 : memref<!tpu.dma_semaphore, #tpu.memory_space<semaphore_mem>>) src(%dma_wait3A_169 : memref<1024xf32, #tpu.memory_space<vmem>>) dst(%dma_wait3A_167 : memref<1024xf32, #tpu.memory_space<vmem_shared>>)
      %dma_wait3A_170 = arith.constant 1024 : i32
      %dma_wait3A_171 = tpu.memref_slice %arg10[%dma_wait3A_170] : memref<8192xf32, #tpu.memory_space<vmem>> -> memref<1024xf32, #tpu.memory_space<vmem>>
      %dma_wait3A_172 = tpu.memref_slice %arg16[%mul3A_89] : memref<262144xf32, #tpu.memory_space<vmem_shared>> -> memref<1024xf32, #tpu.memory_space<vmem_shared>>
      %dma_wait3A_173 = tpu.memref_slice %arg16[%mul3A_89] : memref<262144xf32, #tpu.memory_space<vmem_shared>> -> memref<1024xf32, #tpu.memory_space<vmem_shared>>
      %dma_wait3A_174 = arith.constant 1024 : i32
      %dma_wait3A_175 = tpu.memref_slice %arg10[%dma_wait3A_174] : memref<8192xf32, #tpu.memory_space<vmem>> -> memref<1024xf32, #tpu.memory_space<vmem>>
      tpu.wait_dma2 semaphore(%arg24 : memref<!tpu.dma_semaphore, #tpu.memory_space<semaphore_mem>>) src(%dma_wait3A_175 : memref<1024xf32, #tpu.memory_space<vmem>>) dst(%dma_wait3A_173 : memref<1024xf32, #tpu.memory_space<vmem_shared>>)
      %dma_wait3A_176 = arith.constant 2048 : i32
      %dma_wait3A_177 = tpu.memref_slice %arg10[%dma_wait3A_176] : memref<8192xf32, #tpu.memory_space<vmem>> -> memref<1024xf32, #tpu.memory_space<vmem>>
      %dma_wait3A_178 = tpu.memref_slice %arg16[%mul3A_99] : memref<262144xf32, #tpu.memory_space<vmem_shared>> -> memref<1024xf32, #tpu.memory_space<vmem_shared>>
      %dma_wait3A_179 = tpu.memref_slice %arg16[%mul3A_99] : memref<262144xf32, #tpu.memory_space<vmem_shared>> -> memref<1024xf32, #tpu.memory_space<vmem_shared>>
      %dma_wait3A_180 = arith.constant 2048 : i32
      %dma_wait3A_181 = tpu.memref_slice %arg10[%dma_wait3A_180] : memref<8192xf32, #tpu.memory_space<vmem>> -> memref<1024xf32, #tpu.memory_space<vmem>>
      tpu.wait_dma2 semaphore(%arg24 : memref<!tpu.dma_semaphore, #tpu.memory_space<semaphore_mem>>) src(%dma_wait3A_181 : memref<1024xf32, #tpu.memory_space<vmem>>) dst(%dma_wait3A_179 : memref<1024xf32, #tpu.memory_space<vmem_shared>>)
      %dma_wait3A_182 = arith.constant 3072 : i32
      %dma_wait3A_183 = tpu.memref_slice %arg10[%dma_wait3A_182] : memref<8192xf32, #tpu.memory_space<vmem>> -> memref<1024xf32, #tpu.memory_space<vmem>>
      %dma_wait3A_184 = tpu.memref_slice %arg16[%mul3A_109] : memref<262144xf32, #tpu.memory_space<vmem_shared>> -> memref<1024xf32, #tpu.memory_space<vmem_shared>>
      %dma_wait3A_185 = tpu.memref_slice %arg16[%mul3A_109] : memref<262144xf32, #tpu.memory_space<vmem_shared>> -> memref<1024xf32, #tpu.memory_space<vmem_shared>>
      %dma_wait3A_186 = arith.constant 3072 : i32
      %dma_wait3A_187 = tpu.memref_slice %arg10[%dma_wait3A_186] : memref<8192xf32, #tpu.memory_space<vmem>> -> memref<1024xf32, #tpu.memory_space<vmem>>
      tpu.wait_dma2 semaphore(%arg24 : memref<!tpu.dma_semaphore, #tpu.memory_space<semaphore_mem>>) src(%dma_wait3A_187 : memref<1024xf32, #tpu.memory_space<vmem>>) dst(%dma_wait3A_185 : memref<1024xf32, #tpu.memory_space<vmem_shared>>)
      %dma_wait3A_188 = arith.constant 4096 : i32
      %dma_wait3A_189 = tpu.memref_slice %arg10[%dma_wait3A_188] : memref<8192xf32, #tpu.memory_space<vmem>> -> memref<1024xf32, #tpu.memory_space<vmem>>
      %dma_wait3A_190 = tpu.memref_slice %arg16[%mul3A_119] : memref<262144xf32, #tpu.memory_space<vmem_shared>> -> memref<1024xf32, #tpu.memory_space<vmem_shared>>
      %dma_wait3A_191 = tpu.memref_slice %arg16[%mul3A_119] : memref<262144xf32, #tpu.memory_space<vmem_shared>> -> memref<1024xf32, #tpu.memory_space<vmem_shared>>
      %dma_wait3A_192 = arith.constant 4096 : i32
      %dma_wait3A_193 = tpu.memref_slice %arg10[%dma_wait3A_192] : memref<8192xf32, #tpu.memory_space<vmem>> -> memref<1024xf32, #tpu.memory_space<vmem>>
      tpu.wait_dma2 semaphore(%arg24 : memref<!tpu.dma_semaphore, #tpu.memory_space<semaphore_mem>>) src(%dma_wait3A_193 : memref<1024xf32, #tpu.memory_space<vmem>>) dst(%dma_wait3A_191 : memref<1024xf32, #tpu.memory_space<vmem_shared>>)
      %dma_wait3A_194 = arith.constant 5120 : i32
      %dma_wait3A_195 = tpu.memref_slice %arg10[%dma_wait3A_194] : memref<8192xf32, #tpu.memory_space<vmem>> -> memref<1024xf32, #tpu.memory_space<vmem>>
      %dma_wait3A_196 = tpu.memref_slice %arg16[%mul3A_129] : memref<262144xf32, #tpu.memory_space<vmem_shared>> -> memref<1024xf32, #tpu.memory_space<vmem_shared>>
      %dma_wait3A_197 = tpu.memref_slice %arg16[%mul3A_129] : memref<262144xf32, #tpu.memory_space<vmem_shared>> -> memref<1024xf32, #tpu.memory_space<vmem_shared>>
      %dma_wait3A_198 = arith.constant 5120 : i32
      %dma_wait3A_199 = tpu.memref_slice %arg10[%dma_wait3A_198] : memref<8192xf32, #tpu.memory_space<vmem>> -> memref<1024xf32, #tpu.memory_space<vmem>>
      tpu.wait_dma2 semaphore(%arg24 : memref<!tpu.dma_semaphore, #tpu.memory_space<semaphore_mem>>) src(%dma_wait3A_199 : memref<1024xf32, #tpu.memory_space<vmem>>) dst(%dma_wait3A_197 : memref<1024xf32, #tpu.memory_space<vmem_shared>>)
      %dma_wait3A_200 = arith.constant 6144 : i32
      %dma_wait3A_201 = tpu.memref_slice %arg10[%dma_wait3A_200] : memref<8192xf32, #tpu.memory_space<vmem>> -> memref<1024xf32, #tpu.memory_space<vmem>>
      %dma_wait3A_202 = tpu.memref_slice %arg16[%mul3A_139] : memref<262144xf32, #tpu.memory_space<vmem_shared>> -> memref<1024xf32, #tpu.memory_space<vmem_shared>>
      %dma_wait3A_203 = tpu.memref_slice %arg16[%mul3A_139] : memref<262144xf32, #tpu.memory_space<vmem_shared>> -> memref<1024xf32, #tpu.memory_space<vmem_shared>>
      %dma_wait3A_204 = arith.constant 6144 : i32
      %dma_wait3A_205 = tpu.memref_slice %arg10[%dma_wait3A_204] : memref<8192xf32, #tpu.memory_space<vmem>> -> memref<1024xf32, #tpu.memory_space<vmem>>
      tpu.wait_dma2 semaphore(%arg24 : memref<!tpu.dma_semaphore, #tpu.memory_space<semaphore_mem>>) src(%dma_wait3A_205 : memref<1024xf32, #tpu.memory_space<vmem>>) dst(%dma_wait3A_203 : memref<1024xf32, #tpu.memory_space<vmem_shared>>)
      %dma_wait3A_206 = arith.constant 7168 : i32
      %dma_wait3A_207 = tpu.memref_slice %arg10[%dma_wait3A_206] : memref<8192xf32, #tpu.memory_space<vmem>> -> memref<1024xf32, #tpu.memory_space<vmem>>
      %dma_wait3A_208 = tpu.memref_slice %arg16[%mul3A_149] : memref<262144xf32, #tpu.memory_space<vmem_shared>> -> memref<1024xf32, #tpu.memory_space<vmem_shared>>
      %dma_wait3A_209 = tpu.memref_slice %arg16[%mul3A_149] : memref<262144xf32, #tpu.memory_space<vmem_shared>> -> memref<1024xf32, #tpu.memory_space<vmem_shared>>
      %dma_wait3A_210 = arith.constant 7168 : i32
      %dma_wait3A_211 = tpu.memref_slice %arg10[%dma_wait3A_210] : memref<8192xf32, #tpu.memory_space<vmem>> -> memref<1024xf32, #tpu.memory_space<vmem>>
      tpu.wait_dma2 semaphore(%arg24 : memref<!tpu.dma_semaphore, #tpu.memory_space<semaphore_mem>>) src(%dma_wait3A_211 : memref<1024xf32, #tpu.memory_space<vmem>>) dst(%dma_wait3A_209 : memref<1024xf32, #tpu.memory_space<vmem_shared>>)
      %parallel_loop3A_212 = arith.constant 0 : i32
      %parallel_loop3A_213 = arith.constant 512 : i32
      %parallel_loop3A_214 = arith.constant 1 : i32
      scf.for %parallel_loop3A_363 = %parallel_loop3A_212 to %parallel_loop3A_213 step %parallel_loop3A_214  : i32 {
        %parallel_loop3A_364 = arith.constant 16 : i32
        %parallel_loop3A_365 = arith.muli %parallel_loop3A_363, %parallel_loop3A_364 : i32
        %parallel_loop3A_366 = arith.constant 8192 : i32
        %parallel_loop3A_367 = arith.addi %parallel_loop3A_366, %parallel_loop3A_365 : i32
        %parallel_loop3A_368 = arith.index_cast %parallel_loop3A_367 : i32 to index
        %parallel_loop3A_369 = tpu.vector_load %arg9[%parallel_loop3A_368] {strides = array<i32>} : memref<16384xi32, #tpu.memory_space<vmem>>, vector<16xi32>,
        %parallel_loop3A_370 = arith.constant 16 : i32
        %parallel_loop3A_371 = vector.broadcast %parallel_loop3A_370 : i32 to vector<16xi32>
        %parallel_loop3A_372 = arith.shrsi %parallel_loop3A_369, %parallel_loop3A_371 : vector<16xi32>
        %parallel_loop3A_373 = vector.broadcast %arg1 : i32 to vector<16xi32>
        %parallel_loop3A_374 = arith.cmpi eq, %parallel_loop3A_372, %parallel_loop3A_373 : vector<16xi32>
        %parallel_loop3A_375 = arith.constant 65535 : i32
        %parallel_loop3A_376 = vector.broadcast %parallel_loop3A_375 : i32 to vector<16xi32>
        %parallel_loop3A_377 = arith.andi %parallel_loop3A_369, %parallel_loop3A_376 : vector<16xi32>
        %parallel_loop3A_378 = arith.constant 65536 : i32
        %parallel_loop3A_379 = vector.broadcast %parallel_loop3A_378 : i32 to vector<16xi32>
        %parallel_loop3A_380 = arith.select %parallel_loop3A_374, %parallel_loop3A_377, %parallel_loop3A_379 : vector<16xi1>, vector<16xi32>
        %parallel_loop3A_381 = tpu.vector_load_idx %arg13[%parallel_loop3A_380] : memref<65552xf32, #tpu.memory_space<vmem>>[vector<16xi32>], vector<16xf32>,
        %parallel_loop3A_382 = arith.constant 16 : i32
        %parallel_loop3A_383 = arith.muli %parallel_loop3A_363, %parallel_loop3A_382 : i32
        %parallel_loop3A_384 = arith.index_cast %parallel_loop3A_383 : i32 to index
        %parallel_loop3A_385 = tpu.vector_load %arg10[%parallel_loop3A_384] {strides = array<i32>} : memref<8192xf32, #tpu.memory_space<vmem>>, vector<16xf32>,
        tpu.vector_store %arg10[%parallel_loop3A_384], %parallel_loop3A_381 {strides = array<i32>} : memref<8192xf32, #tpu.memory_space<vmem>>, vector<16xf32>,
      } {sc.loop_unroll_factor = 16 : i64, sc.parallel_access}
      %add3A_215 = arith.constant 128 : i32
      %add3A_216 = arith.addi %add3A_215, %arg1 : i32
      %mul3A_217 = arith.constant 1024 : i32
      %mul3A_218 = arith.muli %add3A_216, %mul3A_217 : i32
      %dma_start3A_219 = arith.constant 0 : i32
      %dma_start3A_220 = tpu.memref_slice %arg10[%dma_start3A_219] : memref<8192xf32, #tpu.memory_space<vmem>> -> memref<1024xf32, #tpu.memory_space<vmem>>
      %dma_start3A_221 = tpu.memref_slice %arg16[%mul3A_218] : memref<262144xf32, #tpu.memory_space<vmem_shared>> -> memref<1024xf32, #tpu.memory_space<vmem_shared>>
      %dma_start3A_222 = tpu.memref_slice %arg16[%mul3A_218] : memref<262144xf32, #tpu.memory_space<vmem_shared>> -> memref<1024xf32, #tpu.memory_space<vmem_shared>>
      %dma_start3A_223 = arith.constant 0 : i32
      %dma_start3A_224 = tpu.memref_slice %arg10[%dma_start3A_223] : memref<8192xf32, #tpu.memory_space<vmem>> -> memref<1024xf32, #tpu.memory_space<vmem>>
      tpu.enqueue_dma source(%dma_start3A_224 : memref<1024xf32, #tpu.memory_space<vmem>>) target(%dma_start3A_222 : memref<1024xf32, #tpu.memory_space<vmem_shared>>) target_semaphore(%arg24 : memref<!tpu.dma_semaphore, #tpu.memory_space<semaphore_mem>>)
      %add3A_225 = arith.constant 144 : i32
      %add3A_226 = arith.addi %add3A_225, %arg1 : i32
      %mul3A_227 = arith.constant 1024 : i32
      %mul3A_228 = arith.muli %add3A_226, %mul3A_227 : i32
      %dma_start3A_229 = arith.constant 1024 : i32
      %dma_start3A_230 = tpu.memref_slice %arg10[%dma_start3A_229] : memref<8192xf32, #tpu.memory_space<vmem>> -> memref<1024xf32, #tpu.memory_space<vmem>>
      %dma_start3A_231 = tpu.memref_slice %arg16[%mul3A_228] : memref<262144xf32, #tpu.memory_space<vmem_shared>> -> memref<1024xf32, #tpu.memory_space<vmem_shared>>
      %dma_start3A_232 = tpu.memref_slice %arg16[%mul3A_228] : memref<262144xf32, #tpu.memory_space<vmem_shared>> -> memref<1024xf32, #tpu.memory_space<vmem_shared>>
      %dma_start3A_233 = arith.constant 1024 : i32
      %dma_start3A_234 = tpu.memref_slice %arg10[%dma_start3A_233] : memref<8192xf32, #tpu.memory_space<vmem>> -> memref<1024xf32, #tpu.memory_space<vmem>>
      tpu.enqueue_dma source(%dma_start3A_234 : memref<1024xf32, #tpu.memory_space<vmem>>) target(%dma_start3A_232 : memref<1024xf32, #tpu.memory_space<vmem_shared>>) target_semaphore(%arg24 : memref<!tpu.dma_semaphore, #tpu.memory_space<semaphore_mem>>)
      %add3A_235 = arith.constant 160 : i32
      %add3A_236 = arith.addi %add3A_235, %arg1 : i32
      %mul3A_237 = arith.constant 1024 : i32
      %mul3A_238 = arith.muli %add3A_236, %mul3A_237 : i32
      %dma_start3A_239 = arith.constant 2048 : i32
      %dma_start3A_240 = tpu.memref_slice %arg10[%dma_start3A_239] : memref<8192xf32, #tpu.memory_space<vmem>> -> memref<1024xf32, #tpu.memory_space<vmem>>
      %dma_start3A_241 = tpu.memref_slice %arg16[%mul3A_238] : memref<262144xf32, #tpu.memory_space<vmem_shared>> -> memref<1024xf32, #tpu.memory_space<vmem_shared>>
      %dma_start3A_242 = tpu.memref_slice %arg16[%mul3A_238] : memref<262144xf32, #tpu.memory_space<vmem_shared>> -> memref<1024xf32, #tpu.memory_space<vmem_shared>>
      %dma_start3A_243 = arith.constant 2048 : i32
      %dma_start3A_244 = tpu.memref_slice %arg10[%dma_start3A_243] : memref<8192xf32, #tpu.memory_space<vmem>> -> memref<1024xf32, #tpu.memory_space<vmem>>
      tpu.enqueue_dma source(%dma_start3A_244 : memref<1024xf32, #tpu.memory_space<vmem>>) target(%dma_start3A_242 : memref<1024xf32, #tpu.memory_space<vmem_shared>>) target_semaphore(%arg24 : memref<!tpu.dma_semaphore, #tpu.memory_space<semaphore_mem>>)
      %add3A_245 = arith.constant 176 : i32
      %add3A_246 = arith.addi %add3A_245, %arg1 : i32
      %mul3A_247 = arith.constant 1024 : i32
      %mul3A_248 = arith.muli %add3A_246, %mul3A_247 : i32
      %dma_start3A_249 = arith.constant 3072 : i32
      %dma_start3A_250 = tpu.memref_slice %arg10[%dma_start3A_249] : memref<8192xf32, #tpu.memory_space<vmem>> -> memref<1024xf32, #tpu.memory_space<vmem>>
      %dma_start3A_251 = tpu.memref_slice %arg16[%mul3A_248] : memref<262144xf32, #tpu.memory_space<vmem_shared>> -> memref<1024xf32, #tpu.memory_space<vmem_shared>>
      %dma_start3A_252 = tpu.memref_slice %arg16[%mul3A_248] : memref<262144xf32, #tpu.memory_space<vmem_shared>> -> memref<1024xf32, #tpu.memory_space<vmem_shared>>
      %dma_start3A_253 = arith.constant 3072 : i32
      %dma_start3A_254 = tpu.memref_slice %arg10[%dma_start3A_253] : memref<8192xf32, #tpu.memory_space<vmem>> -> memref<1024xf32, #tpu.memory_space<vmem>>
      tpu.enqueue_dma source(%dma_start3A_254 : memref<1024xf32, #tpu.memory_space<vmem>>) target(%dma_start3A_252 : memref<1024xf32, #tpu.memory_space<vmem_shared>>) target_semaphore(%arg24 : memref<!tpu.dma_semaphore, #tpu.memory_space<semaphore_mem>>)
      %add3A_255 = arith.constant 192 : i32
      %add3A_256 = arith.addi %add3A_255, %arg1 : i32
      %mul3A_257 = arith.constant 1024 : i32
      %mul3A_258 = arith.muli %add3A_256, %mul3A_257 : i32
      %dma_start3A_259 = arith.constant 4096 : i32
      %dma_start3A_260 = tpu.memref_slice %arg10[%dma_start3A_259] : memref<8192xf32, #tpu.memory_space<vmem>> -> memref<1024xf32, #tpu.memory_space<vmem>>
      %dma_start3A_261 = tpu.memref_slice %arg16[%mul3A_258] : memref<262144xf32, #tpu.memory_space<vmem_shared>> -> memref<1024xf32, #tpu.memory_space<vmem_shared>>
      %dma_start3A_262 = tpu.memref_slice %arg16[%mul3A_258] : memref<262144xf32, #tpu.memory_space<vmem_shared>> -> memref<1024xf32, #tpu.memory_space<vmem_shared>>
      %dma_start3A_263 = arith.constant 4096 : i32
      %dma_start3A_264 = tpu.memref_slice %arg10[%dma_start3A_263] : memref<8192xf32, #tpu.memory_space<vmem>> -> memref<1024xf32, #tpu.memory_space<vmem>>
      tpu.enqueue_dma source(%dma_start3A_264 : memref<1024xf32, #tpu.memory_space<vmem>>) target(%dma_start3A_262 : memref<1024xf32, #tpu.memory_space<vmem_shared>>) target_semaphore(%arg24 : memref<!tpu.dma_semaphore, #tpu.memory_space<semaphore_mem>>)
      %add3A_265 = arith.constant 208 : i32
      %add3A_266 = arith.addi %add3A_265, %arg1 : i32
      %mul3A_267 = arith.constant 1024 : i32
      %mul3A_268 = arith.muli %add3A_266, %mul3A_267 : i32
      %dma_start3A_269 = arith.constant 5120 : i32
      %dma_start3A_270 = tpu.memref_slice %arg10[%dma_start3A_269] : memref<8192xf32, #tpu.memory_space<vmem>> -> memref<1024xf32, #tpu.memory_space<vmem>>
      %dma_start3A_271 = tpu.memref_slice %arg16[%mul3A_268] : memref<262144xf32, #tpu.memory_space<vmem_shared>> -> memref<1024xf32, #tpu.memory_space<vmem_shared>>
      %dma_start3A_272 = tpu.memref_slice %arg16[%mul3A_268] : memref<262144xf32, #tpu.memory_space<vmem_shared>> -> memref<1024xf32, #tpu.memory_space<vmem_shared>>
      %dma_start3A_273 = arith.constant 5120 : i32
      %dma_start3A_274 = tpu.memref_slice %arg10[%dma_start3A_273] : memref<8192xf32, #tpu.memory_space<vmem>> -> memref<1024xf32, #tpu.memory_space<vmem>>
      tpu.enqueue_dma source(%dma_start3A_274 : memref<1024xf32, #tpu.memory_space<vmem>>) target(%dma_start3A_272 : memref<1024xf32, #tpu.memory_space<vmem_shared>>) target_semaphore(%arg24 : memref<!tpu.dma_semaphore, #tpu.memory_space<semaphore_mem>>)
      %add3A_275 = arith.constant 224 : i32
      %add3A_276 = arith.addi %add3A_275, %arg1 : i32
      %mul3A_277 = arith.constant 1024 : i32
      %mul3A_278 = arith.muli %add3A_276, %mul3A_277 : i32
      %dma_start3A_279 = arith.constant 6144 : i32
      %dma_start3A_280 = tpu.memref_slice %arg10[%dma_start3A_279] : memref<8192xf32, #tpu.memory_space<vmem>> -> memref<1024xf32, #tpu.memory_space<vmem>>
      %dma_start3A_281 = tpu.memref_slice %arg16[%mul3A_278] : memref<262144xf32, #tpu.memory_space<vmem_shared>> -> memref<1024xf32, #tpu.memory_space<vmem_shared>>
      %dma_start3A_282 = tpu.memref_slice %arg16[%mul3A_278] : memref<262144xf32, #tpu.memory_space<vmem_shared>> -> memref<1024xf32, #tpu.memory_space<vmem_shared>>
      %dma_start3A_283 = arith.constant 6144 : i32
      %dma_start3A_284 = tpu.memref_slice %arg10[%dma_start3A_283] : memref<8192xf32, #tpu.memory_space<vmem>> -> memref<1024xf32, #tpu.memory_space<vmem>>
      tpu.enqueue_dma source(%dma_start3A_284 : memref<1024xf32, #tpu.memory_space<vmem>>) target(%dma_start3A_282 : memref<1024xf32, #tpu.memory_space<vmem_shared>>) target_semaphore(%arg24 : memref<!tpu.dma_semaphore, #tpu.memory_space<semaphore_mem>>)
      %add3A_285 = arith.constant 240 : i32
      %add3A_286 = arith.addi %add3A_285, %arg1 : i32
      %mul3A_287 = arith.constant 1024 : i32
      %mul3A_288 = arith.muli %add3A_286, %mul3A_287 : i32
      %dma_start3A_289 = arith.constant 7168 : i32
      %dma_start3A_290 = tpu.memref_slice %arg10[%dma_start3A_289] : memref<8192xf32, #tpu.memory_space<vmem>> -> memref<1024xf32, #tpu.memory_space<vmem>>
      %dma_start3A_291 = tpu.memref_slice %arg16[%mul3A_288] : memref<262144xf32, #tpu.memory_space<vmem_shared>> -> memref<1024xf32, #tpu.memory_space<vmem_shared>>
      %dma_start3A_292 = tpu.memref_slice %arg16[%mul3A_288] : memref<262144xf32, #tpu.memory_space<vmem_shared>> -> memref<1024xf32, #tpu.memory_space<vmem_shared>>
      %dma_start3A_293 = arith.constant 7168 : i32
      %dma_start3A_294 = tpu.memref_slice %arg10[%dma_start3A_293] : memref<8192xf32, #tpu.memory_space<vmem>> -> memref<1024xf32, #tpu.memory_space<vmem>>
      tpu.enqueue_dma source(%dma_start3A_294 : memref<1024xf32, #tpu.memory_space<vmem>>) target(%dma_start3A_292 : memref<1024xf32, #tpu.memory_space<vmem_shared>>) target_semaphore(%arg24 : memref<!tpu.dma_semaphore, #tpu.memory_space<semaphore_mem>>)
      %dma_wait3A_295 = arith.constant 0 : i32
      %dma_wait3A_296 = tpu.memref_slice %arg10[%dma_wait3A_295] : memref<8192xf32, #tpu.memory_space<vmem>> -> memref<1024xf32, #tpu.memory_space<vmem>>
      %dma_wait3A_297 = tpu.memref_slice %arg16[%mul3A_218] : memref<262144xf32, #tpu.memory_space<vmem_shared>> -> memref<1024xf32, #tpu.memory_space<vmem_shared>>
      %dma_wait3A_298 = tpu.memref_slice %arg16[%mul3A_218] : memref<262144xf32, #tpu.memory_space<vmem_shared>> -> memref<1024xf32, #tpu.memory_space<vmem_shared>>
      %dma_wait3A_299 = arith.constant 0 : i32
      %dma_wait3A_300 = tpu.memref_slice %arg10[%dma_wait3A_299] : memref<8192xf32, #tpu.memory_space<vmem>> -> memref<1024xf32, #tpu.memory_space<vmem>>
      tpu.wait_dma2 semaphore(%arg24 : memref<!tpu.dma_semaphore, #tpu.memory_space<semaphore_mem>>) src(%dma_wait3A_300 : memref<1024xf32, #tpu.memory_space<vmem>>) dst(%dma_wait3A_298 : memref<1024xf32, #tpu.memory_space<vmem_shared>>)
      %dma_wait3A_301 = arith.constant 1024 : i32
      %dma_wait3A_302 = tpu.memref_slice %arg10[%dma_wait3A_301] : memref<8192xf32, #tpu.memory_space<vmem>> -> memref<1024xf32, #tpu.memory_space<vmem>>
      %dma_wait3A_303 = tpu.memref_slice %arg16[%mul3A_228] : memref<262144xf32, #tpu.memory_space<vmem_shared>> -> memref<1024xf32, #tpu.memory_space<vmem_shared>>
      %dma_wait3A_304 = tpu.memref_slice %arg16[%mul3A_228] : memref<262144xf32, #tpu.memory_space<vmem_shared>> -> memref<1024xf32, #tpu.memory_space<vmem_shared>>
      %dma_wait3A_305 = arith.constant 1024 : i32
      %dma_wait3A_306 = tpu.memref_slice %arg10[%dma_wait3A_305] : memref<8192xf32, #tpu.memory_space<vmem>> -> memref<1024xf32, #tpu.memory_space<vmem>>
      tpu.wait_dma2 semaphore(%arg24 : memref<!tpu.dma_semaphore, #tpu.memory_space<semaphore_mem>>) src(%dma_wait3A_306 : memref<1024xf32, #tpu.memory_space<vmem>>) dst(%dma_wait3A_304 : memref<1024xf32, #tpu.memory_space<vmem_shared>>)
      %dma_wait3A_307 = arith.constant 2048 : i32
      %dma_wait3A_308 = tpu.memref_slice %arg10[%dma_wait3A_307] : memref<8192xf32, #tpu.memory_space<vmem>> -> memref<1024xf32, #tpu.memory_space<vmem>>
      %dma_wait3A_309 = tpu.memref_slice %arg16[%mul3A_238] : memref<262144xf32, #tpu.memory_space<vmem_shared>> -> memref<1024xf32, #tpu.memory_space<vmem_shared>>
      %dma_wait3A_310 = tpu.memref_slice %arg16[%mul3A_238] : memref<262144xf32, #tpu.memory_space<vmem_shared>> -> memref<1024xf32, #tpu.memory_space<vmem_shared>>
      %dma_wait3A_311 = arith.constant 2048 : i32
      %dma_wait3A_312 = tpu.memref_slice %arg10[%dma_wait3A_311] : memref<8192xf32, #tpu.memory_space<vmem>> -> memref<1024xf32, #tpu.memory_space<vmem>>
      tpu.wait_dma2 semaphore(%arg24 : memref<!tpu.dma_semaphore, #tpu.memory_space<semaphore_mem>>) src(%dma_wait3A_312 : memref<1024xf32, #tpu.memory_space<vmem>>) dst(%dma_wait3A_310 : memref<1024xf32, #tpu.memory_space<vmem_shared>>)
      %dma_wait3A_313 = arith.constant 3072 : i32
      %dma_wait3A_314 = tpu.memref_slice %arg10[%dma_wait3A_313] : memref<8192xf32, #tpu.memory_space<vmem>> -> memref<1024xf32, #tpu.memory_space<vmem>>
      %dma_wait3A_315 = tpu.memref_slice %arg16[%mul3A_248] : memref<262144xf32, #tpu.memory_space<vmem_shared>> -> memref<1024xf32, #tpu.memory_space<vmem_shared>>
      %dma_wait3A_316 = tpu.memref_slice %arg16[%mul3A_248] : memref<262144xf32, #tpu.memory_space<vmem_shared>> -> memref<1024xf32, #tpu.memory_space<vmem_shared>>
      %dma_wait3A_317 = arith.constant 3072 : i32
      %dma_wait3A_318 = tpu.memref_slice %arg10[%dma_wait3A_317] : memref<8192xf32, #tpu.memory_space<vmem>> -> memref<1024xf32, #tpu.memory_space<vmem>>
      tpu.wait_dma2 semaphore(%arg24 : memref<!tpu.dma_semaphore, #tpu.memory_space<semaphore_mem>>) src(%dma_wait3A_318 : memref<1024xf32, #tpu.memory_space<vmem>>) dst(%dma_wait3A_316 : memref<1024xf32, #tpu.memory_space<vmem_shared>>)
      %dma_wait3A_319 = arith.constant 4096 : i32
      %dma_wait3A_320 = tpu.memref_slice %arg10[%dma_wait3A_319] : memref<8192xf32, #tpu.memory_space<vmem>> -> memref<1024xf32, #tpu.memory_space<vmem>>
      %dma_wait3A_321 = tpu.memref_slice %arg16[%mul3A_258] : memref<262144xf32, #tpu.memory_space<vmem_shared>> -> memref<1024xf32, #tpu.memory_space<vmem_shared>>
      %dma_wait3A_322 = tpu.memref_slice %arg16[%mul3A_258] : memref<262144xf32, #tpu.memory_space<vmem_shared>> -> memref<1024xf32, #tpu.memory_space<vmem_shared>>
      %dma_wait3A_323 = arith.constant 4096 : i32
      %dma_wait3A_324 = tpu.memref_slice %arg10[%dma_wait3A_323] : memref<8192xf32, #tpu.memory_space<vmem>> -> memref<1024xf32, #tpu.memory_space<vmem>>
      tpu.wait_dma2 semaphore(%arg24 : memref<!tpu.dma_semaphore, #tpu.memory_space<semaphore_mem>>) src(%dma_wait3A_324 : memref<1024xf32, #tpu.memory_space<vmem>>) dst(%dma_wait3A_322 : memref<1024xf32, #tpu.memory_space<vmem_shared>>)
      %dma_wait3A_325 = arith.constant 5120 : i32
      %dma_wait3A_326 = tpu.memref_slice %arg10[%dma_wait3A_325] : memref<8192xf32, #tpu.memory_space<vmem>> -> memref<1024xf32, #tpu.memory_space<vmem>>
      %dma_wait3A_327 = tpu.memref_slice %arg16[%mul3A_268] : memref<262144xf32, #tpu.memory_space<vmem_shared>> -> memref<1024xf32, #tpu.memory_space<vmem_shared>>
      %dma_wait3A_328 = tpu.memref_slice %arg16[%mul3A_268] : memref<262144xf32, #tpu.memory_space<vmem_shared>> -> memref<1024xf32, #tpu.memory_space<vmem_shared>>
      %dma_wait3A_329 = arith.constant 5120 : i32
      %dma_wait3A_330 = tpu.memref_slice %arg10[%dma_wait3A_329] : memref<8192xf32, #tpu.memory_space<vmem>> -> memref<1024xf32, #tpu.memory_space<vmem>>
      tpu.wait_dma2 semaphore(%arg24 : memref<!tpu.dma_semaphore, #tpu.memory_space<semaphore_mem>>) src(%dma_wait3A_330 : memref<1024xf32, #tpu.memory_space<vmem>>) dst(%dma_wait3A_328 : memref<1024xf32, #tpu.memory_space<vmem_shared>>)
      %dma_wait3A_331 = arith.constant 6144 : i32
      %dma_wait3A_332 = tpu.memref_slice %arg10[%dma_wait3A_331] : memref<8192xf32, #tpu.memory_space<vmem>> -> memref<1024xf32, #tpu.memory_space<vmem>>
      %dma_wait3A_333 = tpu.memref_slice %arg16[%mul3A_278] : memref<262144xf32, #tpu.memory_space<vmem_shared>> -> memref<1024xf32, #tpu.memory_space<vmem_shared>>
      %dma_wait3A_334 = tpu.memref_slice %arg16[%mul3A_278] : memref<262144xf32, #tpu.memory_space<vmem_shared>> -> memref<1024xf32, #tpu.memory_space<vmem_shared>>
      %dma_wait3A_335 = arith.constant 6144 : i32
      %dma_wait3A_336 = tpu.memref_slice %arg10[%dma_wait3A_335] : memref<8192xf32, #tpu.memory_space<vmem>> -> memref<1024xf32, #tpu.memory_space<vmem>>
      tpu.wait_dma2 semaphore(%arg24 : memref<!tpu.dma_semaphore, #tpu.memory_space<semaphore_mem>>) src(%dma_wait3A_336 : memref<1024xf32, #tpu.memory_space<vmem>>) dst(%dma_wait3A_334 : memref<1024xf32, #tpu.memory_space<vmem_shared>>)
      %dma_wait3A_337 = arith.constant 7168 : i32
      %dma_wait3A_338 = tpu.memref_slice %arg10[%dma_wait3A_337] : memref<8192xf32, #tpu.memory_space<vmem>> -> memref<1024xf32, #tpu.memory_space<vmem>>
      %dma_wait3A_339 = tpu.memref_slice %arg16[%mul3A_288] : memref<262144xf32, #tpu.memory_space<vmem_shared>> -> memref<1024xf32, #tpu.memory_space<vmem_shared>>
      %dma_wait3A_340 = tpu.memref_slice %arg16[%mul3A_288] : memref<262144xf32, #tpu.memory_space<vmem_shared>> -> memref<1024xf32, #tpu.memory_space<vmem_shared>>
      %dma_wait3A_341 = arith.constant 7168 : i32
      %dma_wait3A_342 = tpu.memref_slice %arg10[%dma_wait3A_341] : memref<8192xf32, #tpu.memory_space<vmem>> -> memref<1024xf32, #tpu.memory_space<vmem>>
      tpu.wait_dma2 semaphore(%arg24 : memref<!tpu.dma_semaphore, #tpu.memory_space<semaphore_mem>>) src(%dma_wait3A_342 : memref<1024xf32, #tpu.memory_space<vmem>>) dst(%dma_wait3A_340 : memref<1024xf32, #tpu.memory_space<vmem_shared>>)
      %barrier3A_343 = arith.constant 0 : index
      tpu.barrier barrier_id(%barrier3A_343)
      %mul3A_344 = arith.constant 16 : i32
      %mul3A_345 = arith.muli %arg1, %mul3A_344 : i32
      %add3A_346 = arith.constant 0 : i32
      %add3A_347 = arith.addi %mul3A_345, %add3A_346 : i32
      %mul3A_348 = arith.constant 1024 : i32
      %mul3A_349 = arith.muli %add3A_347, %mul3A_348 : i32
      "tpu.region"() ({
        %run_scoped3A = tpu.sem_alloc : memref<!tpu.dma_semaphore, #tpu.memory_space<semaphore_mem>>
        %dma_start3A_363 = arith.constant 0 : i32
        %dma_start3A_364 = tpu.memref_slice %arg11[%dma_start3A_363] : memref<9216xf32, #tpu.memory_space<vmem>> -> memref<8192xf32, #tpu.memory_space<vmem>>
        %dma_start3A_365 = tpu.memref_slice %arg16[%mul3A_349] : memref<262144xf32, #tpu.memory_space<vmem_shared>> -> memref<8192xf32, #tpu.memory_space<vmem_shared>>
        %dma_start3A_366 = arith.constant 0 : i32
        %dma_start3A_367 = tpu.memref_slice %arg11[%dma_start3A_366] : memref<9216xf32, #tpu.memory_space<vmem>> -> memref<8192xf32, #tpu.memory_space<vmem>>
        %dma_start3A_368 = tpu.memref_slice %arg16[%mul3A_349] : memref<262144xf32, #tpu.memory_space<vmem_shared>> -> memref<8192xf32, #tpu.memory_space<vmem_shared>>
        tpu.enqueue_dma source(%dma_start3A_368 : memref<8192xf32, #tpu.memory_space<vmem_shared>>) target(%dma_start3A_367 : memref<8192xf32, #tpu.memory_space<vmem>>) target_semaphore(%run_scoped3A : memref<!tpu.dma_semaphore, #tpu.memory_space<semaphore_mem>>)
        %dma_wait3A_369 = arith.constant 0 : i32
        %dma_wait3A_370 = tpu.memref_slice %arg11[%dma_wait3A_369] : memref<9216xf32, #tpu.memory_space<vmem>> -> memref<8192xf32, #tpu.memory_space<vmem>>
        %dma_wait3A_371 = tpu.memref_slice %arg16[%mul3A_349] : memref<262144xf32, #tpu.memory_space<vmem_shared>> -> memref<8192xf32, #tpu.memory_space<vmem_shared>>
        %dma_wait3A_372 = arith.constant 0 : i32
        %dma_wait3A_373 = tpu.memref_slice %arg11[%dma_wait3A_372] : memref<9216xf32, #tpu.memory_space<vmem>> -> memref<8192xf32, #tpu.memory_space<vmem>>
        %dma_wait3A_374 = tpu.memref_slice %arg16[%mul3A_349] : memref<262144xf32, #tpu.memory_space<vmem_shared>> -> memref<8192xf32, #tpu.memory_space<vmem_shared>>
        tpu.wait_dma2 semaphore(%run_scoped3A : memref<!tpu.dma_semaphore, #tpu.memory_space<semaphore_mem>>) src(%dma_wait3A_374 : memref<8192xf32, #tpu.memory_space<vmem_shared>>) dst(%dma_wait3A_373 : memref<8192xf32, #tpu.memory_space<vmem>>)
        tpu.yield
      }) : () -> ()
      %parallel_loop3A_350 = arith.constant 0 : i32
      %parallel_loop3A_351 = arith.constant 64 : i32
      %parallel_loop3A_352 = arith.constant 1 : i32
      scf.for %parallel_loop3A_363 = %parallel_loop3A_350 to %parallel_loop3A_351 step %parallel_loop3A_352  : i32 {
        %parallel_loop3A_364 = arith.constant 16 : i32
        %parallel_loop3A_365 = arith.muli %parallel_loop3A_363, %parallel_loop3A_364 : i32
        %parallel_loop3A_366 = vector.broadcast %parallel_loop3A_365 : i32 to vector<16xi32>
        %parallel_loop3A_367 = arith.addi %iota3A, %parallel_loop3A_366 : vector<16xi32>
        %parallel_loop3A_368 = arith.constant 1024 : i32
        %parallel_loop3A_369 = arith.muli %arg1, %parallel_loop3A_368 : i32
        %parallel_loop3A_370 = arith.constant 16 : i32
        %parallel_loop3A_371 = arith.muli %parallel_loop3A_363, %parallel_loop3A_370 : i32
        %parallel_loop3A_372 = arith.addi %parallel_loop3A_369, %parallel_loop3A_371 : i32
        %parallel_loop3A_373 = arith.index_cast %parallel_loop3A_372 : i32 to index
        %parallel_loop3A_374 = tpu.vector_load %arg9[%parallel_loop3A_373] {strides = array<i32>} : memref<16384xi32, #tpu.memory_space<vmem>>, vector<16xi32>,
        %parallel_loop3A_375 = arith.constant 16 : i32
        %parallel_loop3A_376 = vector.broadcast %parallel_loop3A_375 : i32 to vector<16xi32>
        %parallel_loop3A_377 = arith.shrsi %parallel_loop3A_374, %parallel_loop3A_376 : vector<16xi32>
        %parallel_loop3A_378 = arith.constant 0 : i32
        %parallel_loop3A_379 = vector.broadcast %parallel_loop3A_378 : i32 to vector<16xi32>
        %parallel_loop3A_380 = arith.subi %parallel_loop3A_377, %parallel_loop3A_379 : vector<16xi32>
        %parallel_loop3A_381 = arith.constant 0 : i32
        %parallel_loop3A_382 = vector.broadcast %parallel_loop3A_381 : i32 to vector<16xi32>
        %parallel_loop3A_383 = arith.cmpi sge, %parallel_loop3A_380, %parallel_loop3A_382 : vector<16xi32>
        %parallel_loop3A_384 = arith.constant 8 : i32
        %parallel_loop3A_385 = vector.broadcast %parallel_loop3A_384 : i32 to vector<16xi32>
        %parallel_loop3A_386 = arith.cmpi slt, %parallel_loop3A_380, %parallel_loop3A_385 : vector<16xi32>
        %parallel_loop3A_387 = arith.andi %parallel_loop3A_383, %parallel_loop3A_386 : vector<16xi1>
        %parallel_loop3A_388 = arith.constant 8 : i32
        %parallel_loop3A_389 = vector.broadcast %parallel_loop3A_388 : i32 to vector<16xi32>
        %parallel_loop3A_390 = arith.select %parallel_loop3A_387, %parallel_loop3A_380, %parallel_loop3A_389 : vector<16xi1>, vector<16xi32>
        %parallel_loop3A_391 = arith.constant 1024 : i32
        %parallel_loop3A_392 = vector.broadcast %parallel_loop3A_391 : i32 to vector<16xi32>
        %parallel_loop3A_393 = arith.muli %parallel_loop3A_390, %parallel_loop3A_392 : vector<16xi32>
        %parallel_loop3A_394 = arith.addi %parallel_loop3A_393, %parallel_loop3A_367 : vector<16xi32>
        %parallel_loop3A_395 = tpu.vector_load_idx %arg11[%parallel_loop3A_394] : memref<9216xf32, #tpu.memory_space<vmem>>[vector<16xi32>], vector<16xf32>,
        %parallel_loop3A_396 = arith.constant 0.000000e+00 : f32
        %parallel_loop3A_397 = vector.broadcast %parallel_loop3A_396 : f32 to vector<16xf32>
        %parallel_loop3A_398 = arith.select %parallel_loop3A_387, %parallel_loop3A_395, %parallel_loop3A_397 : vector<16xi1>, vector<16xf32>
        %parallel_loop3A_399 = arith.constant 16 : i32
        %parallel_loop3A_400 = arith.muli %parallel_loop3A_363, %parallel_loop3A_399 : i32
        %parallel_loop3A_401 = arith.index_cast %parallel_loop3A_400 : i32 to index
        %parallel_loop3A_402 = tpu.vector_load %arg12[%parallel_loop3A_401] {strides = array<i32>} : memref<1024xf32, #tpu.memory_space<vmem>>, vector<16xf32>,
        tpu.vector_store %arg12[%parallel_loop3A_401], %parallel_loop3A_398 {strides = array<i32>} : memref<1024xf32, #tpu.memory_space<vmem>>, vector<16xf32>,
      } {sc.loop_unroll_factor = 8 : i64, sc.parallel_access}
      %mul3A_353 = arith.constant 16 : i32
      %mul3A_354 = arith.muli %arg1, %mul3A_353 : i32
      %add3A_355 = arith.constant 8 : i32
      %add3A_356 = arith.addi %mul3A_354, %add3A_355 : i32
      %mul3A_357 = arith.constant 1024 : i32
      %mul3A_358 = arith.muli %add3A_356, %mul3A_357 : i32
      "tpu.region"() ({
        %run_scoped3A = tpu.sem_alloc : memref<!tpu.dma_semaphore, #tpu.memory_space<semaphore_mem>>
        %dma_start3A_363 = arith.constant 0 : i32
        %dma_start3A_364 = tpu.memref_slice %arg11[%dma_start3A_363] : memref<9216xf32, #tpu.memory_space<vmem>> -> memref<8192xf32, #tpu.memory_space<vmem>>
        %dma_start3A_365 = tpu.memref_slice %arg16[%mul3A_358] : memref<262144xf32, #tpu.memory_space<vmem_shared>> -> memref<8192xf32, #tpu.memory_space<vmem_shared>>
        %dma_start3A_366 = arith.constant 0 : i32
        %dma_start3A_367 = tpu.memref_slice %arg11[%dma_start3A_366] : memref<9216xf32, #tpu.memory_space<vmem>> -> memref<8192xf32, #tpu.memory_space<vmem>>
        %dma_start3A_368 = tpu.memref_slice %arg16[%mul3A_358] : memref<262144xf32, #tpu.memory_space<vmem_shared>> -> memref<8192xf32, #tpu.memory_space<vmem_shared>>
        tpu.enqueue_dma source(%dma_start3A_368 : memref<8192xf32, #tpu.memory_space<vmem_shared>>) target(%dma_start3A_367 : memref<8192xf32, #tpu.memory_space<vmem>>) target_semaphore(%run_scoped3A : memref<!tpu.dma_semaphore, #tpu.memory_space<semaphore_mem>>)
        %dma_wait3A_369 = arith.constant 0 : i32
        %dma_wait3A_370 = tpu.memref_slice %arg11[%dma_wait3A_369] : memref<9216xf32, #tpu.memory_space<vmem>> -> memref<8192xf32, #tpu.memory_space<vmem>>
        %dma_wait3A_371 = tpu.memref_slice %arg16[%mul3A_358] : memref<262144xf32, #tpu.memory_space<vmem_shared>> -> memref<8192xf32, #tpu.memory_space<vmem_shared>>
        %dma_wait3A_372 = arith.constant 0 : i32
        %dma_wait3A_373 = tpu.memref_slice %arg11[%dma_wait3A_372] : memref<9216xf32, #tpu.memory_space<vmem>> -> memref<8192xf32, #tpu.memory_space<vmem>>
        %dma_wait3A_374 = tpu.memref_slice %arg16[%mul3A_358] : memref<262144xf32, #tpu.memory_space<vmem_shared>> -> memref<8192xf32, #tpu.memory_space<vmem_shared>>
        tpu.wait_dma2 semaphore(%run_scoped3A : memref<!tpu.dma_semaphore, #tpu.memory_space<semaphore_mem>>) src(%dma_wait3A_374 : memref<8192xf32, #tpu.memory_space<vmem_shared>>) dst(%dma_wait3A_373 : memref<8192xf32, #tpu.memory_space<vmem>>)
        tpu.yield
      }) : () -> ()
      %parallel_loop3A_359 = arith.constant 0 : i32
      %parallel_loop3A_360 = arith.constant 64 : i32
      %parallel_loop3A_361 = arith.constant 1 : i32
      scf.for %parallel_loop3A_363 = %parallel_loop3A_359 to %parallel_loop3A_360 step %parallel_loop3A_361  : i32 {
        %parallel_loop3A_364 = arith.constant 16 : i32
        %parallel_loop3A_365 = arith.muli %parallel_loop3A_363, %parallel_loop3A_364 : i32
        %parallel_loop3A_366 = vector.broadcast %parallel_loop3A_365 : i32 to vector<16xi32>
        %parallel_loop3A_367 = arith.addi %iota3A, %parallel_loop3A_366 : vector<16xi32>
        %parallel_loop3A_368 = arith.constant 1024 : i32
        %parallel_loop3A_369 = arith.muli %arg1, %parallel_loop3A_368 : i32
        %parallel_loop3A_370 = arith.constant 16 : i32
        %parallel_loop3A_371 = arith.muli %parallel_loop3A_363, %parallel_loop3A_370 : i32
        %parallel_loop3A_372 = arith.addi %parallel_loop3A_369, %parallel_loop3A_371 : i32
        %parallel_loop3A_373 = arith.index_cast %parallel_loop3A_372 : i32 to index
        %parallel_loop3A_374 = tpu.vector_load %arg9[%parallel_loop3A_373] {strides = array<i32>} : memref<16384xi32, #tpu.memory_space<vmem>>, vector<16xi32>,
        %parallel_loop3A_375 = arith.constant 16 : i32
        %parallel_loop3A_376 = vector.broadcast %parallel_loop3A_375 : i32 to vector<16xi32>
        %parallel_loop3A_377 = arith.shrsi %parallel_loop3A_374, %parallel_loop3A_376 : vector<16xi32>
        %parallel_loop3A_378 = arith.constant 8 : i32
        %parallel_loop3A_379 = vector.broadcast %parallel_loop3A_378 : i32 to vector<16xi32>
        %parallel_loop3A_380 = arith.subi %parallel_loop3A_377, %parallel_loop3A_379 : vector<16xi32>
        %parallel_loop3A_381 = arith.constant 0 : i32
        %parallel_loop3A_382 = vector.broadcast %parallel_loop3A_381 : i32 to vector<16xi32>
        %parallel_loop3A_383 = arith.cmpi sge, %parallel_loop3A_380, %parallel_loop3A_382 : vector<16xi32>
        %parallel_loop3A_384 = arith.constant 8 : i32
        %parallel_loop3A_385 = vector.broadcast %parallel_loop3A_384 : i32 to vector<16xi32>
        %parallel_loop3A_386 = arith.cmpi slt, %parallel_loop3A_380, %parallel_loop3A_385 : vector<16xi32>
        %parallel_loop3A_387 = arith.andi %parallel_loop3A_383, %parallel_loop3A_386 : vector<16xi1>
        %parallel_loop3A_388 = arith.constant 8 : i32
        %parallel_loop3A_389 = vector.broadcast %parallel_loop3A_388 : i32 to vector<16xi32>
        %parallel_loop3A_390 = arith.select %parallel_loop3A_387, %parallel_loop3A_380, %parallel_loop3A_389 : vector<16xi1>, vector<16xi32>
        %parallel_loop3A_391 = arith.constant 1024 : i32
        %parallel_loop3A_392 = vector.broadcast %parallel_loop3A_391 : i32 to vector<16xi32>
        %parallel_loop3A_393 = arith.muli %parallel_loop3A_390, %parallel_loop3A_392 : vector<16xi32>
        %parallel_loop3A_394 = arith.addi %parallel_loop3A_393, %parallel_loop3A_367 : vector<16xi32>
        %parallel_loop3A_395 = tpu.vector_load_idx %arg11[%parallel_loop3A_394] : memref<9216xf32, #tpu.memory_space<vmem>>[vector<16xi32>], vector<16xf32>,
        %parallel_loop3A_396 = arith.constant 0.000000e+00 : f32
        %parallel_loop3A_397 = vector.broadcast %parallel_loop3A_396 : f32 to vector<16xf32>
        %parallel_loop3A_398 = arith.select %parallel_loop3A_387, %parallel_loop3A_395, %parallel_loop3A_397 : vector<16xi1>, vector<16xf32>
        %parallel_loop3A_399 = arith.constant 16 : i32
        %parallel_loop3A_400 = arith.muli %parallel_loop3A_363, %parallel_loop3A_399 : i32
        %parallel_loop3A_401 = arith.index_cast %parallel_loop3A_400 : i32 to index
        %parallel_loop3A_402 = tpu.vector_load %arg12[%parallel_loop3A_401] {strides = array<i32>} : memref<1024xf32, #tpu.memory_space<vmem>>, vector<16xf32>,
        %parallel_loop3A_403 = arith.addf %parallel_loop3A_402, %parallel_loop3A_398 : vector<16xf32>
        %parallel_loop3A_404 = arith.constant 16 : i32
        %parallel_loop3A_405 = arith.muli %parallel_loop3A_363, %parallel_loop3A_404 : i32
        %parallel_loop3A_406 = arith.index_cast %parallel_loop3A_405 : i32 to index
        %parallel_loop3A_407 = tpu.vector_load %arg12[%parallel_loop3A_406] {strides = array<i32>} : memref<1024xf32, #tpu.memory_space<vmem>>, vector<16xf32>,
        tpu.vector_store %arg12[%parallel_loop3A_406], %parallel_loop3A_403 {strides = array<i32>} : memref<1024xf32, #tpu.memory_space<vmem>>, vector<16xf32>,
      } {sc.loop_unroll_factor = 8 : i64, sc.parallel_access}
      "tpu.region"() ({
        %run_scoped3A = tpu.sem_alloc : memref<!tpu.dma_semaphore, #tpu.memory_space<semaphore_mem>>
        %dma_start3A_363 = tpu.memref_slice %arg5[%arg0, %add3A_44] : memref<2x4194304xf32, #tpu.memory_space<hbm>> -> memref<1x1024xf32, #tpu.memory_space<hbm>>
        %dma_start3A_364 = tpu.memref_squeeze %dma_start3A_363 : memref<1x1024xf32, #tpu.memory_space<hbm>> -> memref<1024xf32, #tpu.memory_space<hbm>>
        %dma_start3A_365 = tpu.memref_slice %arg5[%arg0, %add3A_44] : memref<2x4194304xf32, #tpu.memory_space<hbm>> -> memref<1x1024xf32, #tpu.memory_space<hbm>>
        %dma_start3A_366 = tpu.memref_squeeze %dma_start3A_365 : memref<1x1024xf32, #tpu.memory_space<hbm>> -> memref<1024xf32, #tpu.memory_space<hbm>>
        tpu.enqueue_dma source(%arg12 : memref<1024xf32, #tpu.memory_space<vmem>>) target(%dma_start3A_366 : memref<1024xf32, #tpu.memory_space<hbm>>) target_semaphore(%run_scoped3A : memref<!tpu.dma_semaphore, #tpu.memory_space<semaphore_mem>>)
        %dma_wait3A_367 = tpu.memref_slice %arg5[%arg0, %add3A_44] : memref<2x4194304xf32, #tpu.memory_space<hbm>> -> memref<1x1024xf32, #tpu.memory_space<hbm>>
        %dma_wait3A_368 = tpu.memref_squeeze %dma_wait3A_367 : memref<1x1024xf32, #tpu.memory_space<hbm>> -> memref<1024xf32, #tpu.memory_space<hbm>>
        %dma_wait3A_369 = tpu.memref_slice %arg5[%arg0, %add3A_44] : memref<2x4194304xf32, #tpu.memory_space<hbm>> -> memref<1x1024xf32, #tpu.memory_space<hbm>>
        %dma_wait3A_370 = tpu.memref_squeeze %dma_wait3A_369 : memref<1x1024xf32, #tpu.memory_space<hbm>> -> memref<1024xf32, #tpu.memory_space<hbm>>
        tpu.wait_dma2 semaphore(%run_scoped3A : memref<!tpu.dma_semaphore, #tpu.memory_space<semaphore_mem>>) src(%arg12 : memref<1024xf32, #tpu.memory_space<vmem>>) dst(%dma_wait3A_370 : memref<1024xf32, #tpu.memory_space<hbm>>)
        tpu.yield
      }) : () -> ()
      %barrier3A_362 = arith.constant 0 : index
      tpu.barrier barrier_id(%barrier3A_362)
    }
    %scan3A_36 = arith.constant 256 : i32
    return
  }
}

</mosaic_0001>

<sc_bundles>
// kernel: kernel.3.cloned.1.call-start
scs
__scs_entry_jumppad:
0x0: {  	(pc) =	sbr.rel $0x88, $3  }
0x1: {  	(tag) =	ssettag $0x0;
	lr =	simm.s32 $0x1  }
0x2: {  	[smem:$0x3F9E] =	sst lr;
	_ =	strace $0xD0000000  }
0x3: {  	_ = 	snop  }
0x4: {  	_ = 	snop  }
0x5: {  	_ = 	snop  }
0x6: {  	_ = 	snop  }
0x7: {  	_ = 	snop  }
__scs_overlays_trampoline_lowered:
0x8: {  	[smem:$0x3FAD] =	sst s0  }
0x9: {  	[smem:$0x3FAE] =	sst s1  }
0xa: {  	[smem:$0x3FAF] =	sst s2  }
0xb: {  	[smem:$0x3FB0] =	sst s3  }
0xc: {  	[smem:$0x3FB1] =	sst s4  }
0xd: {  	[smem:$0x3FB2] =	sst s5  }
0xe: {  	[smem:$0x3FB3] =	sst s6  }
0xf: {  	[smem:$0x3FB4] =	sst s7  }
0x10: {  	[smem:$0x3FB5] =	sst s8  }
0x11: {  	[smem:$0x3FB6] =	sst s9;
	s0 =	simm.s32 @!p0 $0x0  }
0x12: {  	s1 =	sld [smem:$0x3F9C];
	s0 =	simm.s32 @p0 $0x1  }
0x13: {  	[smem:$0x3FB7] =	sst s0;
	s0 =	simm.s32 @!p1 $0x0  }
0x14: {  	s2 =	sld [smem:$0x3F9B];
	s0 =	simm.s32 @p1 $0x1  }
0x15: {  	[smem:$0x3FB8] =	sst s0;
	s0 =	simm.s32 @!p2 $0x0  }
0x16: {  	s3 =	sld [smem:$0x3FDB];
	s0 =	simm.s32 @p2 $0x1  }
0x17: {  	s4 =	simm.s32 $0x1BF5;
	[smem:$0x3FBA] =	sst s0  }
0x18: {  	s0 =	sld [smem:$0x3F9D];
	_ =	swait.ge [sflag:s4], $0x0  }
0x19: {  	s7 =	sld [smem:$0x3F9E]  }
0x1a: {  	s8 =	sadd.s32 $0xFFFFE003, lr  }
0x1b: {  	s9 =	sadd.s32 $0xFFFFFEF7, lr;
	s5 =	simm.s32 $0xFFFFFFFF;
	p2 =	slt.u32 s8, $0xFFFFF086  }
0x1c: {  	p1 =	slt.u32 s9, $0xF7A;
	s5 =	simm.s32 @!p2 $0x0  }
0x1d: {  	s5 =	simm.s32 @p1 $0x1;
	p0 =	seq.s32 s7, s2  }
0x1e: {  	s7 =	smul.u32 @!p0 $0xF7A, s2;
	p2 =	seq.s32 @!p0 s5, $0x0  }
0x1f: {  	s9 =	smul.u32 $0xF7A, s1;
	s8 =	simm.s32 @!p0 $0x1BF5;
	p2 =	por !p2, p0  }
0x20: {  	[sflag:s8] =	ssyncset.s32 @!p0 $0xFFFFF086;
	s6 =	sadd.s32 @!p0 s3, s7;
	s7 =	simm.s32 @!p0 $0x108  }
0x21: {  	s3 =	sadd.s32 s3, s9;
	s6 =	sadd.s32 @!p0 $0x88, s6;
	s7 =	simm.s32 @p2 $0x1082  }
0x22: {  	[simem:s7], [sflag:s8] =	dma.local @!p0 [hbm:s6], $0xF7A  }
0x23: {  	s9 =	sor.u32 $0xD0000000, s2;
	s6 =	simm.s32 $0x108;
	_ =	swait.ge @!p0 [sflag:s8], $0x0  }
0x24: {  	s3 =	sadd.s32 $0x88, s3;
	s6 =	simm.s32 @!p1 $0x1082;
	[sflag:s4] =	ssyncset.s32 $0xFFFFF086  }
0x25: {  	[simem:s6], [sflag:s4] =	dma.local [hbm:s3], $0xF7A  }
0x26: {  	[smem:$0x3F9E] =	sst s1;
	(tag) =	ssettag s2;
	_ =	strace s9  }
0x27: {  	s1 =	sld [smem:$0x3FAE]  }
0x28: {  	s2 =	sld [smem:$0x3FAF]  }
0x29: {  	s4 =	sld [smem:$0x3FB1]  }
0x2a: {  	p0 =	seq.s32 s5, $0x0;
	s5 =	sld [smem:$0x3FB2]  }
0x2b: {  	s6 =	sld [smem:$0x3FB3]  }
0x2c: {  	s7 =	sld [smem:$0x3FB4]  }
0x2d: {  	s3 =	simm.s32 $0x108;
	s8 =	sld [smem:$0x3FB5]  }
0x2e: {  	s3 =	simm.s32 @!p0 $0x1082;
	s9 =	sld [smem:$0x3FB6]  }
0x2f: {  	lr =	sadd.s32 s0, s3;
	s0 =	sld [smem:$0x3FAD]  }
0x30: {  	s3 =	sld [smem:$0x3FB0]  }
0x31: {  	[smem:$0x3FB9] =	sst s10  }
0x32: {  	s10 =	sld [smem:$0x3FB7];
	_ =	sdelay $0x3  }
0x33: {  	p0 =	seq.s32 s10, $0x1;
	s10 =	sld [smem:$0x3FB9];
	_ =	sdelay $0x3  }
0x34: {  	[smem:$0x3FB9] =	sst s10  }
0x35: {  	s10 =	sld [smem:$0x3FB8];
	_ =	sdelay $0x3  }
0x36: {  	p1 =	seq.s32 s10, $0x1;
	s10 =	sld [smem:$0x3FB9];
	_ =	sdelay $0x3  }
0x37: {  	[smem:$0x3FB9] =	sst s10  }
0x38: {  	s10 =	sld [smem:$0x3FBA]  }
0x39: {  	_ = 	snop;
	(pc) =	sbr.ind lr, $3  }
0x3a: {  	_ = 	snop  }
0x3b: {  	_ = 	snop  }
0x3c: {  	p2 =	seq.s32 s10, $0x1;
	s10 =	sld [smem:$0x3FB9]  }
0x3d: {  	_ =	shalt  }
0x3e: {  	_ =	shalt  }
0x3f: {  	_ =	shalt  }
0x40: {  	_ =	shalt  }
0x41: {  	_ =	shalt  }
0x42: {  	_ =	shalt  }
0x43: {  	_ =	shalt  }
0x44: {  	_ =	shalt  }
0x45: {  	_ =	shalt  }
0x46: {  	_ =	shalt  }
0x47: {  	_ =	shalt  }
0x48: {  	_ =	shalt  }
0x49: {  	_ =	shalt  }
0x4a: {  	_ =	shalt  }
0x4b: {  	_ =	shalt  }
0x4c: {  	_ =	shalt  }
0x4d: {  	_ =	shalt  }
0x4e: {  	_ =	shalt  }
0x4f: {  	_ =	shalt  }
0x50: {  	_ =	shalt  }
0x51: {  	_ =	shalt  }
0x52: {  	_ =	shalt  }
0x53: {  	_ =	shalt  }
0x54: {  	_ =	shalt  }
0x55: {  	_ =	shalt  }
0x56: {  	_ =	shalt  }
0x57: {  	_ =	shalt  }
0x58: {  	_ =	shalt  }
0x59: {  	_ =	shalt  }
0x5a: {  	_ =	shalt  }
0x5b: {  	_ =	shalt  }
0x5c: {  	_ =	shalt  }
0x5d: {  	_ =	shalt  }
0x5e: {  	_ =	shalt  }
0x5f: {  	_ =	shalt  }
0x60: {  	_ =	shalt  }
0x61: {  	_ =	shalt  }
0x62: {  	_ =	shalt  }
0x63: {  	_ =	shalt  }
0x64: {  	_ =	shalt  }
0x65: {  	_ =	shalt  }
0x66: {  	_ =	shalt  }
0x67: {  	_ =	shalt  }
0x68: {  	_ =	shalt  }
0x69: {  	_ =	shalt  }
0x6a: {  	_ =	shalt  }
0x6b: {  	_ =	shalt  }
0x6c: {  	_ =	shalt  }
0x6d: {  	_ =	shalt  }
0x6e: {  	_ =	shalt  }
0x6f: {  	_ =	shalt  }
0x70: {  	_ =	shalt  }
0x71: {  	_ =	shalt  }
0x72: {  	_ =	shalt  }
0x73: {  	_ =	shalt  }
0x74: {  	_ =	shalt  }
0x75: {  	_ =	shalt  }
0x76: {  	_ =	shalt  }
0x77: {  	_ =	shalt  }
0x78: {  	_ =	shalt  }
0x79: {  	_ =	shalt  }
0x7a: {  	_ =	shalt  }
0x7b: {  	_ =	shalt  }
0x7c: {  	_ =	shalt  }
0x7d: {  	_ =	shalt  }
0x7e: {  	_ =	shalt  }
0x7f: {  	_ =	shalt  }
0x80: {  	_ =	shalt  }
0x81: {  	_ =	shalt  }
0x82: {  	_ =	shalt  }
0x83: {  	_ =	shalt  }
0x84: {  	_ =	shalt  }
0x85: {  	_ =	shalt  }
0x86: {  	_ =	shalt  }
0x87: {  	_ =	shalt  }
.Lfunc_end0:
.L_simem_size_0:
called_computation_lowered:
.L_overlay_start_0:
0x88: {  	s2 =	sld [smem:$0x3FD9]  }
0x89: {  	s3 =	sld [smem:$0x3FFE];
	_ =	sdelay $0x1  }
0x8a: {  	s1 =	srdreg.scid  }
0x8b: {  	s0 =	sand.u32 $0x1, s1  }
0x8c: {  	s17 =	sshll.u32 s0, $0xA;
	s2 =	sadd.s32 s3, s2  }
0x8d: {  	s2 =	sadd.s32 s2, s17  }
0x8e: {  	[smem:$0x3FC5] =	sst s2  }
0x8f: {  	_ = 	snop  }
0x90: {  	s2 =	sld [smem:$0x3FC8]  }
0x91: {  	s18 =	sld [smem:$0x3FC7];
	(tm) =	ssettm $0x1  }
0x92: {  	s4 =	sld [smem:$0x3FFB];
	_ =	sdelay $0x3  }
0x93: {  	_ =	strace s4  }
0x94: {  	s4 =	sld [smem:$0x3FFC];
	_ =	sdelay $0x3  }
0x95: {  	_ =	strace s4  }
0x96: {  	s4 =	sld [smem:$0x3FFD];
	_ =	sdelay $0x3  }
0x97: {  	_ =	strace s4  }
0x98: {  	_ =	strace $0x8FFFFFFF  }
0x99: {  	s19 =	sld [smem:$0x3FDB];
	_ =	sdelay $0x1  }
0x9a: {  	s5 =	simm.s32 $_scs_section_size  }
0x9b: {  	s6 =	simm.s32 $_size__tile_overlayer_lowered;
	s7 =	simm.s32 $_tile_overlayer_lowered  }
0x9c: {  	s22 =	simm.s32 $0x1BFF;
	s21 =	sshll.u32 s7, $0x1;
	s4 =	sadd.s32 s5, s19  }
0x9d: {  	s8 =	simm.s32 $0x0;
	s20 =	sshll.u32 s6, $0x1;
	s6 =	sadd.s32 s21, s4  }
0x9e: {  	[timem:s8], [sflag:s22] =	dma.local [hbm:s6], s20  }
0x9f: {  	_ =	swait.ge [sflag:s22], s20  }
0xa0: {  	s5 =	ssub.s32 $0x0, s20;
	[sflag:s22] =	ssyncset.done $0x0  }
0xa1: {  	[sflag:s22] =	ssyncadd.s32 s5;
	_ =	sdelay $0x1  }
0xa2: {  	s23 =	simm.s32 $0x1B8B  }
0xa3: {  	_ =	swait.ge [sflag:s23], $0x1  }
0xa4: {  	[sflag:s23] =	ssyncset.done $0x0  }
0xa5: {  	s25 =	simm.s32 $0x1B8E;
	s24 =	sld [smem:$0x3FFE];
	[sflag:s23] =	ssyncadd.s32 $0xFFFFFFFF  }
0xa6: {  	s26 =	simm.s32 $execute0_lowered;
	[smem:$0x3FD2] =	sst s25  }
0xa7: {  	s6 =	sshll.u32 s26, $0x1;
	_ =	strace $0x80000046;
	[dreg:$0x1] =	wrdreg $0xFFFFFFFF  }
0xa8: {  	s28 =	simm.s32 $_size_execute0_lowered;
	s4 =	sadd.s32 s4, s6;
	[dreg:$0x0] =	wrdreg $0x0  }
0xa9: {  	s6 =	sshll.u32 s28, $0x1;
	[dreg:$0x2] =	wrdreg s4  }
0xaa: {  	[dreg:$0x3] =	wrdreg s6  }
0xab: {  	[dreg:$0x4] =	wrdreg $0xC0  }
0xac: {  	_ =	task [dreg:s8], $0x5FFFF  }
0xad: {  	[dreg:$0x1] =	wrdreg $0xFFFFFFFF  }
0xae: {  	[dreg:$0x0] =	wrdreg $0x60  }
0xaf: {  	[dreg:$0x2] =	wrdreg s24  }
0xb0: {  	[dreg:$0x3] =	wrdreg s2  }
0xb1: {  	[dreg:$0x4] =	wrdreg s18  }
0xb2: {  	[dreg:$0x5] =	wrdreg $0x1AC800  }
0xb3: {  	[dreg:$0x6] =	wrdreg $0x1A4800  }
0xb4: {  	[dreg:$0x7] =	wrdreg $0x1B8800  }
0xb5: {  	[dreg:$0x8] =	wrdreg $0x9  }
0xb6: {  	_ =	task.clear_ibuf [dreg:s8], $0x9FFFF;
	_ =	strace $0x90000046  }
0xb7: {  	s29 =	simm.s32 $0x9;
	_ =	strace $0x80000048  }
0xb8: {  	_ =	swait.ge [sflag:s29], $0x1  }
0xb9: {  	[sflag:s29] =	ssyncadd.s32 $0xFFFFFFFF  }
0xba: {  	_ =	strace $0x90000048  }
0xbb: {  	_ =	sfence  }
0xbc: {  	s30 =	sld [smem:$0x0];
	_ =	sdelay $0x2  }
0xbd: {  	s31 =	sshll.u32 s1, $0xD;
	s1 =	sshrl.u32 s1, $0x2  }
0xbe: {  	s3 =	sand.u32 $0x4000, s31;
	s1 =	sadd.s32 s1, s30  }
0xbf: {  	s0 =	sor.u32 s3, s0;
	s1 =	sshll.u32 s1, $0x11  }
0xc0: {  	s0 =	sor.u32 s1, s0  }
0xc1: {  	s0 =	sadd.s32 $0x8F2B, s0  }
0xc2: {  	[sflag:s0] =	ssyncadd.remote.s32 $0x1  }
0xc3: {  	_ =	sfence.sel $0xFFFF  }
0xc4: {  	[dreg:$0x0] =	wrdreg $0xFFFFFFFF;
	(pc) =	sbr.abs _section_cstart, $3  }
0xc5: {  	[dreg:$0x1] =	wrdreg $0xFFFFFFFF  }
0xc6: {  	_ =	task.clear_ibuf [dreg:s8], $0x2FFFF;
	_ =	strace $0x9FFFFFFF  }
0xc7: {  	(tm) =	ssettm $0x7FFFFFFF  }
tec
execute0_lowered:
.L_overlay_start_1:
0x0: {  	(tag) =	ssettag $0x1  }
0x1: {  	s1 =	rddreg [dreg:$0x0]  }
0x2: {  	s11 =	rddreg [dreg:$0x1]  }
0x3: {  	s2 =	rddreg [dreg:$0x2]  }
0x4: {  	s12 =	rddreg [dreg:$0x3]  }
0x5: {  	s3 =	rddreg [dreg:$0x5];
	s4 =	simm.s32 $0x0;
	s0 =	srdreg.scid  }
0x6: {  	s14 =	stileid.u32;
	[smem:$0x7FF] =	sst s4;
	s23 =	sadd.s32 $0x100800, s1  }
0x7: {  	s24 =	sshll.u32 s14, $0x12;
	_ =	strace $0x80000047;
	[dreg:$0x8] =	wrdreg s23  }
0x8: {  	s13 =	sadd.s32 $0x4000800, s1;
	s5 =	sand.u32 $0x1, s0;
	[dreg:$0xb] =	wrdreg s24  }
0x9: {  	s6 =	sshll.u32 s14, $0x10;
	s15 =	sadd.s32 $0x800, s1;
	[dreg:$0x7] =	wrdreg s13  }
0xa: {  	s10 =	smul.u32 $0x18000, s14;
	s1 =	sadd.s32 $0x1000, s1;
	[dreg:$0x9] =	wrdreg s15  }
0xb: {  	s0 =	sshll.u32 s5, $0x14;
	s30 =	sshll.u32 s5, $0x7;
	[dreg:$0x12] =	wrdreg s1  }
0xc: {  	s7 =	ssub.s32 $0x2, s5;
	s25 =	sadd.s32 s13, s10;
	[dreg:$0x10] =	wrdreg s30  }
0xd: {  	s8 =	sor.u32 s6, s0;
	s10 =	sshll.u32 s14, $0xA;
	[dreg:$0xc] =	wrdreg s25  }
0xe: {  	s8 =	sshrl.u32 s8, $0x3;
	s31 =	sadd.s32 s10, s3;
	[dreg:$0xd] =	wrdreg s10  }
0xf: {  	s9 =	sshrl.u32 s7, $0x1;
	s2 =	sadd.s32 s2, s8;
	[dreg:$0x11] =	wrdreg s31  }
0x10: {  	s7 =	ssub.s32 s7, s9;
	s8 =	sadd.s32 $0x4000, s31;
	[dreg:$0xa] =	wrdreg s2  }
0x11: {  	s13 =	sadd.s32 s10, s12;
	s12 =	sadd.s32 $0x8000, s31;
	[dreg:$0x13] =	wrdreg s8  }
0x12: {  	s16 =	smax.u32 s7, $0x1;
	[dreg:$0x14] =	wrdreg s12  }
0x13: {  	s17 =	sadd.s32 $0xC000, s31;
	[dreg:$0x17] =	wrdreg s16  }
0x14: {  	s26 =	sshll.u32 s14, $0xF;
	s18 =	sadd.s32 $0x10000, s31;
	[dreg:$0x18] =	wrdreg s17  }
0x15: {  	s28 =	sshll.u32 s14, $0x8;
	s19 =	sadd.s32 $0x14000, s31;
	[dreg:$0x19] =	wrdreg s18  }
0x16: {  	s29 =	sshll.u32 s5, $0x4;
	s20 =	sadd.s32 $0x18000, s31;
	[dreg:$0x1a] =	wrdreg s19  }
0x17: {  	s5 =	simm.s32 $0x7;
	s21 =	sadd.s32 $0x1C000, s31;
	[dreg:$0x1b] =	wrdreg s20  }
0x18: {  	s9 =	sadd.s32 $0x100000, s0;
	s22 =	sadd.s32 $0x20000, s31;
	[dreg:$0x1c] =	wrdreg s21  }
0x19: {  	s23 =	sadd.s32 $0x24000, s31;
	s24 =	sadd.s32 $0x28000, s31;
	[dreg:$0x1d] =	wrdreg s22  }
0x1a: {  	s25 =	sadd.s32 $0x2C000, s31;
	s7 =	simm.s32 $0x8;
	[dreg:$0x1e] =	wrdreg s23  }
0x1b: {  	v1 =	vmov s9;
	s9 =	simm.s32 $0x7C00;
	s2 =	sadd.s32 s11, s26;
	[dreg:$0x1f] =	wrdreg s24  }
0x1c: {  	s11 =	sshrl.u32 s6, $0x2;
	[smem:$0x7F8] =	sst s25;
	s26 =	sadd.s32 $0x30000, s31  }
0x1d: {  	s6 =	simm.s32 $0x1;
	s8 =	simm.s32 $0x80;
	[dreg:$0xe] =	wrdreg s2  }
0x1e: {  	s2 =	sadd.s32 s15, s28;
	[smem:$0x7F9] =	sst s26;
	s28 =	sadd.s32 $0x34000, s31  }
0x1f: {  	s12 =	simm.s32 $0x3;
	s3 =	sadd.s32 s11, s3;
	[smem:$0x7FA] =	sst s28  }
0x20: {  	s15 =	sshll.u32 s14, $0x13;
	s2 =	sadd.s32 s29, s2;
	[dreg:$0x15] =	wrdreg s3  }
0x21: {  	s18 =	simm.s32 $0x2;
	s1 =	sor.u32 s30, s15;
	[dreg:$0xf] =	wrdreg s2  }
0x22: {  	s20 =	simm.s32 $0x5C00;
	s29 =	sadd.s32 $0x38000, s31;
	[dreg:$0x16] =	wrdreg s1  }
0x23: {  	s22 =	simm.s32 $0x5;
	s30 =	sadd.s32 $0x3C000, s31;
	[smem:$0x7FB] =	sst s29  }
0x24: {  	v2 =	vlaneseq.u32;
	s21 =	simm.s32 $0x4;
	s31 =	sadd.s32 $0x2000, s3;
	[smem:$0x7FC] =	sst s30  }
0x25: {  	v5 =	vmul.u32 $0x3, v2;
	s24 =	simm.s32 $0x6;
	s3 =	simm.s32 $0x0;
	[smem:$0x7FD] =	sst s31  }
0x26: {  	v4 =	vimm.f32 $0.0e+00;
	v3 =	vmov s14;
	v0 =	vmov s0;
	s1 =	sadd.s32 $0x1C40, s10;
	s2 =	simm.s32 $0xA400;
	s10 =	simm.s32 $0x100  }
.LBB2_1:
0x27: {  	[smem:$0x7F7] =	sst s3  }
0x28: {  	s0 =	rddreg [dreg:$0xa]  }
0x29: {  	[tilespmem:s2], [sflag:$0x8] =	stream.linear.gather [hbm4b:s0+s4], $0x10000, $0x38;
	[tilespmem:$0x1F880] =	vst v63  }
0x2a: {  	_ =	swait.ge [sflag:s7], $0x10000  }
0x2b: {  	[sflag:s7] =	ssyncset.done $0x0  }
0x2c: {  	[sflag:s7] =	ssyncadd.s32 $0xFFFF0000  }
0x2d: {  	[tilespmem:$0x1A400] =	vst v4  }
0x2e: {  	s28 =	stileid.u32;
	s30 =	sshrl.u32 s13, $0x3;
	[bflag:$0x0] =	sbarrier.arrive $0xFFFF  }
0x2f: {  	p0 =	por $0x0, $0x0;
	s29 =	sshll.u32 s28, $0x6;
	s26 =	rddreg [dreg:$0xc]  }
0x30: {  	s23 =	simm.s32 $0x0;
	s11 =	sor.u32 $0x1C02, s29;
	s31 =	rddreg [dreg:$0xe]  }
0x31: {  	[tilespmem:s4], [sflag:$0x1] =	stream.linear.gather [hbm4b:s26+s4], $0xC00, $0x38;
	[tilespmem:$0x1F880] =	vst v63  }
0x32: {  	[spmem:s30], [sflag:s11] =	dma.local [hbm:s31], $0x80  }
.LBB2_3:
0x33: {  	s3 =	simm.s32 $0x1  }
0x34: {  	s3 =	simm.s32 @!p0 $0x0  }
0x35: {  	s3 =	smul.u32 $0xC00, s3;
	_ =	sdelay $0x1  }
0x36: {  	s15 =	sor.u32 $0x152, s3  }
0x37: {  	s14 =	sadd.s32 $0xFFFFFEDE, s15;
	v6 =	vadd.s32 s15, v5  }
0x38: {  	s30 =	sadd.s32 $0xFFFFFEDF, s15;
	v8 =	vadd.s32 s14, v5  }
0x39: {  	_ =	swait.ge [sflag:s6], $0xC00;
	s31 =	sadd.s32 $0xFFFFFF0E, s15;
	v9 =	vadd.s32 s30, v5  }
0x3a: {  	[sflag:s6] =	ssyncset.done $0x0;
	s0 =	sadd.s32 $0xFFFFFF0F, s15;
	v10 =	vadd.s32 s31, v5  }
0x3b: {  	[sflag:s6] =	ssyncadd.s32 $0xFFFFF400;
	s16 =	sadd.s32 $0xFFFFFF3E, s15;
	v11 =	vadd.s32 s0, v5  }
0x3c: {  	s17 =	sadd.s32 $0xFFFFFF3F, s15;
	v13 =	vadd.s32 s16, v5;
	v6 =	vld.idx.msk [tilespmem:v6+s4+$0x0], $0xffff  }
0x3d: {  	s26 =	sadd.s32 $0xFFFFFF6E, s15;
	v14 =	vadd.s32 s17, v5;
	v8 =	vld.idx.msk [tilespmem:v8+s4+$0x0], $0xffff  }
0x3e: {  	s19 =	sadd.s32 $0xFFFFFF6F, s15;
	v15 =	vor.u32 s26, v5;
	v9 =	vld.idx.msk [tilespmem:v9+s4+$0x0], $0xffff  }
0x3f: {  	s25 =	sadd.s32 $0xFFFFFF9E, s15;
	v17 =	vadd.s32 s19, v5;
	v10 =	vld.idx.msk [tilespmem:v10+s4+$0x0], $0xffff  }
0x40: {  	s28 =	sadd.s32 $0xFFFFFF9F, s15;
	v18 =	vadd.s32 s25, v5;
	v11 =	vld.idx.msk [tilespmem:v11+s4+$0x0], $0xffff  }
0x41: {  	s29 =	sadd.s32 $0xFFFFFFCE, s15;
	v19 =	vadd.s32 s28, v5;
	v13 =	vld.idx.msk [tilespmem:v13+s4+$0x0], $0xffff  }
0x42: {  	s14 =	sadd.s32 $0xFFFFFEAF, s15;
	v20 =	vadd.s32 s29, v5;
	v14 =	vld.idx.msk [tilespmem:v14+s4+$0x0], $0xffff  }
0x43: {  	s3 =	sadd.s32 $0xFFFFFEAE, s15;
	s16 =	sadd.s32 $0xFFFFFEB0, s15;
	v12 =	vadd.s32 s14, v5;
	v15 =	vld.idx.msk [tilespmem:v15+s4+$0x0], $0xffff  }
0x44: {  	v7 =	vmov s3;
	s30 =	sadd.s32 $0xFFFFFFCF, s15;
	s31 =	sadd.s32 $0xFFFFFFFE, s15;
	v16 =	vadd.s32 s16, v5;
	v17 =	vld.idx.msk [tilespmem:v17+s4+$0x0], $0xffff  }
0x45: {  	s0 =	sadd.s32 $0xFFFFFEE0, s15;
	s17 =	sadd.s32 $0xFFFFFF10, s15;
	s26 =	sadd.s32 $0xFFFFFFFF, s15;
	v7 =	vshrl.u32 v7, $0x7;
	v21 =	vadd.s32 s30, v5;
	v22 =	vadd.s32 s31, v5;
	v18 =	vld.idx.msk [tilespmem:v18+s4+$0x0], $0xffff  }
0x46: {  	s28 =	sadd.s32 $0xFFFFFF40, s15;
	v23 =	vadd.s32 s0, v5;
	v24 =	vadd.s32 s17, v5;
	v25 =	vadd.s32 s26, v5;
	v19 =	vld.idx.msk [tilespmem:v19+s4+$0x0], $0xffff  }
0x47: {  	s29 =	sadd.s32 $0xFFFFFF70, s15;
	v26 =	vadd.s32 s28, v5;
	v20 =	vld.idx.msk [tilespmem:v20+s4+$0x0], $0xffff;
	v6 =	vadd.f32 $1.000000000e+00, v6;
	v8 =	vadd.f32 $1.000000000e+00, v8  }
0x48: {  	v27 =	vadd.s32 s29, v5;
	v12 =	vld.idx.msk [tilespmem:v12+s4+$0x0], $0xffff;
	v9 =	vadd.f32 $1.000000000e+00, v9;
	v10 =	vadd.f32 $1.000000000e+00, v10  }
0x49: {  	s30 =	sadd.s32 $0xFFFFFFA0, s15;
	v7 =	vshll.u32 v7, $0x7;
	v16 =	vld.idx.msk [tilespmem:v16+s4+$0x0], $0xffff;
	v11 =	vadd.f32 $1.000000000e+00, v11;
	v13 =	vadd.f32 $1.000000000e+00, v13  }
0x4a: {  	s31 =	sadd.s32 $0xFFFFFFD0, s15;
	v28 =	vadd.s32 s30, v5;
	v21 =	vld.idx.msk [tilespmem:v21+s4+$0x0], $0xffff;
	v14 =	vadd.f32 $1.000000000e+00, v14;
	v15 =	vadd.f32 $1.000000000e+00, v15  }
0x4b: {  	v29 =	vadd.s32 s31, v5;
	v22 =	vld.idx.msk [tilespmem:v22+s4+$0x0], $0xffff;
	v17 =	vadd.f32 $1.000000000e+00, v17;
	v18 =	vadd.f32 $1.000000000e+00, v18  }
0x4c: {  	v7 =	vbroadcast v7, $0x0;
	v25 =	vld.idx.msk [tilespmem:v25+s4+$0x0], $0xffff;
	v19 =	vadd.f32 $1.000000000e+00, v19;
	v20 =	vadd.f32 $1.000000000e+00, v20  }
0x4d: {  	v23 =	vld.idx.msk [tilespmem:v23+s4+$0x0], $0xffff;
	v6 =	vmul.f32 $5.000000000e-01, v6;
	v12 =	vadd.f32 $1.000000000e+00, v12;
	v8 =	vmul.f32 $5.000000000e-01, v8  }
0x4e: {  	v24 =	vld.idx.msk [tilespmem:v24+s4+$0x0], $0xffff;
	v16 =	vadd.f32 $1.000000000e+00, v16;
	v9 =	vmul.f32 $5.000000000e-01, v9;
	v10 =	vmul.f32 $5.000000000e-01, v10  }
0x4f: {  	v26 =	vld.idx.msk [tilespmem:v26+s4+$0x0], $0xffff;
	v21 =	vadd.f32 $1.000000000e+00, v21;
	v11 =	vmul.f32 $5.000000000e-01, v11;
	v13 =	vmul.f32 $5.000000000e-01, v13  }
0x50: {  	v27 =	vld.idx.msk [tilespmem:v27+s4+$0x0], $0xffff;
	v22 =	vadd.f32 $1.000000000e+00, v22;
	v14 =	vmul.f32 $5.000000000e-01, v14;
	v15 =	vmul.f32 $5.000000000e-01, v15  }
0x51: {  	v25 =	vadd.f32 $1.000000000e+00, v25;
	v17 =	vmul.f32 $5.000000000e-01, v17;
	v18 =	vmul.f32 $5.000000000e-01, v18  }
0x52: {  	v23 =	vadd.f32 $1.000000000e+00, v23;
	v19 =	vmul.f32 $5.000000000e-01, v19;
	v20 =	vmul.f32 $5.000000000e-01, v20  }
0x53: {  	v24 =	vadd.f32 $1.000000000e+00, v24;
	v6 =	vmul.f32 $1.280000000e+02, v6;
	v12 =	vmul.f32 $5.000000000e-01, v12  }
0x54: {  	v26 =	vadd.f32 $1.000000000e+00, v26;
	v16 =	vmul.f32 $5.000000000e-01, v16;
	v21 =	vmul.f32 $5.000000000e-01, v21  }
0x55: {  	v27 =	vadd.f32 $1.000000000e+00, v27;
	v22 =	vmul.f32 $5.000000000e-01, v22;
	v25 =	vmul.f32 $5.000000000e-01, v25  }
0x56: {  	v28 =	vld.idx.msk [tilespmem:v28+s4+$0x0], $0xffff;
	v23 =	vmul.f32 $5.000000000e-01, v23;
	v24 =	vmul.f32 $5.000000000e-01, v24  }
0x57: {  	v29 =	vld.idx.msk [tilespmem:v29+s4+$0x0], $0xffff;
	v26 =	vmul.f32 $5.000000000e-01, v26;
	v27 =	vmul.f32 $5.000000000e-01, v27  }
0x58: {  	v8 =	vmul.f32 $1.280000000e+02, v8;
	v9 =	vmul.f32 $1.280000000e+02, v9  }
0x59: {  	v10 =	vmul.f32 $1.280000000e+02, v10;
	v11 =	vmul.f32 $1.280000000e+02, v11  }
0x5a: {  	v13 =	vmul.f32 $1.280000000e+02, v13;
	v14 =	vmul.f32 $1.280000000e+02, v14  }
0x5b: {  	v28 =	vadd.f32 $1.000000000e+00, v28;
	v15 =	vmul.f32 $1.280000000e+02, v15;
	v17 =	vmul.f32 $1.280000000e+02, v17  }
0x5c: {  	v29 =	vadd.f32 $1.000000000e+00, v29;
	v18 =	vmul.f32 $1.280000000e+02, v18;
	v19 =	vmul.f32 $1.280000000e+02, v19  }
0x5d: {  	v20 =	vmul.f32 $1.280000000e+02, v20;
	v28 =	vmul.f32 $5.000000000e-01, v28  }
0x5e: {  	v7 =	vor.u32 v5, v7;
	v29 =	vmul.f32 $5.000000000e-01, v29;
	v12 =	vmul.f32 $1.280000000e+02, v12  }
0x5f: {  	v16 =	vmul.f32 $1.280000000e+02, v16;
	v21 =	vmul.f32 $1.280000000e+02, v21  }
0x60: {  	v22 =	vmul.f32 $1.280000000e+02, v22;
	v25 =	vmul.f32 $1.280000000e+02, v25  }
0x61: {  	v40 =	vmul.f32 $1.280000000e+02, v23;
	v42 =	vmul.f32 $1.280000000e+02, v24  }
0x62: {  	v43 =	vmul.f32 $1.280000000e+02, v26;
	v44 =	vmul.f32 $1.280000000e+02, v27  }
0x63: {  	v7 =	vld.idx.msk [tilespmem:v7+s4+$0x0], $0xffff;
	v6 =	vtrunc.f32 v6;
	v8 =	vtrunc.f32 v8  }
0x64: {  	v9 =	vtrunc.f32 v9;
	v10 =	vtrunc.f32 v10  }
0x65: {  	v11 =	vtrunc.f32 v11;
	v13 =	vtrunc.f32 v13  }
0x66: {  	v14 =	vtrunc.f32 v14;
	v15 =	vtrunc.f32 v15  }
0x67: {  	v35 =	vtrunc.f32 v18;
	v36 =	vtrunc.f32 v19  }
0x68: {  	v7 =	vadd.f32 $1.000000000e+00, v7;
	v37 =	vtrunc.f32 v20;
	v45 =	vmul.f32 $1.280000000e+02, v28  }
0x69: {  	v46 =	vmul.f32 $1.280000000e+02, v29;
	v6 =	vcvt.f32.s32 v6  }
0x6a: {  	v7 =	vmul.f32 $5.000000000e-01, v7;
	v12 =	vtrunc.f32 v12  }
0x6b: {  	v16 =	vtrunc.f32 v16;
	v38 =	vtrunc.f32 v21  }
0x6c: {  	v39 =	vtrunc.f32 v22;
	v41 =	vtrunc.f32 v25  }
0x6d: {  	v8 =	vcvt.f32.s32 v8;
	v48 =	vcvt.f32.s32 v36  }
0x6e: {  	v49 =	vcvt.f32.s32 v37;
	v51 =	vtrunc.f32 v40  }
0x6f: {  	v53 =	vtrunc.f32 v42;
	v54 =	vtrunc.f32 v43  }
0x70: {  	v55 =	vtrunc.f32 v44;
	v12 =	vcvt.f32.s32 v12  }
0x71: {  	v16 =	vcvt.f32.s32 v16;
	v50 =	vcvt.f32.s32 v39  }
0x72: {  	v52 =	vcvt.f32.s32 v41;
	v56 =	vtrunc.f32 v45  }
0x73: {  	v57 =	vtrunc.f32 v46;
	v20 =	vcvt.f32.s32 v51  }
0x74: {  	v22 =	vcvt.f32.s32 v53;
	v23 =	vcvt.f32.s32 v54  }
0x75: {  	v24 =	vcvt.f32.s32 v55;
	v7 =	vmul.f32 $1.280000000e+02, v7;
	vm3 =	vgt.s32 v8, $0x0  }
0x76: {  	vm9 =	vgt.s32 v48, $0x0;
	vm10 =	vgt.s32 v49, $0x0;
	v25 =	vcvt.f32.s32 v56  }
0x77: {  	v26 =	vcvt.f32.s32 v57;
	vm1 =	vgt.s32 v12, $0x0;
	vm12 =	vgt.s32 v50, $0x0  }
0x78: {  	v8 =	vnsel vm3, $0x0, v8;
	vm3 =	vgt.s32 v52, $0x0;
	v18 =	vnsel vm10, $0x0, v49  }
0x79: {  	v7 =	vtrunc.f32 v7;
	v12 =	vnsel vm1, $0x0, v12;
	v8 =	vmin.u32 v8, $0x7F  }
0x7a: {  	v19 =	vnsel vm12, $0x0, v50;
	v21 =	vnsel vm3, $0x0, v52;
	v18 =	vmin.u32 v18, $0x7F  }
0x7b: {  	vm3 =	vgt.s32 v24, $0x0;
	v7 =	vcvt.f32.s32 v7;
	v12 =	vmin.u32 v12, $0x7F  }
0x7c: {  	v19 =	vmin.u32 v19, $0x7F;
	v21 =	vmin.u32 v21, $0x7F;
	v8 =	vshll.u32 v8, $0xE  }
0x7d: {  	v18 =	vshll.u32 v18, $0xE;
	v24 =	vnsel vm3, $0x0, v24;
	vm0 =	vgt.s32 v7, $0x0  }
0x7e: {  	v12 =	vshll.u32 v12, $0x7;
	v19 =	vshll.u32 v19, $0xE;
	v7 =	vnsel vm0, $0x0, v7  }
0x7f: {  	v21 =	vshll.u32 v21, $0x7;
	vm0 =	vgt.s32 v16, $0x0;
	v7 =	vmin.u32 v7, $0x7F  }
0x80: {  	v61 =	vmin.u32 v24, $0x7F;
	v16 =	vnsel vm0, $0x0, v16;
	v7 =	vshll.u32 v7, $0xE  }
0x81: {  	v58 =	vor.u32 v19, v21;
	v16 =	vmin.u32 v16, $0x7F;
	v7 =	vor.u32 v7, v12  }
0x82: {  	v12 =	vtrunc.f32 v17;
	v17 =	vnsel vm9, $0x0, v48;
	v7 =	vor.u32 v16, v7  }
0x83: {  	v12 =	vcvt.f32.s32 v12;
	v16 =	vcvt.f32.s32 v38;
	v17 =	vmin.u32 v17, $0x7F  }
0x84: {  	vm0 =	vge.u32 v7, v0;
	vm1 =	vlt.u32 v7, v1;
	v7 =	vsub.s32 v7, v0  }
0x85: {  	v17 =	vshll.u32 v17, $0x7;
	vm0 =	vmand vm0, vm1;
	vm7 =	vgt.s32 v12, $0x0  }
0x86: {  	v47 =	vnsel vm0, $0x100000, v7;
	v7 =	vcvt.f32.s32 v9;
	v9 =	vcvt.f32.s32 v10  }
0x87: {  	vm11 =	vgt.s32 v16, $0x0;
	v10 =	vcvt.f32.s32 v11;
	v11 =	vcvt.f32.s32 v13  }
0x88: {  	v13 =	vcvt.f32.s32 v14;
	v14 =	vcvt.f32.s32 v15;
	v12 =	vnsel vm7, $0x0, v12  }
0x89: {  	v15 =	vcvt.f32.s32 v35;
	v16 =	vnsel vm11, $0x0, v16;
	v12 =	vmin.u32 v12, $0x7F  }
0x8a: {  	v16 =	vmin.u32 v16, $0x7F;
	vm0 =	vgt.s32 v7, $0x0;
	vm1 =	vgt.s32 v9, $0x0  }
0x8b: {  	vm2 =	vgt.s32 v10, $0x0;
	vm4 =	vgt.s32 v11, $0x0;
	vm5 =	vgt.s32 v13, $0x0  }
0x8c: {  	vm6 =	vgt.s32 v14, $0x0;
	vm8 =	vgt.s32 v15, $0x0;
	v12 =	vshll.u32 v12, $0x7  }
0x8d: {  	v16 =	vshll.u32 v16, $0x7;
	v7 =	vnsel vm0, $0x0, v7;
	v9 =	vnsel vm1, $0x0, v9  }
0x8e: {  	v10 =	vnsel vm2, $0x0, v10;
	v11 =	vnsel vm4, $0x0, v11;
	v13 =	vnsel vm5, $0x0, v13  }
0x8f: {  	v14 =	vnsel vm6, $0x0, v14;
	v15 =	vnsel vm8, $0x0, v15;
	vm0 =	vgt.s32 v20, $0x0  }
0x90: {  	vm1 =	vgt.s32 v22, $0x0;
	vm2 =	vgt.s32 v23, $0x0;
	vm4 =	vgt.s32 v25, $0x0  }
0x91: {  	vm5 =	vgt.s32 v26, $0x0;
	vm6 =	vgt.s32 v6, $0x0;
	v7 =	vmin.u32 v7, $0x7F  }
0x92: {  	v9 =	vmin.u32 v9, $0x7F;
	v10 =	vmin.u32 v10, $0x7F;
	v11 =	vmin.u32 v11, $0x7F  }
0x93: {  	v13 =	vmin.u32 v13, $0x7F;
	v14 =	vmin.u32 v14, $0x7F;
	v15 =	vmin.u32 v15, $0x7F  }
0x94: {  	v20 =	vnsel vm0, $0x0, v20;
	v22 =	vnsel vm1, $0x0, v22;
	v23 =	vnsel vm2, $0x0, v23  }
0x95: {  	v25 =	vnsel vm4, $0x0, v25;
	v6 =	vnsel vm6, $0x0, v6;
	v7 =	vshll.u32 v7, $0x7  }
0x96: {  	v9 =	vshll.u32 v9, $0xE;
	v10 =	vshll.u32 v10, $0x7;
	v11 =	vshll.u32 v11, $0xE  }
0x97: {  	v13 =	vshll.u32 v13, $0x7;
	v14 =	vshll.u32 v14, $0xE;
	v15 =	vshll.u32 v15, $0xE  }
0x98: {  	v59 =	vmin.u32 v22, $0x7F;
	v60 =	vmin.u32 v23, $0x7F;
	v62 =	vmin.u32 v25, $0x7F  }
0x99: {  	v6 =	vmin.u32 v6, $0x7F;
	v7 =	vor.u32 v8, v7;
	v8 =	vnsel vm5, $0x0, v26  }
0x9a: {  	v9 =	vor.u32 v9, v10;
	v10 =	vor.u32 v11, v13;
	v13 =	vor.u32 v14, v12  }
0x9b: {  	v14 =	vor.u32 v15, v17;
	v15 =	vor.u32 v18, v16;
	v11 =	vmin.u32 v20, $0x7F  }
0x9c: {  	v6 =	vor.u32 v6, v58;
	v63 =	vmin.u32 v8, $0x7F;
	v12 =	vor.u32 v11, v7  }
0x9d: {  	v11 =	vor.u32 v59, v9;
	v10 =	vor.u32 v60, v10;
	v9 =	vor.u32 v61, v13  }
0x9e: {  	v8 =	vor.u32 v62, v14;
	vm0 =	vge.u32 v12, v0;
	v7 =	vor.u32 v63, v15  }
0x9f: {  	s3 =	sand.u32 $0x1, s23;
	s14 =	smov.u32 s23;
	s23 =	simm.s32 $0x1840;
	vm3 =	vlt.u32 v12, v1;
	vm4 =	vge.u32 v11, v0;
	vm10 =	vlt.u32 v11, v1  }
0xa0: {  	s19 =	simm.s32 $0x0;
	s16 =	sadd.s32 $0x180, s15;
	s15 =	simm.s32 $0x1840;
	[tilespmem:s23+$0xFFFFFFC0] =	vst v47;
	vm1 =	vge.u32 v10, v0;
	vm9 =	vlt.u32 v10, v1;
	vm2 =	vge.u32 v9, v0  }
.LBB2_4:
0xa1: {  	s25 =	sadd.s32 $0xFFFFFEAE, s16;
	s26 =	sadd.s32 $0xFFFFFEDE, s16;
	v13 =	vadd.s32 s16, v5;
	s19 =	sadd.s32 $0x8, s19;
	vm13 =	vlt.u32 v9, v1;
	vm11 =	vge.u32 v8, v0  }
0xa2: {  	vm12 =	vlt.u32 v8, v1;
	v14 =	vmov s25;
	v15 =	vadd.s32 s26, v5;
	s25 =	sadd.s32 $0xFFFFFEDF, s16;
	s26 =	sadd.s32 $0xFFFFFF0E, s16;
	p1 =	slt.u32 s19, $0x38  }
0xa3: {  	s28 =	sadd.s32 $0xFFFFFF3F, s16;
	v14 =	vshrl.u32 v14, $0x7;
	v16 =	vadd.s32 s25, v5;
	v17 =	vadd.s32 s26, v5;
	s25 =	sadd.s32 $0xFFFFFF0F, s16;
	s26 =	sadd.s32 $0xFFFFFF3E, s16  }
0xa4: {  	s29 =	sadd.s32 $0xFFFFFF9E, s16;
	v14 =	vshll.u32 v14, $0x7;
	v18 =	vadd.s32 s25, v5;
	v19 =	vadd.s32 s26, v5;
	s25 =	sadd.s32 $0xFFFFFF6E, s16;
	s26 =	sadd.s32 $0xFFFFFF6F, s16  }
0xa5: {  	s30 =	sadd.s32 $0xFFFFFEAF, s16;
	v20 =	vadd.s32 s28, v5;
	s28 =	sadd.s32 $0xFFFFFFCE, s16;
	v14 =	vbroadcast v14, $0x0;
	v21 =	vor.u32 s25, v5;
	s25 =	sadd.s32 $0xFFFFFF9F, s16  }
0xa6: {  	v22 =	vadd.s32 s30, v5;
	v24 =	vadd.s32 s29, v5;
	s29 =	sadd.s32 $0xFFFFFFFE, s16;
	s30 =	sadd.s32 $0xFFFFFFFF, s16;
	v23 =	vadd.s32 s26, v5;
	s26 =	sadd.s32 $0xFFFFFFCF, s16;
	v13 =	vld.idx.msk [tilespmem:v13+s4+$0x0], $0xffff  }
0xa7: {  	s31 =	sadd.s32 $0xFFFFFEB0, s16;
	s17 =	sadd.s32 $0xFFFFFEE0, s16;
	s0 =	sadd.s32 $0xFFFFFF10, s16;
	v26 =	vadd.s32 s28, v5;
	v25 =	vadd.s32 s25, v5;
	v14 =	vor.u32 v5, v14;
	v15 =	vld.idx.msk [tilespmem:v15+s4+$0x0], $0xffff  }
0xa8: {  	v27 =	vadd.s32 s31, v5;
	s31 =	sadd.s32 $0xFFFFFFA0, s16;
	s28 =	sadd.s32 $0xFFFFFF70, s16;
	v29 =	vadd.s32 s29, v5;
	s25 =	sadd.s32 $0xFFFFFF40, s16;
	v28 =	vadd.s32 s26, v5;
	v16 =	vld.idx.msk [tilespmem:v16+s4+$0x0], $0xffff  }
0xa9: {  	v30 =	vadd.s32 s17, v5;
	v31 =	vadd.s32 s0, v5;
	s0 =	sadd.s32 $0xFFFFFFD0, s16;
	v32 =	vadd.s32 s30, v5;
	v17 =	vld.idx.msk [tilespmem:v17+s4+$0x0], $0xffff  }
0xaa: {  	v35 =	vadd.s32 s31, v5;
	v34 =	vadd.s32 s28, v5;
	v33 =	vadd.s32 s25, v5;
	v18 =	vld.idx.msk [tilespmem:v18+s4+$0x0], $0xffff  }
0xab: {  	vm5 =	vge.u32 v7, v0;
	vm6 =	vlt.u32 v7, v1;
	v36 =	vadd.s32 s0, v5;
	v22 =	vld.idx.msk [tilespmem:v22+s4+$0x0], $0xffff  }
0xac: {  	vm7 =	vge.u32 v6, v0;
	vm8 =	vlt.u32 v6, v1;
	v13 =	vadd.f32 $1.000000000e+00, v13;
	v37 =	vld.idx.msk [tilespmem:v14+s4+$0x0], $0xffff  }
0xad: {  	vm3 =	vmand vm0, vm3;
	vm0 =	vmand vm4, vm10;
	v14 =	vadd.f32 $1.000000000e+00, v15;
	v27 =	vld.idx.msk [tilespmem:v27+s4+$0x0], $0xffff  }
0xae: {  	vm1 =	vmand vm1, vm9;
	v15 =	vadd.f32 $1.000000000e+00, v16;
	v13 =	vmul.f32 $5.000000000e-01, v13;
	v16 =	vld.idx.msk [tilespmem:v19+s4+$0x0], $0xffff  }
0xaf: {  	vm2 =	vmand vm2, vm13;
	v14 =	vmul.f32 $5.000000000e-01, v14;
	v17 =	vadd.f32 $1.000000000e+00, v17;
	v19 =	vld.idx.msk [tilespmem:v20+s4+$0x0], $0xffff  }
0xb0: {  	v15 =	vmul.f32 $5.000000000e-01, v15;
	v18 =	vadd.f32 $1.000000000e+00, v18;
	v13 =	vmul.f32 $1.280000000e+02, v13;
	v20 =	vld.idx.msk [tilespmem:v21+s4+$0x0], $0xffff  }
0xb1: {  	vm4 =	vmand vm11, vm12;
	v14 =	vmul.f32 $1.280000000e+02, v14;
	v17 =	vmul.f32 $5.000000000e-01, v17;
	v21 =	vld.idx.msk [tilespmem:v23+s4+$0x0], $0xffff  }
0xb2: {  	v22 =	vadd.f32 $1.000000000e+00, v22;
	v23 =	vadd.f32 $1.000000000e+00, v37;
	v18 =	vmul.f32 $5.000000000e-01, v18;
	v24 =	vld.idx.msk [tilespmem:v24+s4+$0x0], $0xffff  }
0xb3: {  	v15 =	vmul.f32 $1.280000000e+02, v15;
	v27 =	vadd.f32 $1.000000000e+00, v27;
	v17 =	vmul.f32 $1.280000000e+02, v17;
	v25 =	vld.idx.msk [tilespmem:v25+s4+$0x0], $0xffff  }
0xb4: {  	v22 =	vmul.f32 $5.000000000e-01, v22;
	v23 =	vmul.f32 $5.000000000e-01, v23;
	v16 =	vadd.f32 $1.000000000e+00, v16;
	v26 =	vld.idx.msk [tilespmem:v26+s4+$0x0], $0xffff  }
0xb5: {  	v18 =	vmul.f32 $1.280000000e+02, v18;
	v27 =	vmul.f32 $5.000000000e-01, v27;
	v19 =	vadd.f32 $1.000000000e+00, v19;
	v28 =	vld.idx.msk [tilespmem:v28+s4+$0x0], $0xffff  }
0xb6: {  	v22 =	vmul.f32 $1.280000000e+02, v22;
	v23 =	vmul.f32 $1.280000000e+02, v23;
	v20 =	vadd.f32 $1.000000000e+00, v20;
	v29 =	vld.idx.msk [tilespmem:v29+s4+$0x0], $0xffff  }
0xb7: {  	v16 =	vmul.f32 $5.000000000e-01, v16;
	v27 =	vmul.f32 $1.280000000e+02, v27;
	v21 =	vadd.f32 $1.000000000e+00, v21;
	v32 =	vld.idx.msk [tilespmem:v32+s4+$0x0], $0xffff  }
0xb8: {  	v22 =	vtrunc.f32 v22;
	v23 =	vtrunc.f32 v23;
	v24 =	vadd.f32 $1.000000000e+00, v24;
	v30 =	vld.idx.msk [tilespmem:v30+s4+$0x0], $0xffff  }
0xb9: {  	v22 =	vcvt.f32.s32 v22;
	v23 =	vcvt.f32.s32 v23;
	v25 =	vadd.f32 $1.000000000e+00, v25;
	v31 =	vld.idx.msk [tilespmem:v31+s4+$0x0], $0xffff  }
0xba: {  	v19 =	vmul.f32 $5.000000000e-01, v19;
	v27 =	vtrunc.f32 v27;
	v26 =	vadd.f32 $1.000000000e+00, v26;
	v33 =	vld.idx.msk [tilespmem:v33+s4+$0x0], $0xffff  }
0xbb: {  	vm10 =	vgt.s32 v22, $0x0;
	v27 =	vcvt.f32.s32 v27;
	vm9 =	vgt.s32 v23, $0x0;
	v34 =	vld.idx.msk [tilespmem:v34+s4+$0x0], $0xffff  }
0xbc: {  	v22 =	vnsel vm10, $0x0, v22;
	v28 =	vadd.f32 $1.000000000e+00, v28;
	v23 =	vnsel vm9, $0x0, v23;
	v35 =	vld.idx.msk [tilespmem:v35+s4+$0x0], $0xffff  }
0xbd: {  	v22 =	vmin.u32 v22, $0x7F;
	vm9 =	vgt.s32 v27, $0x0;
	v23 =	vmin.u32 v23, $0x7F;
	v36 =	vld.idx.msk [tilespmem:v36+s4+$0x0], $0xffff  }
0xbe: {  	v22 =	vshll.u32 v22, $0x7;
	v27 =	vnsel vm9, $0x0, v27;
	v23 =	vshll.u32 v23, $0xE  }
0xbf: {  	v22 =	vor.u32 v23, v22;
	v23 =	vmin.u32 v27, $0x7F;
	v27 =	vadd.f32 $1.000000000e+00, v29  }
0xc0: {  	v20 =	vmul.f32 $5.000000000e-01, v20;
	v22 =	vor.u32 v23, v22;
	v23 =	vadd.f32 $1.000000000e+00, v32  }
0xc1: {  	v21 =	vmul.f32 $5.000000000e-01, v21;
	vm9 =	vge.u32 v22, v0;
	vm10 =	vlt.u32 v22, v1  }
0xc2: {  	v24 =	vmul.f32 $5.000000000e-01, v24;
	v22 =	vsub.s32 v22, v0;
	vm9 =	vmand vm9, vm10  }
0xc3: {  	s23 =	sadd.s32 $0x80, s23;
	v25 =	vmul.f32 $5.000000000e-01, v25;
	v26 =	vmul.f32 $5.000000000e-01, v26;
	v22 =	vnsel vm9, $0x100000, v22  }
0xc4: {  	v28 =	vmul.f32 $5.000000000e-01, v28;
	v27 =	vmul.f32 $5.000000000e-01, v27;
	[tilespmem:s23+$0xFFFFFFC0] =	vst v22;
	v22 =	vadd.f32 $1.000000000e+00, v30  }
0xc5: {  	v29 =	vadd.f32 $1.000000000e+00, v31;
	v23 =	vmul.f32 $5.000000000e-01, v23;
	v30 =	vadd.f32 $1.000000000e+00, v33  }
0xc6: {  	v16 =	vmul.f32 $1.280000000e+02, v16;
	v31 =	vadd.f32 $1.000000000e+00, v34;
	v32 =	vadd.f32 $1.000000000e+00, v35  }
0xc7: {  	v19 =	vmul.f32 $1.280000000e+02, v19;
	v20 =	vmul.f32 $1.280000000e+02, v20;
	v33 =	vadd.f32 $1.000000000e+00, v36  }
0xc8: {  	vm6 =	vmand vm5, vm6;
	v21 =	vmul.f32 $1.280000000e+02, v21;
	v24 =	vmul.f32 $1.280000000e+02, v24  }
0xc9: {  	vm5 =	vmand vm7, vm8;
	v25 =	vmul.f32 $1.280000000e+02, v25;
	v26 =	vmul.f32 $1.280000000e+02, v26  }
0xca: {  	v12 =	vsub.s32 v12, v0;
	v28 =	vmul.f32 $1.280000000e+02, v28;
	v27 =	vmul.f32 $1.280000000e+02, v27  }
0xcb: {  	v11 =	vsub.s32 v11, v0;
	v23 =	vmul.f32 $1.280000000e+02, v23;
	v22 =	vmul.f32 $5.000000000e-01, v22  }
0xcc: {  	v10 =	vsub.s32 v10, v0;
	v29 =	vmul.f32 $5.000000000e-01, v29;
	v30 =	vmul.f32 $5.000000000e-01, v30  }
0xcd: {  	v9 =	vsub.s32 v9, v0;
	v31 =	vmul.f32 $5.000000000e-01, v31;
	v32 =	vmul.f32 $5.000000000e-01, v32  }
0xce: {  	v8 =	vsub.s32 v8, v0;
	v14 =	vtrunc.f32 v14;
	v33 =	vmul.f32 $5.000000000e-01, v33  }
0xcf: {  	v7 =	vsub.s32 v7, v0;
	v15 =	vtrunc.f32 v15;
	v17 =	vtrunc.f32 v17  }
0xd0: {  	v6 =	vsub.s32 v6, v0;
	v18 =	vtrunc.f32 v18;
	v16 =	vtrunc.f32 v16  }
0xd1: {  	v12 =	vnsel vm3, $0x100000, v12;
	v19 =	vtrunc.f32 v19;
	v20 =	vtrunc.f32 v20  }
0xd2: {  	v11 =	vnsel vm0, $0x100000, v11;
	v21 =	vtrunc.f32 v21;
	v24 =	vtrunc.f32 v24;
	[tilespmem:s15+$0xFFFFFFD0] =	vst v12  }
0xd3: {  	v10 =	vnsel vm1, $0x100000, v10;
	v12 =	vtrunc.f32 v25;
	v25 =	vtrunc.f32 v26;
	[tilespmem:s15+$0xFFFFFFE0] =	vst v11  }
0xd4: {  	v9 =	vnsel vm2, $0x100000, v9;
	v26 =	vtrunc.f32 v27;
	v11 =	vtrunc.f32 v28;
	[tilespmem:s15+$0xFFFFFFF0] =	vst v10  }
0xd5: {  	v8 =	vnsel vm4, $0x100000, v8;
	v10 =	vmul.f32 $1.280000000e+02, v22;
	v22 =	vtrunc.f32 v23;
	[tilespmem:s15+$0x0] =	vst v9  }
0xd6: {  	v7 =	vnsel vm6, $0x100000, v7;
	v23 =	vmul.f32 $1.280000000e+02, v30;
	v9 =	vmul.f32 $1.280000000e+02, v29;
	[tilespmem:s15+$0x10] =	vst v8  }
0xd7: {  	v6 =	vnsel vm5, $0x100000, v6;
	v27 =	vmul.f32 $1.280000000e+02, v32;
	v8 =	vmul.f32 $1.280000000e+02, v31;
	[tilespmem:s15+$0x20] =	vst v7  }
0xd8: {  	v7 =	vcvt.f32.s32 v14;
	v14 =	vmul.f32 $1.280000000e+02, v33;
	[tilespmem:s15+$0x30] =	vst v6;
	s15 =	smov.u32 s23  }
0xd9: {  	v6 =	vcvt.f32.s32 v15;
	v15 =	vcvt.f32.s32 v17  }
0xda: {  	v16 =	vcvt.f32.s32 v16;
	v17 =	vcvt.f32.s32 v18;
	vm0 =	vgt.s32 v7, $0x0  }
0xdb: {  	v18 =	vcvt.f32.s32 v19;
	v19 =	vcvt.f32.s32 v20;
	vm1 =	vgt.s32 v6, $0x0  }
0xdc: {  	v20 =	vcvt.f32.s32 v21;
	v21 =	vcvt.f32.s32 v24;
	vm2 =	vgt.s32 v15, $0x0  }
0xdd: {  	v12 =	vcvt.f32.s32 v12;
	v24 =	vcvt.f32.s32 v25;
	vm3 =	vgt.s32 v17, $0x0  }
0xde: {  	vm4 =	vgt.s32 v16, $0x0;
	v11 =	vcvt.f32.s32 v11;
	v25 =	vcvt.f32.s32 v26  }
0xdf: {  	v22 =	vcvt.f32.s32 v22;
	v10 =	vtrunc.f32 v10;
	vm5 =	vgt.s32 v18, $0x0  }
0xe0: {  	v23 =	vtrunc.f32 v23;
	v9 =	vtrunc.f32 v9;
	vm6 =	vgt.s32 v19, $0x0  }
0xe1: {  	v8 =	vtrunc.f32 v8;
	v26 =	vtrunc.f32 v27;
	vm7 =	vgt.s32 v20, $0x0  }
0xe2: {  	v13 =	vtrunc.f32 v13;
	v14 =	vtrunc.f32 v14;
	vm8 =	vgt.s32 v21, $0x0  }
0xe3: {  	vm9 =	vgt.s32 v12, $0x0;
	vm11 =	vgt.s32 v11, $0x0;
	vm10 =	vgt.s32 v24, $0x0  }
0xe4: {  	v10 =	vcvt.f32.s32 v10;
	vm13 =	vgt.s32 v22, $0x0;
	vm12 =	vgt.s32 v25, $0x0  }
0xe5: {  	v23 =	vcvt.f32.s32 v23;
	v9 =	vcvt.f32.s32 v9;
	v7 =	vnsel vm0, $0x0, v7  }
0xe6: {  	v8 =	vcvt.f32.s32 v8;
	v26 =	vcvt.f32.s32 v26;
	v6 =	vnsel vm1, $0x0, v6  }
0xe7: {  	v13 =	vcvt.f32.s32 v13;
	v14 =	vcvt.f32.s32 v14;
	v15 =	vnsel vm2, $0x0, v15  }
0xe8: {  	v16 =	vnsel vm4, $0x0, v16;
	v17 =	vnsel vm3, $0x0, v17;
	v18 =	vnsel vm5, $0x0, v18  }
0xe9: {  	v19 =	vnsel vm6, $0x0, v19;
	v20 =	vnsel vm7, $0x0, v20;
	v21 =	vnsel vm8, $0x0, v21  }
0xea: {  	v12 =	vnsel vm9, $0x0, v12;
	v11 =	vnsel vm11, $0x0, v11;
	v24 =	vnsel vm10, $0x0, v24  }
0xeb: {  	v22 =	vnsel vm13, $0x0, v22;
	v7 =	vmin.u32 v7, $0x7F;
	v25 =	vnsel vm12, $0x0, v25  }
0xec: {  	v6 =	vmin.u32 v6, $0x7F;
	v15 =	vmin.u32 v15, $0x7F;
	v17 =	vmin.u32 v17, $0x7F  }
0xed: {  	v16 =	vmin.u32 v16, $0x7F;
	v18 =	vmin.u32 v18, $0x7F;
	v19 =	vmin.u32 v19, $0x7F  }
0xee: {  	v12 =	vmin.u32 v12, $0x7F;
	v20 =	vmin.u32 v20, $0x7F;
	v21 =	vmin.u32 v21, $0x7F  }
0xef: {  	v11 =	vmin.u32 v11, $0x7F;
	v24 =	vmin.u32 v24, $0x7F;
	v25 =	vmin.u32 v25, $0x7F  }
0xf0: {  	v22 =	vmin.u32 v22, $0x7F;
	vm0 =	vgt.s32 v10, $0x0;
	vm1 =	vgt.s32 v9, $0x0  }
0xf1: {  	vm2 =	vgt.s32 v23, $0x0;
	vm3 =	vgt.s32 v8, $0x0;
	vm4 =	vgt.s32 v26, $0x0  }
0xf2: {  	vm6 =	vgt.s32 v13, $0x0;
	v7 =	vshll.u32 v7, $0xE;
	vm5 =	vgt.s32 v14, $0x0  }
0xf3: {  	v6 =	vshll.u32 v6, $0x7;
	v15 =	vshll.u32 v15, $0xE;
	v17 =	vshll.u32 v17, $0x7  }
0xf4: {  	v16 =	vshll.u32 v16, $0xE;
	v18 =	vshll.u32 v18, $0x7;
	v19 =	vshll.u32 v19, $0xE  }
0xf5: {  	v12 =	vshll.u32 v12, $0x7;
	v20 =	vshll.u32 v20, $0x7;
	v21 =	vshll.u32 v21, $0xE  }
0xf6: {  	v11 =	vshll.u32 v11, $0x7;
	v24 =	vshll.u32 v24, $0xE;
	v25 =	vshll.u32 v25, $0xE  }
0xf7: {  	v22 =	vshll.u32 v22, $0x7;
	v10 =	vnsel vm0, $0x0, v10;
	v9 =	vnsel vm1, $0x0, v9  }
0xf8: {  	v23 =	vnsel vm2, $0x0, v23;
	v8 =	vnsel vm3, $0x0, v8;
	v26 =	vnsel vm4, $0x0, v26  }
0xf9: {  	v13 =	vnsel vm6, $0x0, v13;
	v6 =	vor.u32 v7, v6;
	v7 =	vnsel vm5, $0x0, v14  }
0xfa: {  	v14 =	vor.u32 v15, v17;
	v15 =	vor.u32 v16, v18;
	v16 =	vor.u32 v19, v20  }
0xfb: {  	v17 =	vor.u32 v21, v12;
	v18 =	vor.u32 v24, v11;
	v19 =	vor.u32 v25, v22  }
0xfc: {  	v10 =	vmin.u32 v10, $0x7F;
	v9 =	vmin.u32 v9, $0x7F;
	v20 =	vmin.u32 v23, $0x7F  }
0xfd: {  	v8 =	vmin.u32 v8, $0x7F;
	v21 =	vmin.u32 v26, $0x7F;
	v7 =	vmin.u32 v7, $0x7F  }
.Ltmp0:
0xfe: {  	v12 =	vor.u32 v10, v6;
	v11 =	vor.u32 v9, v14;
	v6 =	vmin.u32 v13, $0x7F;
	(pc) =	sbr.rel @p1 .LBB2_4-.Ltmp0, $4  }
0xff: {  	v10 =	vor.u32 v20, v15;
	v9 =	vor.u32 v8, v16;
	v8 =	vor.u32 v21, v17  }
0x100: {  	vm0 =	vge.u32 v12, v0;
	v7 =	vor.u32 v7, v18;
	v6 =	vor.u32 v6, v19  }
0x101: {  	vm3 =	vlt.u32 v12, v1;
	vm4 =	vge.u32 v11, v0;
	vm10 =	vlt.u32 v11, v1  }
0x102: {  	s16 =	sadd.s32 $0x180, s16;
	vm1 =	vge.u32 v10, v0;
	vm9 =	vlt.u32 v10, v1;
	vm2 =	vge.u32 v9, v0  }
0x103: {  	vm5 =	vlt.u32 v9, v1;
	vm6 =	vge.u32 v8, v0;
	vm7 =	vlt.u32 v8, v1  }
0x104: {  	vm8 =	vge.u32 v7, v0;
	vm11 =	vlt.u32 v7, v1;
	vm12 =	vge.u32 v6, v0  }
0x105: {  	vm13 =	vlt.u32 v6, v1;
	vm0 =	vmand vm0, vm3;
	v12 =	vsub.s32 v12, v0  }
0x106: {  	vm10 =	vmand vm4, vm10;
	v11 =	vsub.s32 v11, v0;
	v12 =	vnsel vm0, $0x100000, v12  }
0x107: {  	vm14 =	vmand vm1, vm9;
	v10 =	vsub.s32 v10, v0;
	v11 =	vnsel vm10, $0x100000, v11;
	[tilespmem:s15+$0xFFFFFFD0] =	vst v12  }
0x108: {  	v36 =	vsub.s32 v9, v0;
	vm15 =	vmand vm2, vm5;
	v10 =	vnsel vm14, $0x100000, v10;
	[tilespmem:s15+$0xFFFFFFE0] =	vst v11  }
0x109: {  	v37 =	vsub.s32 v8, v0;
	vm4 =	vmand vm6, vm7;
	[tilespmem:s15+$0xFFFFFFF0] =	vst v10;
	v9 =	vnsel vm15, $0x100000, v36  }
0x10a: {  	v7 =	vsub.s32 v7, v0;
	vm5 =	vmand vm8, vm11;
	v8 =	vnsel vm4, $0x100000, v37;
	[tilespmem:s15+$0x0] =	vst v9  }
0x10b: {  	p1 =	seq.s32 s14, $0xFF;
	v6 =	vsub.s32 v6, v0;
	vm6 =	vmand vm12, vm13;
	v7 =	vnsel vm5, $0x100000, v7;
	[tilespmem:s15+$0x10] =	vst v8  }
0x10c: {  	s23 =	sadd.s32 $0x1, s14;
	s16 =	sxor.u32 @!p1 $0x1, s3;
	v6 =	vnsel vm6, $0x100000, v6;
	s17 =	rddreg [dreg:$0xb];
	[tilespmem:s15+$0x20] =	vst v7  }
0x10d: {  	s31 =	sshll.u32 s14, $0xC;
	s0 =	sshll.u32 @!p1 s23, $0xA;
	s16 =	smul.u32 @!p1 $0x3000, s16;
	[tilespmem:s15+$0x30] =	vst v6  }
0x10e: {  	s0 =	sadd.s32 @!p1 s17, s0;
	s15 =	rddreg [dreg:$0xf];
	s17 =	smulhi.u32 @!p1 $0xAAAAAAAB, s23  }
0x10f: {  	s25 =	simm.s32 $0x1800;
	s19 =	smul.u32 @!p1 $0x3, s0;
	s15 =	sadd.s32 s31, s15  }
0x110: {  	[hbm4b:s15+s8] =	stream.strided.scatter [tilespmem:s25], [sflag:$0x3], $0x400, s10, s8, $0x38;
	[tilespmem:$0x1F880] =	vst v63  }
0x111: {  	s15 =	sshrl.u32 @!p1 s16, $0x2  }
0x112: {  	s17 =	sshrl.u32 @!p1 s17, $0x1;
	s16 =	sshrl.u32 @!p1 s19, $0x3;
	s19 =	rddreg [dreg:$0x7]  }
0x113: {  	s17 =	smul.u32 @!p1 $0x3, s17;
	s16 =	sadd.s32 @!p1 s19, s16;
	s19 =	simm.s32 @!p1 $0x0  }
0x114: {  	[tilespmem:s15], [sflag:$0x1] =	stream.linear.gather @!p1 [hbm4b:s16+s19], $0xC00, $0x38;
	[tilespmem:$0x1F880] =	vst v63  }
0x115: {  	s15 =	ssub.s32 @!p1 s23, s17  }
0x116: {  	s15 =	sshll.u32 @!p1 s15, $0xE  }
0x117: {  	s0 =	sshrl.u32 @!p1 s0, $0x3;
	s16 =	rddreg [dreg:$0x1];
	s15 =	sadd.s32 @!p1 s15, s13  }
0x118: {  	s0 =	sadd.s32 @!p1 s16, s0;
	s15 =	sshrl.u32 @!p1 s15, $0x3  }
0x119: {  	[spmem:s15], [sflag:s11] =	dma.local @!p1 [hbm:s0], $0x80  }
0x11a: {  	s16 =	sshll.u32 s3, $0xE;
	s17 =	rddreg [dreg:$0x4]  }
0x11b: {  	s19 =	rddreg [dreg:$0xd];
	s0 =	sadd.s32 s16, s17  }
0x11c: {  	s3 =	sadd.s32 s19, s0  }
0x11d: {  	[spmem:s3] =	stream.linear.scatter [tilespmem:s25], [sflag:$0x8], $0x400, $0x38;
	[tilespmem:$0x1F880] =	vst v63  }
0x11e: {  	_ =	swait.ge [sflag:s7], $0x400  }
0x11f: {  	[sflag:s7] =	ssyncset.done $0x0  }
0x120: {  	[sflag:s7] =	ssyncadd.s32 $0xFFFFFC00  }
0x121: {  	_ =	swait.ge [sflag:s12], $0x400  }
0x122: {  	s25 =	smulhi.u32 $0xAAAAAAAB, s14;
	[sflag:s12] =	ssyncset.done $0x0  }
0x123: {  	[sflag:s12] =	ssyncadd.s32 $0xFFFFFC00  }
0x124: {  	s3 =	sshrl.u32 s25, $0x1;
	_ =	swait.ge [sflag:s18], $0x80  }
0x125: {  	s3 =	smul.u32 $0x3, s3;
	[sflag:s18] =	ssyncset.done $0x0  }
0x126: {  	s26 =	simm.s32 $0x1C00;
	[sflag:s18] =	ssyncadd.s32 $0xFFFFFF80  }
0x127: {  	s28 =	simm.s32 $0x3C00;
	s3 =	ssub.s32 s14, s3;
	[bflag:$0x0] =	sbarrier.arrive $0xFFFF  }
0x128: {  	[tilespmem:s26], [sflag:$0x5] =	stream.linear.gather [spmem:s0], $0x2000, $0x38;
	[tilespmem:$0x1F880] =	vst v63  }
0x129: {  	s29 =	sshll.u32 s3, $0xE;
	s0 =	sadd.s32 $0x2000, s0;
	s30 =	rddreg [dreg:$0x3]  }
0x12a: {  	[tilespmem:s28], [sflag:$0x6] =	stream.linear.gather [spmem:s0], $0x2000, $0x38;
	[tilespmem:$0x1F880] =	vst v63  }
0x12b: {  	s3 =	sadd.s32 s29, s30  }
0x12c: {  	[tilespmem:s20], [sflag:$0x4] =	stream.linear.gather [spmem:s3], $0x2000, $0x38;
	[tilespmem:$0x1F880] =	vst v63  }
0x12d: {  	_ =	swait.ge [sflag:s22], $0x2000  }
0x12e: {  	[sflag:s22] =	ssyncset.done $0x0  }
0x12f: {  	[sflag:s22] =	ssyncadd.s32 $0xFFFFE000  }
0x130: {  	_ =	swait.ge [sflag:s21], $0x2000  }
0x131: {  	[sflag:s21] =	ssyncset.done $0x0  }
0x132: {  	s31 =	simm.s32 $0x1C80;
	[sflag:s21] =	ssyncadd.s32 $0xFFFFE000  }
0x133: {  	v6 =	vld [tilespmem:s31+$0x70]  }
0x134: {  	v7 =	vld [tilespmem:s31+$0xFFFFFF90]  }
0x135: {  	v38 =	vld [tilespmem:s31+$0xFFFFFFA0]  }
0x136: {  	v39 =	vld [tilespmem:s31+$0xFFFFFFB0]  }
0x137: {  	v40 =	vld [tilespmem:s31+$0xFFFFFFC0]  }
0x138: {  	v41 =	vld [tilespmem:s31+$0xFFFFFFD0]  }
0x139: {  	s14 =	simm.s32 $0x5C80;
	v13 =	vld [tilespmem:s31+$0xFFFFFFE0]  }
0x13a: {  	v43 =	vld [tilespmem:s14+$0x70]  }
0x13b: {  	v14 =	vld [tilespmem:s31+$0xFFFFFFF0]  }
0x13c: {  	v15 =	vld [tilespmem:s31+$0x0]  }
0x13d: {  	v16 =	vld [tilespmem:s31+$0x10]  }
0x13e: {  	v17 =	vld [tilespmem:s31+$0x20]  }
0x13f: {  	v44 =	vld [tilespmem:s31+$0x40]  }
0x140: {  	v18 =	vld [tilespmem:s31+$0x50]  }
0x141: {  	v19 =	vld [tilespmem:s31+$0x60]  }
0x142: {  	v20 =	vld [tilespmem:s31+$0xFFFFFF80]  }
0x143: {  	v21 =	vld [tilespmem:s14+$0xFFFFFF80]  }
0x144: {  	v22 =	vld [tilespmem:s14+$0xFFFFFF90]  }
0x145: {  	v23 =	vld [tilespmem:s14+$0xFFFFFFA0]  }
0x146: {  	v24 =	vld [tilespmem:s14+$0xFFFFFFB0]  }
0x147: {  	v25 =	vld [tilespmem:s14+$0xFFFFFFC0]  }
0x148: {  	v26 =	vld [tilespmem:s14+$0xFFFFFFD0]  }
0x149: {  	v27 =	vld [tilespmem:s14+$0xFFFFFFE0]  }
0x14a: {  	v29 =	vld [tilespmem:s14+$0xFFFFFFF0]  }
0x14b: {  	v45 =	vld [tilespmem:s14+$0x0];
	v42 =	vshra.s32 v6, $0x10  }
0x14c: {  	v31 =	vld [tilespmem:s14+$0x10];
	vm7 =	veq.s32 v42, v3  }
0x14d: {  	v32 =	vld [tilespmem:s14+$0x20];
	v6 =	vand.u32 $0xFFFF, v6;
	v28 =	vshra.s32 v20, $0x10  }
0x14e: {  	v33 =	vld [tilespmem:s14+$0x30];
	v30 =	vshra.s32 v7, $0x10;
	vm8 =	veq.s32 v28, v3  }
0x14f: {  	v34 =	vld [tilespmem:s14+$0x40];
	v20 =	vand.u32 $0xFFFF, v20;
	v46 =	vshra.s32 v38, $0x10;
	vm9 =	veq.s32 v30, v3  }
0x150: {  	v35 =	vld [tilespmem:s14+$0x50];
	v7 =	vand.u32 $0xFFFF, v7;
	v47 =	vshra.s32 v39, $0x10;
	vm10 =	veq.s32 v46, v3  }
0x151: {  	v52 =	vld [tilespmem:s14+$0x60];
	v8 =	vand.u32 $0xFFFF, v38;
	v48 =	vshra.s32 v40, $0x10;
	vm11 =	veq.s32 v47, v3  }
0x152: {  	v9 =	vand.u32 $0xFFFF, v39;
	v49 =	vshra.s32 v41, $0x10;
	vm12 =	veq.s32 v48, v3;
	[tilespmem:v6+s2+$0x0] =	vst.idx.add.f32.msk vm7, v43  }
0x153: {  	v10 =	vand.u32 $0xFFFF, v40;
	v50 =	vshra.s32 v13, $0x10;
	vm13 =	veq.s32 v49, v3;
	v6 =	vld [tilespmem:s31+$0x30]  }
0x154: {  	v11 =	vand.u32 $0xFFFF, v41;
	v51 =	vshra.s32 v14, $0x10;
	vm14 =	veq.s32 v50, v3;
	[tilespmem:v20+s2+$0x0] =	vst.idx.add.f32.msk vm8, v21  }
0x155: {  	v13 =	vand.u32 $0xFFFF, v13;
	v53 =	vshra.s32 v15, $0x10;
	vm15 =	veq.s32 v51, v3;
	[tilespmem:v7+s2+$0x0] =	vst.idx.add.f32.msk vm9, v22  }
0x156: {  	v54 =	vshra.s32 v16, $0x10;
	v7 =	vand.u32 $0xFFFF, v14;
	vm9 =	veq.s32 v53, v3;
	[tilespmem:v8+s2+$0x0] =	vst.idx.add.f32.msk vm10, v23  }
0x157: {  	v55 =	vand.u32 $0xFFFF, v15;
	v56 =	vshra.s32 v17, $0x10;
	vm10 =	veq.s32 v54, v3;
	[tilespmem:v9+s2+$0x0] =	vst.idx.add.f32.msk vm11, v24  }
0x158: {  	v57 =	vand.u32 $0xFFFF, v16;
	v60 =	vshra.s32 v44, $0x10;
	vm11 =	veq.s32 v56, v3;
	[tilespmem:v10+s2+$0x0] =	vst.idx.add.f32.msk vm12, v25  }
0x159: {  	v59 =	vand.u32 $0xFFFF, v17;
	v61 =	vshra.s32 v18, $0x10;
	[tilespmem:v11+s2+$0x0] =	vst.idx.add.f32.msk vm13, v26;
	vm13 =	veq.s32 v60, v3  }
0x15a: {  	v12 =	vand.u32 $0xFFFF, v44;
	v62 =	vshra.s32 v19, $0x10;
	[tilespmem:v13+s2+$0x0] =	vst.idx.add.f32.msk vm14, v27;
	vm14 =	veq.s32 v61, v3  }
0x15b: {  	v58 =	vshra.s32 v6, $0x10;
	[tilespmem:v7+s2+$0x0] =	vst.idx.add.f32.msk vm15, v29;
	v7 =	vand.u32 $0xFFFF, v18;
	vm15 =	veq.s32 v62, v3  }
0x15c: {  	v63 =	vand.u32 $0xFFFF, v19;
	vm12 =	veq.s32 v58, v3;
	[tilespmem:v55+s2+$0x0] =	vst.idx.add.f32.msk vm9, v45  }
0x15d: {  	v6 =	vand.u32 $0xFFFF, v6;
	[tilespmem:v57+s2+$0x0] =	vst.idx.add.f32.msk vm10, v31  }
0x15e: {  	[tilespmem:v59+s2+$0x0] =	vst.idx.add.f32.msk vm11, v32  }
0x15f: {  	[tilespmem:v12+s2+$0x0] =	vst.idx.add.f32.msk vm13, v34  }
0x160: {  	[tilespmem:v7+s2+$0x0] =	vst.idx.add.f32.msk vm14, v35  }
0x161: {  	[tilespmem:v63+s2+$0x0] =	vst.idx.add.f32.msk vm15, v52  }
0x162: {  	s15 =	simm.s32 $0x0;
	s16 =	simm.s32 $0x1D80;
	[tilespmem:v6+s2+$0x0] =	vst.idx.add.f32.msk vm12, v33  }
.LBB2_6:
0x163: {  	v6 =	vld [tilespmem:s16+$0x70];
	s15 =	sadd.s32 $0x10, s15  }
0x164: {  	v7 =	vld [tilespmem:s16+$0xFFFFFF90];
	p1 =	slt.u32 s15, $0x1F0  }
0x165: {  	v8 =	vld [tilespmem:s16+$0xFFFFFFA0]  }
0x166: {  	v9 =	vld [tilespmem:s16+$0xFFFFFFB0]  }
0x167: {  	v10 =	vld [tilespmem:s16+$0xFFFFFFC0]  }
0x168: {  	v11 =	vld [tilespmem:s16+$0xFFFFFFD0];
	v12 =	vshra.s32 v6, $0x10  }
0x169: {  	s14 =	sadd.s32 $0x100, s14;
	v13 =	vshra.s32 v7, $0x10;
	v7 =	vand.u32 $0xFFFF, v7;
	v14 =	vld [tilespmem:s16+$0xFFFFFFE0];
	vm6 =	veq.s32 v12, v3  }
0x16a: {  	v6 =	vand.u32 $0xFFFF, v6;
	vm0 =	veq.s32 v13, v3;
	v12 =	vshra.s32 v8, $0x10;
	v13 =	vld [tilespmem:s14+$0x70]  }
0x16b: {  	v8 =	vand.u32 $0xFFFF, v8;
	vm1 =	veq.s32 v12, v3;
	v12 =	vshra.s32 v9, $0x10;
	v15 =	vld [tilespmem:s16+$0xFFFFFFF0]  }
0x16c: {  	v9 =	vand.u32 $0xFFFF, v9;
	vm2 =	veq.s32 v12, v3;
	v12 =	vshra.s32 v10, $0x10;
	v16 =	vld [tilespmem:s16+$0x0]  }
0x16d: {  	v10 =	vand.u32 $0xFFFF, v10;
	vm3 =	veq.s32 v12, v3;
	v12 =	vshra.s32 v11, $0x10;
	v17 =	vld [tilespmem:s16+$0x10]  }
0x16e: {  	v11 =	vand.u32 $0xFFFF, v11;
	vm4 =	veq.s32 v12, v3;
	v12 =	vshra.s32 v14, $0x10;
	v18 =	vld [tilespmem:s16+$0x20]  }
0x16f: {  	vm5 =	veq.s32 v12, v3;
	v12 =	vand.u32 $0xFFFF, v14;
	[tilespmem:v6+s2+$0x0] =	vst.idx.add.f32.msk vm6, v13  }
0x170: {  	v6 =	vshra.s32 v15, $0x10;
	v13 =	vand.u32 $0xFFFF, v15;
	v14 =	vld [tilespmem:s16+$0x30]  }
0x171: {  	vm6 =	veq.s32 v6, v3;
	v6 =	vshra.s32 v16, $0x10;
	v15 =	vand.u32 $0xFFFF, v16;
	v16 =	vld [tilespmem:s16+$0x40]  }
0x172: {  	vm7 =	veq.s32 v6, v3;
	v6 =	vshra.s32 v17, $0x10;
	v17 =	vand.u32 $0xFFFF, v17;
	v19 =	vld [tilespmem:s16+$0x50]  }
0x173: {  	vm8 =	veq.s32 v6, v3;
	v6 =	vshra.s32 v18, $0x10;
	v18 =	vand.u32 $0xFFFF, v18;
	v20 =	vld [tilespmem:s16+$0x60]  }
0x174: {  	v21 =	vld [tilespmem:s16+$0xFFFFFF80];
	vm9 =	veq.s32 v6, v3  }
0x175: {  	v6 =	vld [tilespmem:s14+$0xFFFFFF80];
	v22 =	vshra.s32 v14, $0x10;
	v14 =	vand.u32 $0xFFFF, v14  }
0x176: {  	v23 =	vld [tilespmem:s14+$0xFFFFFF90];
	vm10 =	veq.s32 v22, v3;
	v22 =	vshra.s32 v16, $0x10;
	v16 =	vand.u32 $0xFFFF, v16  }
0x177: {  	v24 =	vld [tilespmem:s14+$0xFFFFFFA0];
	vm11 =	veq.s32 v22, v3;
	v22 =	vshra.s32 v19, $0x10;
	v19 =	vand.u32 $0xFFFF, v19  }
0x178: {  	v25 =	vld [tilespmem:s14+$0xFFFFFFB0];
	vm12 =	veq.s32 v22, v3;
	v22 =	vshra.s32 v20, $0x10;
	v20 =	vand.u32 $0xFFFF, v20  }
0x179: {  	v26 =	vshra.s32 v21, $0x10;
	v21 =	vand.u32 $0xFFFF, v21;
	v27 =	vld [tilespmem:s14+$0xFFFFFFC0];
	vm13 =	veq.s32 v22, v3  }
0x17a: {  	vm14 =	veq.s32 v26, v3;
	v22 =	vld [tilespmem:s14+$0xFFFFFFD0]  }
0x17b: {  	v26 =	vld [tilespmem:s14+$0xFFFFFFE0]  }
0x17c: {  	v28 =	vld [tilespmem:s14+$0xFFFFFFF0]  }
0x17d: {  	v29 =	vld [tilespmem:s14+$0x0]  }
0x17e: {  	v30 =	vld [tilespmem:s14+$0x10]  }
0x17f: {  	v31 =	vld [tilespmem:s14+$0x20]  }
0x180: {  	v32 =	vld [tilespmem:s14+$0x30]  }
0x181: {  	v33 =	vld [tilespmem:s14+$0x40]  }
0x182: {  	v34 =	vld [tilespmem:s14+$0x50]  }
0x183: {  	v35 =	vld [tilespmem:s14+$0x60]  }
0x184: {  	[tilespmem:v21+s2+$0x0] =	vst.idx.add.f32.msk vm14, v6  }
0x185: {  	[tilespmem:v7+s2+$0x0] =	vst.idx.add.f32.msk vm0, v23  }
0x186: {  	[tilespmem:v8+s2+$0x0] =	vst.idx.add.f32.msk vm1, v24  }
0x187: {  	[tilespmem:v9+s2+$0x0] =	vst.idx.add.f32.msk vm2, v25  }
0x188: {  	[tilespmem:v10+s2+$0x0] =	vst.idx.add.f32.msk vm3, v27  }
0x189: {  	[tilespmem:v11+s2+$0x0] =	vst.idx.add.f32.msk vm4, v22  }
0x18a: {  	[tilespmem:v12+s2+$0x0] =	vst.idx.add.f32.msk vm5, v26  }
0x18b: {  	[tilespmem:v13+s2+$0x0] =	vst.idx.add.f32.msk vm6, v28  }
0x18c: {  	[tilespmem:v15+s2+$0x0] =	vst.idx.add.f32.msk vm7, v29  }
0x18d: {  	[tilespmem:v17+s2+$0x0] =	vst.idx.add.f32.msk vm8, v30  }
.Ltmp1:
0x18e: {  	[tilespmem:v18+s2+$0x0] =	vst.idx.add.f32.msk vm9, v31;
	(pc) =	sbr.rel @p1 .LBB2_6-.Ltmp1, $4  }
0x18f: {  	[tilespmem:v14+s2+$0x0] =	vst.idx.add.f32.msk vm10, v32  }
0x190: {  	[tilespmem:v16+s2+$0x0] =	vst.idx.add.f32.msk vm11, v33  }
0x191: {  	[tilespmem:v19+s2+$0x0] =	vst.idx.add.f32.msk vm12, v34  }
0x192: {  	s16 =	sadd.s32 $0x100, s16;
	[tilespmem:v20+s2+$0x0] =	vst.idx.add.f32.msk vm13, v35  }
0x193: {  	s0 =	sadd.s32 $0x2000, s3  }
0x194: {  	[tilespmem:s20], [sflag:$0x8] =	stream.linear.gather [spmem:s0], $0x2000, $0x38;
	[tilespmem:$0x1F880] =	vst v63  }
0x195: {  	_ =	swait.ge [sflag:s7], $0x2000  }
0x196: {  	[sflag:s7] =	ssyncset.done $0x0  }
0x197: {  	[sflag:s7] =	ssyncadd.s32 $0xFFFFE000  }
0x198: {  	_ =	swait.ge [sflag:s24], $0x2000  }
0x199: {  	[sflag:s24] =	ssyncset.done $0x0  }
0x19a: {  	s31 =	simm.s32 $0x3CF0;
	[sflag:s24] =	ssyncadd.s32 $0xFFFFE000  }
0x19b: {  	v6 =	vld [tilespmem:s31+$0x0]  }
0x19c: {  	v7 =	vld [tilespmem:s31+$0xFFFFFF20]  }
0x19d: {  	v8 =	vld [tilespmem:s31+$0xFFFFFF30]  }
0x19e: {  	v9 =	vld [tilespmem:s31+$0xFFFFFF40]  }
0x19f: {  	v10 =	vld [tilespmem:s31+$0xFFFFFF50]  }
0x1a0: {  	v11 =	vld [tilespmem:s31+$0xFFFFFF60]  }
0x1a1: {  	s3 =	simm.s32 $0x5C80;
	v13 =	vld [tilespmem:s31+$0xFFFFFF70]  }
0x1a2: {  	v43 =	vld [tilespmem:s3+$0x70]  }
0x1a3: {  	v14 =	vld [tilespmem:s31+$0xFFFFFF80]  }
0x1a4: {  	v15 =	vld [tilespmem:s31+$0xFFFFFF90]  }
0x1a5: {  	v16 =	vld [tilespmem:s31+$0xFFFFFFA0]  }
0x1a6: {  	v17 =	vld [tilespmem:s31+$0xFFFFFFB0]  }
0x1a7: {  	v44 =	vld [tilespmem:s31+$0xFFFFFFD0]  }
0x1a8: {  	v18 =	vld [tilespmem:s31+$0xFFFFFFE0]  }
0x1a9: {  	v19 =	vld [tilespmem:s31+$0xFFFFFFF0]  }
0x1aa: {  	v20 =	vld [tilespmem:s31+$0xFFFFFF10]  }
0x1ab: {  	v21 =	vld [tilespmem:s3+$0xFFFFFF80]  }
0x1ac: {  	v22 =	vld [tilespmem:s3+$0xFFFFFF90]  }
0x1ad: {  	v23 =	vld [tilespmem:s3+$0xFFFFFFA0]  }
0x1ae: {  	v24 =	vld [tilespmem:s3+$0xFFFFFFB0]  }
0x1af: {  	v25 =	vld [tilespmem:s3+$0xFFFFFFC0]  }
0x1b0: {  	v26 =	vld [tilespmem:s3+$0xFFFFFFD0]  }
0x1b1: {  	v27 =	vld [tilespmem:s3+$0xFFFFFFE0]  }
0x1b2: {  	v29 =	vld [tilespmem:s3+$0xFFFFFFF0]  }
0x1b3: {  	v45 =	vld [tilespmem:s3+$0x0];
	v12 =	vshra.s32 v6, $0x10  }
0x1b4: {  	v31 =	vld [tilespmem:s3+$0x10];
	vm0 =	veq.s32 v12, v3  }
0x1b5: {  	v32 =	vld [tilespmem:s3+$0x20];
	v6 =	vand.u32 $0xFFFF, v6;
	v28 =	vshra.s32 v20, $0x10  }
0x1b6: {  	v33 =	vld [tilespmem:s3+$0x30];
	v30 =	vshra.s32 v7, $0x10;
	vm14 =	veq.s32 v28, v3  }
0x1b7: {  	v34 =	vld [tilespmem:s3+$0x40];
	v20 =	vand.u32 $0xFFFF, v20;
	v46 =	vshra.s32 v8, $0x10;
	vm1 =	veq.s32 v30, v3  }
0x1b8: {  	v35 =	vld [tilespmem:s3+$0x50];
	v7 =	vand.u32 $0xFFFF, v7;
	v47 =	vshra.s32 v9, $0x10;
	vm2 =	veq.s32 v46, v3  }
0x1b9: {  	v52 =	vld [tilespmem:s3+$0x60];
	v8 =	vand.u32 $0xFFFF, v8;
	v48 =	vshra.s32 v10, $0x10;
	vm3 =	veq.s32 v47, v3  }
0x1ba: {  	v9 =	vand.u32 $0xFFFF, v9;
	v49 =	vshra.s32 v11, $0x10;
	vm4 =	veq.s32 v48, v3;
	[tilespmem:v6+s2+$0x0] =	vst.idx.add.f32.msk vm0, v43  }
0x1bb: {  	v10 =	vand.u32 $0xFFFF, v10;
	v50 =	vshra.s32 v13, $0x10;
	vm5 =	veq.s32 v49, v3;
	v6 =	vld [tilespmem:s31+$0xFFFFFFC0]  }
0x1bc: {  	v11 =	vand.u32 $0xFFFF, v11;
	v53 =	vshra.s32 v15, $0x10;
	vm15 =	veq.s32 v50, v3;
	[tilespmem:v20+s2+$0x0] =	vst.idx.add.f32.msk vm14, v21  }
0x1bd: {  	v51 =	vshra.s32 v14, $0x10;
	v13 =	vand.u32 $0xFFFF, v13;
	vm9 =	veq.s32 v53, v3;
	[tilespmem:v7+s2+$0x0] =	vst.idx.add.f32.msk vm1, v22  }
0x1be: {  	v54 =	vshra.s32 v16, $0x10;
	v55 =	vand.u32 $0xFFFF, v15;
	vm6 =	veq.s32 v51, v3;
	[tilespmem:v8+s2+$0x0] =	vst.idx.add.f32.msk vm2, v23  }
0x1bf: {  	v56 =	vshra.s32 v17, $0x10;
	vm10 =	veq.s32 v54, v3;
	v7 =	vand.u32 $0xFFFF, v14;
	[tilespmem:v9+s2+$0x0] =	vst.idx.add.f32.msk vm3, v24  }
0x1c0: {  	v57 =	vand.u32 $0xFFFF, v16;
	v60 =	vshra.s32 v44, $0x10;
	vm11 =	veq.s32 v56, v3;
	[tilespmem:v10+s2+$0x0] =	vst.idx.add.f32.msk vm4, v25  }
0x1c1: {  	v59 =	vand.u32 $0xFFFF, v17;
	v62 =	vshra.s32 v19, $0x10;
	vm13 =	veq.s32 v60, v3;
	[tilespmem:v11+s2+$0x0] =	vst.idx.add.f32.msk vm5, v26  }
0x1c2: {  	v61 =	vshra.s32 v18, $0x10;
	v12 =	vand.u32 $0xFFFF, v44;
	[tilespmem:v13+s2+$0x0] =	vst.idx.add.f32.msk vm15, v27;
	vm15 =	veq.s32 v62, v3  }
0x1c3: {  	v63 =	vand.u32 $0xFFFF, v19;
	vm14 =	veq.s32 v61, v3;
	[tilespmem:v55+s2+$0x0] =	vst.idx.add.f32.msk vm9, v45;
	v58 =	vshra.s32 v6, $0x10  }
0x1c4: {  	[tilespmem:v7+s2+$0x0] =	vst.idx.add.f32.msk vm6, v29;
	v7 =	vand.u32 $0xFFFF, v18;
	vm12 =	veq.s32 v58, v3  }
0x1c5: {  	[tilespmem:v57+s2+$0x0] =	vst.idx.add.f32.msk vm10, v31;
	v6 =	vand.u32 $0xFFFF, v6  }
0x1c6: {  	[tilespmem:v59+s2+$0x0] =	vst.idx.add.f32.msk vm11, v32  }
0x1c7: {  	[tilespmem:v12+s2+$0x0] =	vst.idx.add.f32.msk vm13, v34  }
0x1c8: {  	[tilespmem:v63+s2+$0x0] =	vst.idx.add.f32.msk vm15, v52  }
0x1c9: {  	[tilespmem:v7+s2+$0x0] =	vst.idx.add.f32.msk vm14, v35  }
0x1ca: {  	s14 =	simm.s32 $0x0;
	s15 =	simm.s32 $0x3DF0;
	[tilespmem:v6+s2+$0x0] =	vst.idx.add.f32.msk vm12, v33  }
.LBB2_8:
0x1cb: {  	v6 =	vld [tilespmem:s15+$0x0];
	s14 =	sadd.s32 $0x10, s14  }
0x1cc: {  	v7 =	vld [tilespmem:s15+$0xFFFFFF20];
	p1 =	slt.u32 s14, $0x1F0  }
0x1cd: {  	v8 =	vld [tilespmem:s15+$0xFFFFFF30]  }
0x1ce: {  	v9 =	vld [tilespmem:s15+$0xFFFFFF40]  }
0x1cf: {  	v10 =	vld [tilespmem:s15+$0xFFFFFF50]  }
0x1d0: {  	v11 =	vld [tilespmem:s15+$0xFFFFFF60];
	v12 =	vshra.s32 v6, $0x10  }
0x1d1: {  	s3 =	sadd.s32 $0x100, s3;
	v13 =	vshra.s32 v7, $0x10;
	v7 =	vand.u32 $0xFFFF, v7;
	v14 =	vld [tilespmem:s15+$0xFFFFFF70];
	vm6 =	veq.s32 v12, v3  }
0x1d2: {  	v6 =	vand.u32 $0xFFFF, v6;
	vm0 =	veq.s32 v13, v3;
	v12 =	vshra.s32 v8, $0x10;
	v13 =	vld [tilespmem:s3+$0x70]  }
0x1d3: {  	v8 =	vand.u32 $0xFFFF, v8;
	vm1 =	veq.s32 v12, v3;
	v12 =	vshra.s32 v9, $0x10;
	v15 =	vld [tilespmem:s15+$0xFFFFFF80]  }
0x1d4: {  	v9 =	vand.u32 $0xFFFF, v9;
	vm2 =	veq.s32 v12, v3;
	v12 =	vshra.s32 v10, $0x10;
	v16 =	vld [tilespmem:s15+$0xFFFFFF90]  }
0x1d5: {  	v10 =	vand.u32 $0xFFFF, v10;
	vm3 =	veq.s32 v12, v3;
	v12 =	vshra.s32 v11, $0x10;
	v17 =	vld [tilespmem:s15+$0xFFFFFFA0]  }
0x1d6: {  	v11 =	vand.u32 $0xFFFF, v11;
	vm4 =	veq.s32 v12, v3;
	v12 =	vshra.s32 v14, $0x10;
	v18 =	vld [tilespmem:s15+$0xFFFFFFB0]  }
0x1d7: {  	vm5 =	veq.s32 v12, v3;
	v12 =	vand.u32 $0xFFFF, v14;
	[tilespmem:v6+s2+$0x0] =	vst.idx.add.f32.msk vm6, v13  }
0x1d8: {  	v6 =	vshra.s32 v15, $0x10;
	v13 =	vand.u32 $0xFFFF, v15;
	v14 =	vld [tilespmem:s15+$0xFFFFFFC0]  }
0x1d9: {  	vm6 =	veq.s32 v6, v3;
	v6 =	vshra.s32 v16, $0x10;
	v15 =	vand.u32 $0xFFFF, v16;
	v16 =	vld [tilespmem:s15+$0xFFFFFFD0]  }
0x1da: {  	vm7 =	veq.s32 v6, v3;
	v6 =	vshra.s32 v17, $0x10;
	v17 =	vand.u32 $0xFFFF, v17;
	v19 =	vld [tilespmem:s15+$0xFFFFFFE0]  }
0x1db: {  	vm8 =	veq.s32 v6, v3;
	v6 =	vshra.s32 v18, $0x10;
	v18 =	vand.u32 $0xFFFF, v18;
	v20 =	vld [tilespmem:s15+$0xFFFFFFF0]  }
0x1dc: {  	v21 =	vld [tilespmem:s15+$0xFFFFFF10];
	vm9 =	veq.s32 v6, v3  }
0x1dd: {  	v6 =	vld [tilespmem:s3+$0xFFFFFF80];
	v22 =	vshra.s32 v14, $0x10;
	v14 =	vand.u32 $0xFFFF, v14  }
0x1de: {  	v23 =	vld [tilespmem:s3+$0xFFFFFF90];
	vm10 =	veq.s32 v22, v3;
	v22 =	vshra.s32 v16, $0x10;
	v16 =	vand.u32 $0xFFFF, v16  }
0x1df: {  	v24 =	vld [tilespmem:s3+$0xFFFFFFA0];
	vm11 =	veq.s32 v22, v3;
	v22 =	vshra.s32 v19, $0x10;
	v19 =	vand.u32 $0xFFFF, v19  }
0x1e0: {  	v25 =	vld [tilespmem:s3+$0xFFFFFFB0];
	vm12 =	veq.s32 v22, v3;
	v22 =	vshra.s32 v20, $0x10;
	v20 =	vand.u32 $0xFFFF, v20  }
0x1e1: {  	v26 =	vshra.s32 v21, $0x10;
	v21 =	vand.u32 $0xFFFF, v21;
	v27 =	vld [tilespmem:s3+$0xFFFFFFC0];
	vm13 =	veq.s32 v22, v3  }
0x1e2: {  	vm14 =	veq.s32 v26, v3;
	v22 =	vld [tilespmem:s3+$0xFFFFFFD0]  }
0x1e3: {  	v26 =	vld [tilespmem:s3+$0xFFFFFFE0]  }
0x1e4: {  	v28 =	vld [tilespmem:s3+$0xFFFFFFF0]  }
0x1e5: {  	v29 =	vld [tilespmem:s3+$0x0]  }
0x1e6: {  	v30 =	vld [tilespmem:s3+$0x10]  }
0x1e7: {  	v31 =	vld [tilespmem:s3+$0x20]  }
0x1e8: {  	v32 =	vld [tilespmem:s3+$0x30]  }
0x1e9: {  	v33 =	vld [tilespmem:s3+$0x40]  }
0x1ea: {  	v34 =	vld [tilespmem:s3+$0x50]  }
0x1eb: {  	v35 =	vld [tilespmem:s3+$0x60]  }
0x1ec: {  	[tilespmem:v21+s2+$0x0] =	vst.idx.add.f32.msk vm14, v6  }
0x1ed: {  	[tilespmem:v7+s2+$0x0] =	vst.idx.add.f32.msk vm0, v23  }
0x1ee: {  	[tilespmem:v8+s2+$0x0] =	vst.idx.add.f32.msk vm1, v24  }
0x1ef: {  	[tilespmem:v9+s2+$0x0] =	vst.idx.add.f32.msk vm2, v25  }
0x1f0: {  	[tilespmem:v10+s2+$0x0] =	vst.idx.add.f32.msk vm3, v27  }
0x1f1: {  	[tilespmem:v11+s2+$0x0] =	vst.idx.add.f32.msk vm4, v22  }
0x1f2: {  	[tilespmem:v12+s2+$0x0] =	vst.idx.add.f32.msk vm5, v26  }
0x1f3: {  	[tilespmem:v13+s2+$0x0] =	vst.idx.add.f32.msk vm6, v28  }
0x1f4: {  	[tilespmem:v15+s2+$0x0] =	vst.idx.add.f32.msk vm7, v29  }
0x1f5: {  	[tilespmem:v17+s2+$0x0] =	vst.idx.add.f32.msk vm8, v30  }
.Ltmp2:
0x1f6: {  	[tilespmem:v18+s2+$0x0] =	vst.idx.add.f32.msk vm9, v31;
	(pc) =	sbr.rel @p1 .LBB2_8-.Ltmp2, $4  }
0x1f7: {  	[tilespmem:v14+s2+$0x0] =	vst.idx.add.f32.msk vm10, v32  }
0x1f8: {  	[tilespmem:v16+s2+$0x0] =	vst.idx.add.f32.msk vm11, v33  }
0x1f9: {  	[tilespmem:v19+s2+$0x0] =	vst.idx.add.f32.msk vm12, v34  }
0x1fa: {  	s15 =	sadd.s32 $0x100, s15;
	[tilespmem:v20+s2+$0x0] =	vst.idx.add.f32.msk vm13, v35  }
0x1fb: {  	s30 =	simm.s32 $0x6000;
	s31 =	simm.s32 $0x6400  }
0x1fc: {  	p1 =	seq.s32 s23, $0x100  }
.Ltmp3:
0x1fd: {  	_ = 	snop;
	(pc) =	sbr.rel @!p1 .LBB2_3-.Ltmp3, $2  }
0x1fe: {  	_ =	sdelay $0x2  }
0x1ff: {  	p0 =	por !p0, !p0  }
0x200: {  	[bflag:$0x0] =	sbarrier.arrive $0xFFFF;
	s11 =	simm.s32 $0x0  }
.LBB2_11:
0x201: {  	s0 =	sshll.u32 s11, $0xF;
	s3 =	rddreg [dreg:$0x10]  }
0x202: {  	s0 =	sor.u32 s3, s0  }
0x203: {  	s23 =	rddreg [dreg:$0x9];
	s0 =	sshrl.u32 s0, $0x3  }
0x204: {  	s14 =	simm.s32 $0x1C00;
	s25 =	rddreg [dreg:$0x12];
	s3 =	sadd.s32 s23, s0  }
0x205: {  	[tilespmem:s14], [sflag:$0x5] =	stream.strided.gather [hbm4b:s3+s8], $0x2000, s10, s8, $0x38;
	[tilespmem:$0x1F880] =	vst v63  }
0x206: {  	s26 =	simm.s32 $0x3C00;
	s0 =	sadd.s32 s0, s25  }
0x207: {  	[tilespmem:s26], [sflag:$0x6] =	stream.strided.gather [hbm4b:s0+s8], $0x2000, s10, s8, $0x38;
	[tilespmem:$0x1F880] =	vst v63  }
0x208: {  	_ =	swait.ge [sflag:s22], $0x2000  }
0x209: {  	[sflag:s22] =	ssyncset.done $0x0  }
0x20a: {  	s28 =	simm.s32 $0x1C80;
	[sflag:s22] =	ssyncadd.s32 $0xFFFFE000  }
0x20b: {  	v6 =	vld [tilespmem:s28+$0x70]  }
0x20c: {  	v7 =	vld [tilespmem:s28+$0xFFFFFF90]  }
0x20d: {  	v8 =	vld [tilespmem:s28+$0xFFFFFFA0]  }
0x20e: {  	v9 =	vld [tilespmem:s28+$0xFFFFFFB0]  }
0x20f: {  	v13 =	vld [tilespmem:s28+$0xFFFFFFE0]  }
0x210: {  	s29 =	simm.s32 $0x1D80;
	v21 =	vld [tilespmem:s28+$0x50]  }
0x211: {  	v23 =	vld [tilespmem:s29+$0x70]  }
0x212: {  	v24 =	vld [tilespmem:s29+$0xFFFFFF90]  }
0x213: {  	v25 =	vld [tilespmem:s29+$0xFFFFFFA0]  }
0x214: {  	v26 =	vld [tilespmem:s29+$0xFFFFFFB0]  }
0x215: {  	v27 =	vld [tilespmem:s29+$0xFFFFFFC0]  }
0x216: {  	v30 =	vld [tilespmem:s29+$0xFFFFFFE0]  }
0x217: {  	v46 =	vld [tilespmem:s29+$0x0]  }
0x218: {  	v47 =	vld [tilespmem:s29+$0x10];
	v12 =	vshra.s32 v6, $0x10;
	v6 =	vand.u32 $0xFFFF, v6  }
0x219: {  	v32 =	vld [tilespmem:s29+$0x20];
	v14 =	vshra.s32 v7, $0x10;
	v16 =	vshra.s32 v8, $0x10;
	v7 =	vand.u32 $0xFFFF, v7  }
0x21a: {  	v34 =	vld [tilespmem:s29+$0x30];
	v17 =	vshra.s32 v9, $0x10;
	v8 =	vand.u32 $0xFFFF, v8;
	v9 =	vand.u32 $0xFFFF, v9  }
0x21b: {  	v35 =	vld [tilespmem:s29+$0x40];
	v22 =	vshra.s32 v13, $0x10;
	v13 =	vand.u32 $0xFFFF, v13;
	v28 =	vshra.s32 v23, $0x10  }
0x21c: {  	v52 =	vld [tilespmem:s29+$0x60];
	v29 =	vshra.s32 v21, $0x10;
	v23 =	vand.u32 $0xFFFF, v23;
	v21 =	vand.u32 $0xFFFF, v21  }
0x21d: {  	v10 =	vld [tilespmem:s28+$0xFFFFFFC0];
	v33 =	vshra.s32 v24, $0x10;
	v48 =	vshra.s32 v25, $0x10;
	v24 =	vand.u32 $0xFFFF, v24  }
0x21e: {  	v15 =	vld [tilespmem:s28+$0xFFFFFFF0];
	v49 =	vshra.s32 v26, $0x10;
	v25 =	vand.u32 $0xFFFF, v25;
	v50 =	vshra.s32 v27, $0x10  }
0x21f: {  	v53 =	vshra.s32 v30, $0x10;
	v55 =	vand.u32 $0xFFFF, v46;
	v56 =	vand.u32 $0xFFFF, v47  }
0x220: {  	v11 =	vld [tilespmem:s28+$0xFFFFFFD0];
	v58 =	vand.u32 $0xFFFF, v32;
	v60 =	vand.u32 $0xFFFF, v34;
	v61 =	vand.u32 $0xFFFF, v35  }
0x221: {  	v18 =	vld [tilespmem:s28+$0x10];
	v63 =	vand.u32 $0xFFFF, v52;
	vm0 =	veq.s32 v12, v3;
	vm8 =	veq.s32 v14, v3  }
0x222: {  	v19 =	vld [tilespmem:s28+$0x30];
	vm1 =	veq.s32 v16, v3;
	vm2 =	veq.s32 v17, v3;
	v17 =	vshra.s32 v10, $0x10  }
0x223: {  	v31 =	vld [tilespmem:s29+$0xFFFFFFF0];
	v10 =	vand.u32 $0xFFFF, v10;
	vm12 =	veq.s32 v22, v3;
	v22 =	vshra.s32 v15, $0x10  }
0x224: {  	v12 =	vld [tilespmem:s28+$0xFFFFFF80];
	v15 =	vand.u32 $0xFFFF, v15;
	vm7 =	veq.s32 v28, v3;
	vm15 =	veq.s32 v29, v3  }
0x225: {  	v14 =	vld [tilespmem:s28+$0x0];
	v6 =	vnsel vm0, $0x10000, v6;
	v7 =	vnsel vm8, $0x10000, v7;
	v8 =	vnsel vm1, $0x10000, v8  }
0x226: {  	v36 =	vld [tilespmem:s29+$0x50];
	vm10 =	veq.s32 v17, v3;
	v9 =	vnsel vm2, $0x10000, v9;
	vm13 =	veq.s32 v22, v3  }
0x227: {  	v54 =	vld [tilespmem:s29+$0xFFFFFF80];
	v23 =	vnsel vm7, $0x10000, v23;
	v13 =	vnsel vm12, $0x10000, v13;
	v21 =	vnsel vm15, $0x10000, v21  }
0x228: {  	v16 =	vld [tilespmem:s28+$0x20];
	vm12 =	veq.s32 v48, v3;
	vm2 =	veq.s32 v49, v3;
	vm0 =	veq.s32 v53, v3  }
0x229: {  	v17 =	vld [tilespmem:s28+$0x40];
	v10 =	vnsel vm10, $0x10000, v10;
	v15 =	vnsel vm13, $0x10000, v15;
	vm13 =	veq.s32 v50, v3  }
0x22a: {  	v20 =	vshra.s32 v12, $0x10;
	v12 =	vand.u32 $0xFFFF, v12;
	v22 =	vshra.s32 v14, $0x10;
	v6 =	vld.idx.msk [tilespmem:v6+s2+$0x0], $0xffff  }
0x22b: {  	v14 =	vand.u32 $0xFFFF, v14;
	vm9 =	veq.s32 v20, v3;
	v20 =	vshra.s32 v11, $0x10;
	v7 =	vld.idx.msk [tilespmem:v7+s2+$0x0], $0xffff  }
0x22c: {  	v11 =	vand.u32 $0xFFFF, v11;
	v8 =	vld.idx.msk [tilespmem:v8+s2+$0x0], $0xffff;
	vm14 =	veq.s32 v22, v3;
	v22 =	vshra.s32 v18, $0x10  }
0x22d: {  	v9 =	vld.idx.msk [tilespmem:v9+s2+$0x0], $0xffff;
	v18 =	vand.u32 $0xFFFF, v18;
	v12 =	vnsel vm9, $0x10000, v12;
	vm11 =	veq.s32 v20, v3  }
0x22e: {  	v23 =	vld.idx.msk [tilespmem:v23+s2+$0x0], $0xffff;
	vm3 =	veq.s32 v22, v3;
	v22 =	vshra.s32 v16, $0x10;
	v16 =	vand.u32 $0xFFFF, v16  }
0x22f: {  	v20 =	vld [tilespmem:s28+$0x60];
	v14 =	vnsel vm14, $0x10000, v14;
	vm4 =	veq.s32 v22, v3;
	v22 =	vshra.s32 v19, $0x10  }
0x230: {  	v10 =	vld.idx.msk [tilespmem:v10+s2+$0x0], $0xffff;
	v11 =	vnsel vm11, $0x10000, v11;
	vm5 =	veq.s32 v22, v3;
	v22 =	vshra.s32 v17, $0x10  }
0x231: {  	s3 =	simm.s32 $0x5C80;
	v19 =	vand.u32 $0xFFFF, v19;
	v18 =	vnsel vm3, $0x10000, v18;
	vm6 =	veq.s32 v22, v3;
	v22 =	vld [tilespmem:s29+$0xFFFFFFD0]  }
0x232: {  	vm11 =	veq.s32 v33, v3;
	v17 =	vand.u32 $0xFFFF, v17;
	v16 =	vnsel vm4, $0x10000, v16;
	[tilespmem:s3+$0x70] =	vst v6;
	v12 =	vld.idx.msk [tilespmem:v12+s2+$0x0], $0xffff  }
0x233: {  	v13 =	vld.idx.msk [tilespmem:v13+s2+$0x0], $0xffff;
	v19 =	vnsel vm5, $0x10000, v19;
	v17 =	vnsel vm6, $0x10000, v17;
	v6 =	vand.u32 $0xFFFF, v26;
	[tilespmem:s3+$0xFFFFFF90] =	vst v7  }
0x234: {  	v21 =	vld.idx.msk [tilespmem:v21+s2+$0x0], $0xffff;
	v7 =	vand.u32 $0xFFFF, v27;
	[tilespmem:s3+$0xFFFFFFB0] =	vst v9;
	v9 =	vand.u32 $0xFFFF, v30;
	v45 =	vshra.s32 v20, $0x10  }
0x235: {  	v15 =	vld.idx.msk [tilespmem:v15+s2+$0x0], $0xffff;
	v20 =	vand.u32 $0xFFFF, v20;
	[tilespmem:s3+$0xFFFFFFC0] =	vst v10;
	v10 =	vand.u32 $0xFFFF, v31;
	vm8 =	veq.s32 v45, v3  }
0x236: {  	[tilespmem:s3+$0xFFFFFFA0] =	vst v8;
	v14 =	vld.idx.msk [tilespmem:v14+s2+$0x0], $0xffff;
	v51 =	vshra.s32 v22, $0x10;
	v8 =	vand.u32 $0xFFFF, v22;
	v22 =	vshra.s32 v31, $0x10  }
0x237: {  	s14 =	simm.s32 $0x5D80;
	v11 =	vld.idx.msk [tilespmem:v11+s2+$0x0], $0xffff;
	v20 =	vnsel vm8, $0x10000, v20;
	vm1 =	veq.s32 v22, v3;
	[tilespmem:s3+$0xFFFFFF80] =	vst v12;
	v12 =	vshra.s32 v46, $0x10  }
0x238: {  	[tilespmem:s14+$0x70] =	vst v23;
	v19 =	vld.idx.msk [tilespmem:v19+s2+$0x0], $0xffff;
	v22 =	vnsel vm11, $0x10000, v24;
	vm5 =	veq.s32 v12, v3;
	v12 =	vshra.s32 v47, $0x10  }
0x239: {  	[tilespmem:s3+$0xFFFFFFE0] =	vst v13;
	v7 =	vnsel vm13, $0x10000, v7;
	vm6 =	veq.s32 v12, v3;
	v12 =	vld.idx.msk [tilespmem:v18+s2+$0x0], $0xffff;
	v18 =	vshra.s32 v54, $0x10  }
0x23a: {  	[tilespmem:s3+$0x50] =	vst v21;
	v57 =	vld.idx.msk [tilespmem:v16+s2+$0x0], $0xffff;
	v16 =	vand.u32 $0xFFFF, v54;
	vm15 =	veq.s32 v18, v3;
	v18 =	vnsel vm12, $0x10000, v25  }
0x23b: {  	v6 =	vnsel vm2, $0x10000, v6;
	[tilespmem:s3+$0xFFFFFFF0] =	vst v15;
	vm14 =	veq.s32 v51, v3;
	v59 =	vld.idx.msk [tilespmem:v17+s2+$0x0], $0xffff;
	v23 =	vnsel vm15, $0x10000, v16  }
0x23c: {  	[tilespmem:s3+$0x0] =	vst v14;
	v62 =	vnsel vm14, $0x10000, v8;
	v8 =	vshra.s32 v36, $0x10;
	v14 =	vnsel vm0, $0x10000, v9;
	v15 =	vld.idx.msk [tilespmem:v20+s2+$0x0], $0xffff  }
0x23d: {  	v13 =	vnsel vm1, $0x10000, v10;
	[tilespmem:s3+$0xFFFFFFD0] =	vst v11;
	v11 =	vshra.s32 v32, $0x10;
	vm14 =	veq.s32 v8, v3;
	v22 =	vld.idx.msk [tilespmem:v22+s2+$0x0], $0xffff  }
0x23e: {  	vm7 =	veq.s32 v11, v3;
	v11 =	vshra.s32 v34, $0x10;
	v20 =	vand.u32 $0xFFFF, v36;
	[tilespmem:s3+$0x30] =	vst v19;
	v19 =	vld.idx.msk [tilespmem:v7+s2+$0x0], $0xffff  }
0x23f: {  	[tilespmem:s3+$0x20] =	vst v57;
	vm12 =	veq.s32 v11, v3;
	v11 =	vshra.s32 v35, $0x10;
	v10 =	vnsel vm7, $0x10000, v58;
	v16 =	vld.idx.msk [tilespmem:v18+s2+$0x0], $0xffff  }
0x240: {  	v7 =	vnsel vm14, $0x10000, v20;
	vm13 =	veq.s32 v11, v3;
	v11 =	vshra.s32 v52, $0x10;
	[tilespmem:s3+$0x40] =	vst v59;
	v17 =	vld.idx.msk [tilespmem:v23+s2+$0x0], $0xffff  }
0x241: {  	v9 =	vnsel vm12, $0x10000, v60;
	vm15 =	veq.s32 v11, v3;
	v11 =	vnsel vm5, $0x10000, v55;
	[tilespmem:s3+$0x10] =	vst v12;
	v18 =	vld.idx.msk [tilespmem:v6+s2+$0x0], $0xffff  }
0x242: {  	s15 =	simm.s32 $0x10;
	s16 =	simm.s32 $0x1E80;
	v8 =	vnsel vm13, $0x10000, v61;
	v20 =	vld.idx.msk [tilespmem:v62+s2+$0x0], $0xffff;
	v12 =	vnsel vm6, $0x10000, v56;
	v6 =	vnsel vm15, $0x10000, v63;
	[tilespmem:s14+$0xFFFFFF90] =	vst v22  }
.LBB2_12:
0x243: {  	v21 =	vld [tilespmem:s16+$0x70];
	s15 =	sadd.s32 $0x10, s15;
	[tilespmem:s3+$0x60] =	vst v15;
	s3 =	smov.u32 s14  }
0x244: {  	v15 =	vld [tilespmem:s16+$0xFFFFFF90];
	p0 =	slt.u32 s15, $0x1F0;
	[tilespmem:s14+$0xFFFFFFA0] =	vst v16  }
0x245: {  	v16 =	vld [tilespmem:s16+$0xFFFFFFA0];
	[tilespmem:s14+$0xFFFFFF80] =	vst v17  }
0x246: {  	v17 =	vld [tilespmem:s16+$0xFFFFFFB0];
	[tilespmem:s14+$0xFFFFFFB0] =	vst v18  }
0x247: {  	v18 =	vld [tilespmem:s16+$0xFFFFFFC0];
	[tilespmem:s14+$0xFFFFFFC0] =	vst v19  }
0x248: {  	v19 =	vld [tilespmem:s16+$0xFFFFFFD0];
	v22 =	vshra.s32 v21, $0x10;
	[tilespmem:s14+$0xFFFFFFD0] =	vst v20  }
0x249: {  	v21 =	vand.u32 $0xFFFF, v21;
	v20 =	vshra.s32 v15, $0x10;
	v23 =	vld [tilespmem:s16+$0xFFFFFFE0];
	vm0 =	veq.s32 v22, v3  }
0x24a: {  	vm6 =	veq.s32 v20, v3;
	v20 =	vshra.s32 v16, $0x10;
	v22 =	vld [tilespmem:s16+$0xFFFFFFF0];
	v21 =	vnsel vm0, $0x10000, v21  }
0x24b: {  	v15 =	vand.u32 $0xFFFF, v15;
	vm0 =	veq.s32 v20, v3;
	v20 =	vshra.s32 v17, $0x10;
	v24 =	vld [tilespmem:s16+$0x0]  }
0x24c: {  	v16 =	vand.u32 $0xFFFF, v16;
	vm1 =	veq.s32 v20, v3;
	v20 =	vshra.s32 v18, $0x10;
	v25 =	vld [tilespmem:s16+$0x10]  }
0x24d: {  	v17 =	vand.u32 $0xFFFF, v17;
	vm2 =	veq.s32 v20, v3;
	v20 =	vshra.s32 v19, $0x10;
	v26 =	vld [tilespmem:s16+$0x20]  }
0x24e: {  	v18 =	vand.u32 $0xFFFF, v18;
	vm3 =	veq.s32 v20, v3;
	v20 =	vshra.s32 v23, $0x10;
	v27 =	vld [tilespmem:s16+$0x30]  }
0x24f: {  	v19 =	vand.u32 $0xFFFF, v19;
	vm4 =	veq.s32 v20, v3;
	v20 =	vshra.s32 v22, $0x10;
	v21 =	vld.idx.msk [tilespmem:v21+s2+$0x0], $0xffff  }
0x250: {  	v23 =	vand.u32 $0xFFFF, v23;
	vm5 =	veq.s32 v20, v3;
	v20 =	vshra.s32 v24, $0x10;
	v28 =	vld [tilespmem:s16+$0x40]  }
0x251: {  	v22 =	vand.u32 $0xFFFF, v22;
	vm7 =	veq.s32 v20, v3;
	v20 =	vshra.s32 v25, $0x10;
	v29 =	vld [tilespmem:s16+$0x50]  }
0x252: {  	v24 =	vand.u32 $0xFFFF, v24;
	vm8 =	veq.s32 v20, v3;
	v20 =	vshra.s32 v26, $0x10;
	v30 =	vld [tilespmem:s16+$0x60]  }
0x253: {  	v25 =	vand.u32 $0xFFFF, v25;
	v31 =	vld [tilespmem:s16+$0xFFFFFF80];
	vm9 =	veq.s32 v20, v3;
	v20 =	vshra.s32 v27, $0x10  }
0x254: {  	s14 =	sadd.s32 $0x100, s14;
	v26 =	vand.u32 $0xFFFF, v26;
	vm10 =	veq.s32 v20, v3;
	v20 =	vand.u32 $0xFFFF, v27;
	v14 =	vld.idx.msk [tilespmem:v14+s2+$0x0], $0xffff  }
0x255: {  	v15 =	vnsel vm6, $0x10000, v15;
	v27 =	vshra.s32 v28, $0x10;
	v28 =	vand.u32 $0xFFFF, v28;
	[tilespmem:s14+$0x70] =	vst v21;
	v21 =	vld.idx.msk [tilespmem:v13+s2+$0x0], $0xffff  }
0x256: {  	vm6 =	veq.s32 v27, v3;
	v13 =	vshra.s32 v29, $0x10;
	v27 =	vand.u32 $0xFFFF, v29;
	v29 =	vld.idx.msk [tilespmem:v11+s2+$0x0], $0xffff  }
0x257: {  	vm11 =	veq.s32 v13, v3;
	v11 =	vshra.s32 v30, $0x10;
	v30 =	vand.u32 $0xFFFF, v30;
	v32 =	vld.idx.msk [tilespmem:v12+s2+$0x0], $0xffff  }
0x258: {  	v12 =	vshra.s32 v31, $0x10;
	v13 =	vand.u32 $0xFFFF, v31;
	vm12 =	veq.s32 v11, v3;
	v31 =	vld.idx.msk [tilespmem:v10+s2+$0x0], $0xffff  }
0x259: {  	v16 =	vnsel vm0, $0x10000, v16;
	v33 =	vnsel vm1, $0x10000, v17;
	vm13 =	veq.s32 v12, v3;
	v34 =	vld.idx.msk [tilespmem:v9+s2+$0x0], $0xffff  }
0x25a: {  	v36 =	vnsel vm2, $0x10000, v18;
	v37 =	vnsel vm3, $0x10000, v19;
	v17 =	vnsel vm13, $0x10000, v13;
	v35 =	vld.idx.msk [tilespmem:v15+s2+$0x0], $0xffff;
	[tilespmem:s3+$0xFFFFFFE0] =	vst v14  }
0x25b: {  	v11 =	vnsel vm7, $0x10000, v24;
	v14 =	vnsel vm4, $0x10000, v23;
	v13 =	vnsel vm5, $0x10000, v22;
	[tilespmem:s3+$0xFFFFFFF0] =	vst v21;
	v21 =	vld.idx.msk [tilespmem:v8+s2+$0x0], $0xffff  }
0x25c: {  	v10 =	vnsel vm9, $0x10000, v26;
	v12 =	vnsel vm8, $0x10000, v25;
	v9 =	vnsel vm10, $0x10000, v20;
	[tilespmem:s3+$0x0] =	vst v29;
	v22 =	vld.idx.msk [tilespmem:v7+s2+$0x0], $0xffff  }
0x25d: {  	v8 =	vnsel vm6, $0x10000, v28;
	v7 =	vnsel vm11, $0x10000, v27;
	[tilespmem:s3+$0x10] =	vst v32;
	v15 =	vld.idx.msk [tilespmem:v6+s2+$0x0], $0xffff;
	v6 =	vnsel vm12, $0x10000, v30  }
.Ltmp4:
0x25e: {  	v16 =	vld.idx.msk [tilespmem:v16+s2+$0x0], $0xffff;
	[tilespmem:s3+$0x20] =	vst v31;
	(pc) =	sbr.rel @p0 .LBB2_12-.Ltmp4, $4  }
0x25f: {  	v17 =	vld.idx.msk [tilespmem:v17+s2+$0x0], $0xffff;
	[tilespmem:s3+$0x30] =	vst v34  }
0x260: {  	[tilespmem:s14+$0xFFFFFF90] =	vst v35;
	v18 =	vld.idx.msk [tilespmem:v33+s2+$0x0], $0xffff  }
0x261: {  	v19 =	vld.idx.msk [tilespmem:v36+s2+$0x0], $0xffff;
	[tilespmem:s3+$0x40] =	vst v21  }
0x262: {  	s16 =	sadd.s32 $0x100, s16;
	v20 =	vld.idx.msk [tilespmem:v37+s2+$0x0], $0xffff;
	[tilespmem:s3+$0x50] =	vst v22  }
0x263: {  	_ =	sdelay $0x2  }
0x264: {  	[tilespmem:s3+$0x60] =	vst v15  }
0x265: {  	[tilespmem:s14+$0xFFFFFFA0] =	vst v16;
	v14 =	vld.idx.msk [tilespmem:v14+s2+$0x0], $0xffff  }
0x266: {  	v13 =	vld.idx.msk [tilespmem:v13+s2+$0x0], $0xffff;
	[tilespmem:s14+$0xFFFFFF80] =	vst v17  }
0x267: {  	v11 =	vld.idx.msk [tilespmem:v11+s2+$0x0], $0xffff;
	[tilespmem:s14+$0xFFFFFFB0] =	vst v18  }
0x268: {  	v12 =	vld.idx.msk [tilespmem:v12+s2+$0x0], $0xffff;
	[tilespmem:s14+$0xFFFFFFC0] =	vst v19  }
0x269: {  	v10 =	vld.idx.msk [tilespmem:v10+s2+$0x0], $0xffff;
	[tilespmem:s14+$0xFFFFFFD0] =	vst v20  }
0x26a: {  	v9 =	vld.idx.msk [tilespmem:v9+s2+$0x0], $0xffff;
	[tilespmem:s14+$0xFFFFFFE0] =	vst v14  }
0x26b: {  	v8 =	vld.idx.msk [tilespmem:v8+s2+$0x0], $0xffff;
	[tilespmem:s14+$0xFFFFFFF0] =	vst v13  }
0x26c: {  	v7 =	vld.idx.msk [tilespmem:v7+s2+$0x0], $0xffff;
	[tilespmem:s14+$0x0] =	vst v11  }
0x26d: {  	v6 =	vld.idx.msk [tilespmem:v6+s2+$0x0], $0xffff;
	[tilespmem:s14+$0x10] =	vst v12  }
0x26e: {  	[tilespmem:s14+$0x20] =	vst v10  }
0x26f: {  	[tilespmem:s14+$0x30] =	vst v9  }
0x270: {  	[tilespmem:s14+$0x40] =	vst v8  }
0x271: {  	[tilespmem:s14+$0x50] =	vst v7  }
0x272: {  	[tilespmem:s14+$0x60] =	vst v6  }
0x273: {  	s0 =	rddreg [dreg:$0x11]  }
0x274: {  	[spmem:s0] =	stream.linear.scatter [tilespmem:s20], [sflag:$0x7], $0x400, $0x38;
	[tilespmem:$0x1F880] =	vst v63  }
0x275: {  	s25 =	rddreg [dreg:$0x13]  }
0x276: {  	[spmem:s25] =	stream.linear.scatter [tilespmem:s30], [sflag:$0x7], $0x400, $0x38;
	[tilespmem:$0x1F880] =	vst v63  }
0x277: {  	s26 =	rddreg [dreg:$0x14]  }
0x278: {  	[spmem:s26] =	stream.linear.scatter [tilespmem:s31], [sflag:$0x7], $0x400, $0x38;
	[tilespmem:$0x1F880] =	vst v63  }
0x279: {  	s29 =	simm.s32 $0x6800;
	s28 =	rddreg [dreg:$0x18]  }
0x27a: {  	[spmem:s28] =	stream.linear.scatter [tilespmem:s29], [sflag:$0x7], $0x400, $0x38;
	[tilespmem:$0x1F880] =	vst v63  }
0x27b: {  	s15 =	simm.s32 $0x6C00;
	s14 =	rddreg [dreg:$0x19]  }
0x27c: {  	[spmem:s14] =	stream.linear.scatter [tilespmem:s15], [sflag:$0x7], $0x400, $0x38;
	[tilespmem:$0x1F880] =	vst v63  }
0x27d: {  	s17 =	simm.s32 $0x7000;
	s16 =	rddreg [dreg:$0x1a]  }
0x27e: {  	[spmem:s16] =	stream.linear.scatter [tilespmem:s17], [sflag:$0x7], $0x400, $0x38;
	[tilespmem:$0x1F880] =	vst v63  }
0x27f: {  	s23 =	simm.s32 $0x7400;
	s19 =	rddreg [dreg:$0x1b]  }
0x280: {  	[spmem:s19] =	stream.linear.scatter [tilespmem:s23], [sflag:$0x7], $0x400, $0x38;
	[tilespmem:$0x1F880] =	vst v63  }
0x281: {  	s25 =	rddreg [dreg:$0x1c];
	s26 =	simm.s32 $0x7800  }
0x282: {  	[spmem:s25] =	stream.linear.scatter [tilespmem:s26], [sflag:$0x7], $0x400, $0x38;
	[tilespmem:$0x1F880] =	vst v63  }
0x283: {  	_ =	swait.ge [sflag:s24], $0x2000  }
0x284: {  	[sflag:s24] =	ssyncset.done $0x0  }
0x285: {  	[sflag:s24] =	ssyncadd.s32 $0xFFFFE000  }
0x286: {  	_ =	swait.ge [sflag:s5], $0x400  }
0x287: {  	[sflag:s5] =	ssyncset.done $0x0  }
0x288: {  	[sflag:s5] =	ssyncadd.s32 $0xFFFFFC00  }
0x289: {  	_ =	swait.ge [sflag:s5], $0x400  }
0x28a: {  	[sflag:s5] =	ssyncset.done $0x0  }
0x28b: {  	[sflag:s5] =	ssyncadd.s32 $0xFFFFFC00  }
0x28c: {  	_ =	swait.ge [sflag:s5], $0x400  }
0x28d: {  	[sflag:s5] =	ssyncset.done $0x0  }
0x28e: {  	[sflag:s5] =	ssyncadd.s32 $0xFFFFFC00  }
0x28f: {  	_ =	swait.ge [sflag:s5], $0x400  }
0x290: {  	[sflag:s5] =	ssyncset.done $0x0  }
0x291: {  	[sflag:s5] =	ssyncadd.s32 $0xFFFFFC00  }
0x292: {  	_ =	swait.ge [sflag:s5], $0x400  }
0x293: {  	[sflag:s5] =	ssyncset.done $0x0  }
0x294: {  	[sflag:s5] =	ssyncadd.s32 $0xFFFFFC00  }
0x295: {  	_ =	swait.ge [sflag:s5], $0x400  }
0x296: {  	[sflag:s5] =	ssyncset.done $0x0  }
0x297: {  	[sflag:s5] =	ssyncadd.s32 $0xFFFFFC00  }
0x298: {  	_ =	swait.ge [sflag:s5], $0x400  }
0x299: {  	[sflag:s5] =	ssyncset.done $0x0  }
0x29a: {  	[sflag:s5] =	ssyncadd.s32 $0xFFFFFC00  }
0x29b: {  	_ =	swait.ge [sflag:s5], $0x400  }
0x29c: {  	[sflag:s5] =	ssyncset.done $0x0  }
0x29d: {  	s28 =	simm.s32 $0x3CF0;
	[sflag:s5] =	ssyncadd.s32 $0xFFFFFC00  }
0x29e: {  	v6 =	vld [tilespmem:s28+$0x0]  }
0x29f: {  	v7 =	vld [tilespmem:s28+$0xFFFFFF20]  }
0x2a0: {  	v8 =	vld [tilespmem:s28+$0xFFFFFF30]  }
0x2a1: {  	v9 =	vld [tilespmem:s28+$0xFFFFFF40]  }
0x2a2: {  	v13 =	vld [tilespmem:s28+$0xFFFFFF70]  }
0x2a3: {  	s29 =	simm.s32 $0x3DF0;
	v21 =	vld [tilespmem:s28+$0xFFFFFFE0]  }
0x2a4: {  	v23 =	vld [tilespmem:s29+$0x0]  }
0x2a5: {  	v24 =	vld [tilespmem:s29+$0xFFFFFF20]  }
0x2a6: {  	v25 =	vld [tilespmem:s29+$0xFFFFFF30]  }
0x2a7: {  	v26 =	vld [tilespmem:s29+$0xFFFFFF40]  }
0x2a8: {  	v27 =	vld [tilespmem:s29+$0xFFFFFF50]  }
0x2a9: {  	v30 =	vld [tilespmem:s29+$0xFFFFFF70]  }
0x2aa: {  	v46 =	vld [tilespmem:s29+$0xFFFFFF90]  }
0x2ab: {  	v47 =	vld [tilespmem:s29+$0xFFFFFFA0];
	v12 =	vshra.s32 v6, $0x10;
	v6 =	vand.u32 $0xFFFF, v6  }
0x2ac: {  	v32 =	vld [tilespmem:s29+$0xFFFFFFB0];
	v14 =	vshra.s32 v7, $0x10;
	v16 =	vshra.s32 v8, $0x10;
	v7 =	vand.u32 $0xFFFF, v7  }
0x2ad: {  	v34 =	vld [tilespmem:s29+$0xFFFFFFC0];
	v17 =	vshra.s32 v9, $0x10;
	v8 =	vand.u32 $0xFFFF, v8;
	v9 =	vand.u32 $0xFFFF, v9  }
0x2ae: {  	v35 =	vld [tilespmem:s29+$0xFFFFFFD0];
	v22 =	vshra.s32 v13, $0x10;
	v13 =	vand.u32 $0xFFFF, v13;
	v28 =	vshra.s32 v23, $0x10  }
0x2af: {  	v52 =	vld [tilespmem:s29+$0xFFFFFFF0];
	v29 =	vshra.s32 v21, $0x10;
	v23 =	vand.u32 $0xFFFF, v23;
	v21 =	vand.u32 $0xFFFF, v21  }
0x2b0: {  	v10 =	vld [tilespmem:s28+$0xFFFFFF50];
	v33 =	vshra.s32 v24, $0x10;
	v48 =	vshra.s32 v25, $0x10;
	v24 =	vand.u32 $0xFFFF, v24  }
0x2b1: {  	v15 =	vld [tilespmem:s28+$0xFFFFFF80];
	v49 =	vshra.s32 v26, $0x10;
	v25 =	vand.u32 $0xFFFF, v25;
	v50 =	vshra.s32 v27, $0x10  }
0x2b2: {  	v53 =	vshra.s32 v30, $0x10;
	v55 =	vand.u32 $0xFFFF, v46;
	v56 =	vand.u32 $0xFFFF, v47  }
0x2b3: {  	v11 =	vld [tilespmem:s28+$0xFFFFFF60];
	v58 =	vand.u32 $0xFFFF, v32;
	v60 =	vand.u32 $0xFFFF, v34;
	v61 =	vand.u32 $0xFFFF, v35  }
0x2b4: {  	v18 =	vld [tilespmem:s28+$0xFFFFFFA0];
	v63 =	vand.u32 $0xFFFF, v52;
	vm0 =	veq.s32 v12, v3;
	vm8 =	veq.s32 v14, v3  }
0x2b5: {  	v19 =	vld [tilespmem:s28+$0xFFFFFFC0];
	vm1 =	veq.s32 v16, v3;
	vm2 =	veq.s32 v17, v3;
	v17 =	vshra.s32 v10, $0x10  }
0x2b6: {  	v31 =	vld [tilespmem:s29+$0xFFFFFF80];
	v10 =	vand.u32 $0xFFFF, v10;
	vm12 =	veq.s32 v22, v3;
	v22 =	vshra.s32 v15, $0x10  }
0x2b7: {  	v12 =	vld [tilespmem:s28+$0xFFFFFF10];
	v15 =	vand.u32 $0xFFFF, v15;
	vm7 =	veq.s32 v28, v3;
	vm15 =	veq.s32 v29, v3  }
0x2b8: {  	v14 =	vld [tilespmem:s28+$0xFFFFFF90];
	v6 =	vnsel vm0, $0x10000, v6;
	v7 =	vnsel vm8, $0x10000, v7;
	v8 =	vnsel vm1, $0x10000, v8  }
0x2b9: {  	v36 =	vld [tilespmem:s29+$0xFFFFFFE0];
	vm10 =	veq.s32 v17, v3;
	v9 =	vnsel vm2, $0x10000, v9;
	vm13 =	veq.s32 v22, v3  }
0x2ba: {  	v54 =	vld [tilespmem:s29+$0xFFFFFF10];
	v23 =	vnsel vm7, $0x10000, v23;
	v13 =	vnsel vm12, $0x10000, v13;
	v21 =	vnsel vm15, $0x10000, v21  }
0x2bb: {  	v16 =	vld [tilespmem:s28+$0xFFFFFFB0];
	vm12 =	veq.s32 v48, v3;
	vm2 =	veq.s32 v49, v3;
	vm0 =	veq.s32 v53, v3  }
0x2bc: {  	v17 =	vld [tilespmem:s28+$0xFFFFFFD0];
	v10 =	vnsel vm10, $0x10000, v10;
	v15 =	vnsel vm13, $0x10000, v15;
	vm13 =	veq.s32 v50, v3  }
0x2bd: {  	v20 =	vshra.s32 v12, $0x10;
	v12 =	vand.u32 $0xFFFF, v12;
	v22 =	vshra.s32 v14, $0x10;
	v6 =	vld.idx.msk [tilespmem:v6+s2+$0x0], $0xffff  }
0x2be: {  	v14 =	vand.u32 $0xFFFF, v14;
	vm9 =	veq.s32 v20, v3;
	v20 =	vshra.s32 v11, $0x10;
	v7 =	vld.idx.msk [tilespmem:v7+s2+$0x0], $0xffff  }
0x2bf: {  	v11 =	vand.u32 $0xFFFF, v11;
	v8 =	vld.idx.msk [tilespmem:v8+s2+$0x0], $0xffff;
	vm14 =	veq.s32 v22, v3;
	v22 =	vshra.s32 v18, $0x10  }
0x2c0: {  	v9 =	vld.idx.msk [tilespmem:v9+s2+$0x0], $0xffff;
	v18 =	vand.u32 $0xFFFF, v18;
	v12 =	vnsel vm9, $0x10000, v12;
	vm11 =	veq.s32 v20, v3  }
0x2c1: {  	v23 =	vld.idx.msk [tilespmem:v23+s2+$0x0], $0xffff;
	vm3 =	veq.s32 v22, v3;
	v22 =	vshra.s32 v16, $0x10;
	v16 =	vand.u32 $0xFFFF, v16  }
0x2c2: {  	v20 =	vld [tilespmem:s28+$0xFFFFFFF0];
	v14 =	vnsel vm14, $0x10000, v14;
	vm4 =	veq.s32 v22, v3;
	v22 =	vshra.s32 v19, $0x10  }
0x2c3: {  	v10 =	vld.idx.msk [tilespmem:v10+s2+$0x0], $0xffff;
	v11 =	vnsel vm11, $0x10000, v11;
	vm5 =	veq.s32 v22, v3;
	v22 =	vshra.s32 v17, $0x10  }
0x2c4: {  	s3 =	simm.s32 $0x5C80;
	v19 =	vand.u32 $0xFFFF, v19;
	v18 =	vnsel vm3, $0x10000, v18;
	vm6 =	veq.s32 v22, v3;
	v22 =	vld [tilespmem:s29+$0xFFFFFF60]  }
0x2c5: {  	vm11 =	veq.s32 v33, v3;
	v17 =	vand.u32 $0xFFFF, v17;
	v16 =	vnsel vm4, $0x10000, v16;
	[tilespmem:s3+$0x70] =	vst v6;
	v12 =	vld.idx.msk [tilespmem:v12+s2+$0x0], $0xffff  }
0x2c6: {  	v13 =	vld.idx.msk [tilespmem:v13+s2+$0x0], $0xffff;
	v19 =	vnsel vm5, $0x10000, v19;
	v17 =	vnsel vm6, $0x10000, v17;
	v6 =	vand.u32 $0xFFFF, v26;
	[tilespmem:s3+$0xFFFFFF90] =	vst v7  }
0x2c7: {  	v21 =	vld.idx.msk [tilespmem:v21+s2+$0x0], $0xffff;
	v7 =	vand.u32 $0xFFFF, v27;
	[tilespmem:s3+$0xFFFFFFB0] =	vst v9;
	v9 =	vand.u32 $0xFFFF, v30;
	v45 =	vshra.s32 v20, $0x10  }
0x2c8: {  	v15 =	vld.idx.msk [tilespmem:v15+s2+$0x0], $0xffff;
	v20 =	vand.u32 $0xFFFF, v20;
	[tilespmem:s3+$0xFFFFFFC0] =	vst v10;
	v10 =	vand.u32 $0xFFFF, v31;
	vm8 =	veq.s32 v45, v3  }
0x2c9: {  	[tilespmem:s3+$0xFFFFFFA0] =	vst v8;
	v14 =	vld.idx.msk [tilespmem:v14+s2+$0x0], $0xffff;
	v51 =	vshra.s32 v22, $0x10;
	v8 =	vand.u32 $0xFFFF, v22;
	v22 =	vshra.s32 v31, $0x10  }
0x2ca: {  	s14 =	simm.s32 $0x5D80;
	v11 =	vld.idx.msk [tilespmem:v11+s2+$0x0], $0xffff;
	v20 =	vnsel vm8, $0x10000, v20;
	vm1 =	veq.s32 v22, v3;
	[tilespmem:s3+$0xFFFFFF80] =	vst v12;
	v12 =	vshra.s32 v46, $0x10  }
0x2cb: {  	[tilespmem:s14+$0x70] =	vst v23;
	v19 =	vld.idx.msk [tilespmem:v19+s2+$0x0], $0xffff;
	v22 =	vnsel vm11, $0x10000, v24;
	vm5 =	veq.s32 v12, v3;
	v12 =	vshra.s32 v47, $0x10  }
0x2cc: {  	[tilespmem:s3+$0xFFFFFFE0] =	vst v13;
	v7 =	vnsel vm13, $0x10000, v7;
	vm6 =	veq.s32 v12, v3;
	v12 =	vld.idx.msk [tilespmem:v18+s2+$0x0], $0xffff;
	v18 =	vshra.s32 v54, $0x10  }
0x2cd: {  	[tilespmem:s3+$0x50] =	vst v21;
	v57 =	vld.idx.msk [tilespmem:v16+s2+$0x0], $0xffff;
	v16 =	vand.u32 $0xFFFF, v54;
	vm15 =	veq.s32 v18, v3;
	v18 =	vnsel vm12, $0x10000, v25  }
0x2ce: {  	v6 =	vnsel vm2, $0x10000, v6;
	[tilespmem:s3+$0xFFFFFFF0] =	vst v15;
	vm14 =	veq.s32 v51, v3;
	v59 =	vld.idx.msk [tilespmem:v17+s2+$0x0], $0xffff;
	v23 =	vnsel vm15, $0x10000, v16  }
0x2cf: {  	[tilespmem:s3+$0x0] =	vst v14;
	v62 =	vnsel vm14, $0x10000, v8;
	v8 =	vshra.s32 v36, $0x10;
	v14 =	vnsel vm0, $0x10000, v9;
	v15 =	vld.idx.msk [tilespmem:v20+s2+$0x0], $0xffff  }
0x2d0: {  	v13 =	vnsel vm1, $0x10000, v10;
	[tilespmem:s3+$0xFFFFFFD0] =	vst v11;
	v11 =	vshra.s32 v32, $0x10;
	vm14 =	veq.s32 v8, v3;
	v22 =	vld.idx.msk [tilespmem:v22+s2+$0x0], $0xffff  }
0x2d1: {  	vm7 =	veq.s32 v11, v3;
	v11 =	vshra.s32 v34, $0x10;
	v20 =	vand.u32 $0xFFFF, v36;
	[tilespmem:s3+$0x30] =	vst v19;
	v19 =	vld.idx.msk [tilespmem:v7+s2+$0x0], $0xffff  }
0x2d2: {  	[tilespmem:s3+$0x20] =	vst v57;
	vm12 =	veq.s32 v11, v3;
	v11 =	vshra.s32 v35, $0x10;
	v10 =	vnsel vm7, $0x10000, v58;
	v16 =	vld.idx.msk [tilespmem:v18+s2+$0x0], $0xffff  }
0x2d3: {  	v7 =	vnsel vm14, $0x10000, v20;
	vm13 =	veq.s32 v11, v3;
	v11 =	vshra.s32 v52, $0x10;
	[tilespmem:s3+$0x40] =	vst v59;
	v17 =	vld.idx.msk [tilespmem:v23+s2+$0x0], $0xffff  }
0x2d4: {  	v9 =	vnsel vm12, $0x10000, v60;
	vm15 =	veq.s32 v11, v3;
	v11 =	vnsel vm5, $0x10000, v55;
	[tilespmem:s3+$0x10] =	vst v12;
	v18 =	vld.idx.msk [tilespmem:v6+s2+$0x0], $0xffff  }
0x2d5: {  	s15 =	simm.s32 $0x10;
	s16 =	simm.s32 $0x3EF0;
	v8 =	vnsel vm13, $0x10000, v61;
	v20 =	vld.idx.msk [tilespmem:v62+s2+$0x0], $0xffff;
	v12 =	vnsel vm6, $0x10000, v56;
	v6 =	vnsel vm15, $0x10000, v63;
	[tilespmem:s14+$0xFFFFFF90] =	vst v22  }
.LBB2_14:
0x2d6: {  	v21 =	vld [tilespmem:s16+$0x0];
	s15 =	sadd.s32 $0x10, s15;
	[tilespmem:s3+$0x60] =	vst v15;
	s3 =	smov.u32 s14  }
0x2d7: {  	v15 =	vld [tilespmem:s16+$0xFFFFFF20];
	p0 =	slt.u32 s15, $0x1F0;
	[tilespmem:s14+$0xFFFFFFA0] =	vst v16  }
0x2d8: {  	v16 =	vld [tilespmem:s16+$0xFFFFFF30];
	[tilespmem:s14+$0xFFFFFF80] =	vst v17  }
0x2d9: {  	v17 =	vld [tilespmem:s16+$0xFFFFFF40];
	[tilespmem:s14+$0xFFFFFFB0] =	vst v18  }
0x2da: {  	v18 =	vld [tilespmem:s16+$0xFFFFFF50];
	[tilespmem:s14+$0xFFFFFFC0] =	vst v19  }
0x2db: {  	v19 =	vld [tilespmem:s16+$0xFFFFFF60];
	v22 =	vshra.s32 v21, $0x10;
	[tilespmem:s14+$0xFFFFFFD0] =	vst v20  }
0x2dc: {  	v21 =	vand.u32 $0xFFFF, v21;
	v20 =	vshra.s32 v15, $0x10;
	v23 =	vld [tilespmem:s16+$0xFFFFFF70];
	vm0 =	veq.s32 v22, v3  }
0x2dd: {  	vm6 =	veq.s32 v20, v3;
	v20 =	vshra.s32 v16, $0x10;
	v22 =	vld [tilespmem:s16+$0xFFFFFF80];
	v21 =	vnsel vm0, $0x10000, v21  }
0x2de: {  	v15 =	vand.u32 $0xFFFF, v15;
	vm0 =	veq.s32 v20, v3;
	v20 =	vshra.s32 v17, $0x10;
	v24 =	vld [tilespmem:s16+$0xFFFFFF90]  }
0x2df: {  	v16 =	vand.u32 $0xFFFF, v16;
	vm1 =	veq.s32 v20, v3;
	v20 =	vshra.s32 v18, $0x10;
	v25 =	vld [tilespmem:s16+$0xFFFFFFA0]  }
0x2e0: {  	v17 =	vand.u32 $0xFFFF, v17;
	vm2 =	veq.s32 v20, v3;
	v20 =	vshra.s32 v19, $0x10;
	v26 =	vld [tilespmem:s16+$0xFFFFFFB0]  }
0x2e1: {  	v18 =	vand.u32 $0xFFFF, v18;
	vm3 =	veq.s32 v20, v3;
	v20 =	vshra.s32 v23, $0x10;
	v27 =	vld [tilespmem:s16+$0xFFFFFFC0]  }
0x2e2: {  	v19 =	vand.u32 $0xFFFF, v19;
	vm4 =	veq.s32 v20, v3;
	v20 =	vshra.s32 v22, $0x10;
	v21 =	vld.idx.msk [tilespmem:v21+s2+$0x0], $0xffff  }
0x2e3: {  	v23 =	vand.u32 $0xFFFF, v23;
	vm5 =	veq.s32 v20, v3;
	v20 =	vshra.s32 v24, $0x10;
	v28 =	vld [tilespmem:s16+$0xFFFFFFD0]  }
0x2e4: {  	v22 =	vand.u32 $0xFFFF, v22;
	vm7 =	veq.s32 v20, v3;
	v20 =	vshra.s32 v25, $0x10;
	v29 =	vld [tilespmem:s16+$0xFFFFFFE0]  }
0x2e5: {  	v24 =	vand.u32 $0xFFFF, v24;
	vm8 =	veq.s32 v20, v3;
	v20 =	vshra.s32 v26, $0x10;
	v30 =	vld [tilespmem:s16+$0xFFFFFFF0]  }
0x2e6: {  	v25 =	vand.u32 $0xFFFF, v25;
	v31 =	vld [tilespmem:s16+$0xFFFFFF10];
	vm9 =	veq.s32 v20, v3;
	v20 =	vshra.s32 v27, $0x10  }
0x2e7: {  	s14 =	sadd.s32 $0x100, s14;
	v26 =	vand.u32 $0xFFFF, v26;
	vm10 =	veq.s32 v20, v3;
	v20 =	vand.u32 $0xFFFF, v27;
	v14 =	vld.idx.msk [tilespmem:v14+s2+$0x0], $0xffff  }
0x2e8: {  	v15 =	vnsel vm6, $0x10000, v15;
	v27 =	vshra.s32 v28, $0x10;
	v28 =	vand.u32 $0xFFFF, v28;
	[tilespmem:s14+$0x70] =	vst v21;
	v21 =	vld.idx.msk [tilespmem:v13+s2+$0x0], $0xffff  }
0x2e9: {  	vm6 =	veq.s32 v27, v3;
	v13 =	vshra.s32 v29, $0x10;
	v27 =	vand.u32 $0xFFFF, v29;
	v29 =	vld.idx.msk [tilespmem:v11+s2+$0x0], $0xffff  }
0x2ea: {  	vm11 =	veq.s32 v13, v3;
	v11 =	vshra.s32 v30, $0x10;
	v30 =	vand.u32 $0xFFFF, v30;
	v32 =	vld.idx.msk [tilespmem:v12+s2+$0x0], $0xffff  }
0x2eb: {  	v12 =	vshra.s32 v31, $0x10;
	v13 =	vand.u32 $0xFFFF, v31;
	vm12 =	veq.s32 v11, v3;
	v31 =	vld.idx.msk [tilespmem:v10+s2+$0x0], $0xffff  }
0x2ec: {  	v16 =	vnsel vm0, $0x10000, v16;
	v33 =	vnsel vm1, $0x10000, v17;
	vm13 =	veq.s32 v12, v3;
	v34 =	vld.idx.msk [tilespmem:v9+s2+$0x0], $0xffff  }
0x2ed: {  	v36 =	vnsel vm2, $0x10000, v18;
	v37 =	vnsel vm3, $0x10000, v19;
	v17 =	vnsel vm13, $0x10000, v13;
	v35 =	vld.idx.msk [tilespmem:v15+s2+$0x0], $0xffff;
	[tilespmem:s3+$0xFFFFFFE0] =	vst v14  }
0x2ee: {  	v11 =	vnsel vm7, $0x10000, v24;
	v14 =	vnsel vm4, $0x10000, v23;
	v13 =	vnsel vm5, $0x10000, v22;
	[tilespmem:s3+$0xFFFFFFF0] =	vst v21;
	v21 =	vld.idx.msk [tilespmem:v8+s2+$0x0], $0xffff  }
0x2ef: {  	v10 =	vnsel vm9, $0x10000, v26;
	v12 =	vnsel vm8, $0x10000, v25;
	v9 =	vnsel vm10, $0x10000, v20;
	[tilespmem:s3+$0x0] =	vst v29;
	v22 =	vld.idx.msk [tilespmem:v7+s2+$0x0], $0xffff  }
0x2f0: {  	v8 =	vnsel vm6, $0x10000, v28;
	v7 =	vnsel vm11, $0x10000, v27;
	[tilespmem:s3+$0x10] =	vst v32;
	v15 =	vld.idx.msk [tilespmem:v6+s2+$0x0], $0xffff;
	v6 =	vnsel vm12, $0x10000, v30  }
.Ltmp5:
0x2f1: {  	v16 =	vld.idx.msk [tilespmem:v16+s2+$0x0], $0xffff;
	[tilespmem:s3+$0x20] =	vst v31;
	(pc) =	sbr.rel @p0 .LBB2_14-.Ltmp5, $4  }
0x2f2: {  	v17 =	vld.idx.msk [tilespmem:v17+s2+$0x0], $0xffff;
	[tilespmem:s3+$0x30] =	vst v34  }
0x2f3: {  	[tilespmem:s14+$0xFFFFFF90] =	vst v35;
	v18 =	vld.idx.msk [tilespmem:v33+s2+$0x0], $0xffff  }
0x2f4: {  	v19 =	vld.idx.msk [tilespmem:v36+s2+$0x0], $0xffff;
	[tilespmem:s3+$0x40] =	vst v21  }
0x2f5: {  	s16 =	sadd.s32 $0x100, s16;
	v20 =	vld.idx.msk [tilespmem:v37+s2+$0x0], $0xffff;
	[tilespmem:s3+$0x50] =	vst v22  }
0x2f6: {  	_ =	sdelay $0x2  }
0x2f7: {  	[tilespmem:s3+$0x60] =	vst v15  }
0x2f8: {  	[tilespmem:s14+$0xFFFFFFA0] =	vst v16;
	v14 =	vld.idx.msk [tilespmem:v14+s2+$0x0], $0xffff  }
0x2f9: {  	v13 =	vld.idx.msk [tilespmem:v13+s2+$0x0], $0xffff;
	[tilespmem:s14+$0xFFFFFF80] =	vst v17  }
0x2fa: {  	v11 =	vld.idx.msk [tilespmem:v11+s2+$0x0], $0xffff;
	[tilespmem:s14+$0xFFFFFFB0] =	vst v18  }
0x2fb: {  	v12 =	vld.idx.msk [tilespmem:v12+s2+$0x0], $0xffff;
	[tilespmem:s14+$0xFFFFFFC0] =	vst v19  }
0x2fc: {  	v10 =	vld.idx.msk [tilespmem:v10+s2+$0x0], $0xffff;
	[tilespmem:s14+$0xFFFFFFD0] =	vst v20  }
0x2fd: {  	v9 =	vld.idx.msk [tilespmem:v9+s2+$0x0], $0xffff;
	[tilespmem:s14+$0xFFFFFFE0] =	vst v14  }
0x2fe: {  	v8 =	vld.idx.msk [tilespmem:v8+s2+$0x0], $0xffff;
	[tilespmem:s14+$0xFFFFFFF0] =	vst v13  }
0x2ff: {  	v7 =	vld.idx.msk [tilespmem:v7+s2+$0x0], $0xffff;
	[tilespmem:s14+$0x0] =	vst v11  }
0x300: {  	v6 =	vld.idx.msk [tilespmem:v6+s2+$0x0], $0xffff;
	[tilespmem:s14+$0x10] =	vst v12  }
0x301: {  	[tilespmem:s14+$0x20] =	vst v10  }
0x302: {  	[tilespmem:s14+$0x30] =	vst v9  }
0x303: {  	[tilespmem:s14+$0x40] =	vst v8  }
0x304: {  	[tilespmem:s14+$0x50] =	vst v7  }
0x305: {  	[tilespmem:s14+$0x60] =	vst v6  }
0x306: {  	s0 =	rddreg [dreg:$0x1d]  }
0x307: {  	s14 =	rddreg [dreg:$0x1e]  }
0x308: {  	[spmem:s0] =	stream.linear.scatter [tilespmem:s20], [sflag:$0x7], $0x400, $0x38;
	[tilespmem:$0x1F880] =	vst v63  }
0x309: {  	s15 =	rddreg [dreg:$0x1f]  }
0x30a: {  	[spmem:s14] =	stream.linear.scatter [tilespmem:s30], [sflag:$0x7], $0x400, $0x38;
	[tilespmem:$0x1F880] =	vst v63  }
0x30b: {  	s16 =	sld [smem:$0x7F8]  }
0x30c: {  	[spmem:s15] =	stream.linear.scatter [tilespmem:s31], [sflag:$0x7], $0x400, $0x38;
	[tilespmem:$0x1F880] =	vst v63  }
0x30d: {  	s17 =	simm.s32 $0x6800;
	s19 =	sld [smem:$0x7F9]  }
0x30e: {  	[spmem:s16] =	stream.linear.scatter [tilespmem:s17], [sflag:$0x7], $0x400, $0x38;
	[tilespmem:$0x1F880] =	vst v63  }
0x30f: {  	s23 =	simm.s32 $0x6C00;
	s25 =	sld [smem:$0x7FA]  }
0x310: {  	[spmem:s19] =	stream.linear.scatter [tilespmem:s23], [sflag:$0x7], $0x400, $0x38;
	[tilespmem:$0x1F880] =	vst v63  }
0x311: {  	s26 =	simm.s32 $0x7000;
	s28 =	sld [smem:$0x7FB]  }
0x312: {  	[spmem:s25] =	stream.linear.scatter [tilespmem:s26], [sflag:$0x7], $0x400, $0x38;
	[tilespmem:$0x1F880] =	vst v63  }
0x313: {  	s29 =	simm.s32 $0x7400;
	s3 =	sld [smem:$0x7FC]  }
0x314: {  	[spmem:s28] =	stream.linear.scatter [tilespmem:s29], [sflag:$0x7], $0x400, $0x38;
	[tilespmem:$0x1F880] =	vst v63  }
0x315: {  	s14 =	simm.s32 $0x7800  }
0x316: {  	[spmem:s3] =	stream.linear.scatter [tilespmem:s14], [sflag:$0x7], $0x400, $0x38;
	[tilespmem:$0x1F880] =	vst v63  }
0x317: {  	_ =	swait.ge [sflag:s5], $0x400  }
0x318: {  	[sflag:s5] =	ssyncset.done $0x0  }
0x319: {  	[sflag:s5] =	ssyncadd.s32 $0xFFFFFC00  }
0x31a: {  	_ =	swait.ge [sflag:s5], $0x400  }
0x31b: {  	[sflag:s5] =	ssyncset.done $0x0  }
0x31c: {  	[sflag:s5] =	ssyncadd.s32 $0xFFFFFC00  }
0x31d: {  	_ =	swait.ge [sflag:s5], $0x400  }
0x31e: {  	[sflag:s5] =	ssyncset.done $0x0  }
0x31f: {  	[sflag:s5] =	ssyncadd.s32 $0xFFFFFC00  }
0x320: {  	_ =	swait.ge [sflag:s5], $0x400  }
0x321: {  	[sflag:s5] =	ssyncset.done $0x0  }
0x322: {  	[sflag:s5] =	ssyncadd.s32 $0xFFFFFC00  }
0x323: {  	_ =	swait.ge [sflag:s5], $0x400  }
0x324: {  	[sflag:s5] =	ssyncset.done $0x0  }
0x325: {  	[sflag:s5] =	ssyncadd.s32 $0xFFFFFC00  }
0x326: {  	_ =	swait.ge [sflag:s5], $0x400  }
0x327: {  	[sflag:s5] =	ssyncset.done $0x0  }
0x328: {  	[sflag:s5] =	ssyncadd.s32 $0xFFFFFC00  }
0x329: {  	_ =	swait.ge [sflag:s5], $0x400  }
0x32a: {  	[sflag:s5] =	ssyncset.done $0x0  }
0x32b: {  	[sflag:s5] =	ssyncadd.s32 $0xFFFFFC00  }
0x32c: {  	_ =	swait.ge [sflag:s5], $0x400  }
0x32d: {  	[sflag:s5] =	ssyncset.done $0x0  }
0x32e: {  	[sflag:s5] =	ssyncadd.s32 $0xFFFFFC00  }
0x32f: {  	[bflag:$0x0] =	sbarrier.arrive $0xFFFF  }
0x330: {  	s15 =	rddreg [dreg:$0x15]  }
0x331: {  	[tilespmem:s9], [sflag:$0x8] =	stream.linear.gather [spmem:s15], $0x2000, $0x38;
	[tilespmem:$0x1F880] =	vst v63  }
0x332: {  	_ =	swait.ge [sflag:s7], $0x2000  }
0x333: {  	[sflag:s7] =	ssyncset.done $0x0  }
0x334: {  	s17 =	simm.s32 $0x60;
	[sflag:s7] =	ssyncadd.s32 $0xFFFFE000  }
0x335: {  	s16 =	simm.s32 $0x10;
	v11 =	vmov s17;
	v9 =	vld [tilespmem:s1+$0xFFFFFFC0]  }
0x336: {  	v6 =	vor.u32 $0x10, v2;
	v10 =	vmov s16;
	v11 =	vand.u32 $0x380, v11;
	v14 =	vld [tilespmem:s1+$0xFFFFFFF0]  }
0x337: {  	v7 =	vor.u32 $0x30, v2;
	s23 =	simm.s32 $0x40;
	v10 =	vand.u32 $0x380, v10;
	v20 =	vbroadcast v11, $0x0;
	v11 =	vld [tilespmem:s1+$0x10]  }
0x338: {  	v8 =	vor.u32 $0x50, v2;
	v15 =	vmov s23;
	v19 =	vbroadcast v10, $0x0;
	s25 =	simm.s32 $0x30;
	s26 =	simm.s32 $0x50;
	v17 =	vld [tilespmem:s1+$0xFFFFFFD0]  }
0x339: {  	v15 =	vand.u32 $0x380, v15;
	v13 =	vmov s25;
	v16 =	vmov s26  }
0x33a: {  	s19 =	simm.s32 $0x20;
	v15 =	vbroadcast v15, $0x0;
	v13 =	vand.u32 $0x380, v13;
	v16 =	vand.u32 $0x380, v16  }
0x33b: {  	v12 =	vmov s19;
	v13 =	vbroadcast v13, $0x0;
	v28 =	vbroadcast v16, $0x0  }
0x33c: {  	v18 =	vshra.s32 v9, $0x10;
	v9 =	vand.u32 $0x380, v12;
	v26 =	vshra.s32 v14, $0x10  }
0x33d: {  	v21 =	vld [tilespmem:s1+$0x0];
	v12 =	vshra.s32 v11, $0x10;
	v29 =	vshra.s32 v17, $0x10;
	v11 =	vor.u32 $0x20, v2  }
0x33e: {  	v22 =	vld [tilespmem:s1+$0xFFFFFFE0];
	v10 =	vmin.u32 v18, $0x8;
	v23 =	vbroadcast v9, $0x0;
	v9 =	vor.u32 $0x40, v2  }
0x33f: {  	v27 =	vmin.u32 v26, $0x8;
	vm0 =	vlt.u32 v18, $0x8;
	v17 =	vmin.u32 v29, $0x8  }
0x340: {  	s28 =	simm.s32 $0x0;
	v25 =	vld [tilespmem:s1+$0x20];
	vm2 =	vlt.u32 v26, $0x8;
	vm1 =	vlt.u32 v29, $0x8;
	v10 =	vshll.u32 v10, $0xA  }
0x341: {  	v14 =	vld [tilespmem:s1+$0x30];
	v16 =	vshll.u32 v27, $0xA;
	v17 =	vshll.u32 v17, $0xA;
	v24 =	vadd.s32 s28, v10  }
0x342: {  	v10 =	vor.u32 $0x60, v2;
	v13 =	vor.u32 v13, v16;
	v16 =	vshra.s32 v21, $0x10  }
0x343: {  	v21 =	vshra.s32 v22, $0x10;
	v19 =	vor.u32 v19, v17;
	v18 =	vmin.u32 v16, $0x8  }
0x344: {  	v22 =	vor.u32 v7, v13;
	v59 =	vmin.u32 v21, $0x8;
	v18 =	vshll.u32 v18, $0xA  }
0x345: {  	v13 =	vshra.s32 v25, $0x10;
	v25 =	vshll.u32 v59, $0xA;
	v15 =	vor.u32 v15, v18  }
0x346: {  	v14 =	vshra.s32 v14, $0x10;
	v17 =	vor.u32 v23, v25;
	v23 =	vor.u32 v9, v15  }
0x347: {  	v17 =	vor.u32 v11, v17;
	v15 =	vor.u32 v6, v19;
	v19 =	vmin.u32 v12, $0x8  }
0x348: {  	v61 =	vmin.u32 v13, $0x8;
	v60 =	vmin.u32 v14, $0x8;
	v19 =	vshll.u32 v19, $0xA  }
0x349: {  	s29 =	simm.s32 $0x70;
	v18 =	vor.u32 v2, v24;
	v25 =	vshll.u32 v60, $0xA;
	v62 =	vor.u32 v28, v19;
	v19 =	vld.idx.msk [tilespmem:v22+s9+$0x0], $0xffff  }
0x34a: {  	s16 =	simm.s32 $0xA0C0;
	s19 =	sadd.s32 $0x80, s1;
	vm3 =	vlt.u32 v21, $0x8;
	v24 =	vshll.u32 v61, $0xA;
	v63 =	vadd.s32 s29, v25  }
0x34b: {  	s3 =	simm.s32 $0xA040;
	s14 =	simm.s32 $0x0;
	s15 =	simm.s32 $0xF0;
	v20 =	vor.u32 v20, v24;
	v21 =	vadd.s32 v2, v63;
	v22 =	vor.u32 v8, v62;
	v23 =	vld.idx.msk [tilespmem:v23+s9+$0x0], $0xffff  }
.LBB2_16:
0x34c: {  	s0 =	sadd.s32 $0xFFFFFFA0, s15;
	s17 =	sadd.s32 $0xFFFFFFB0, s15;
	s23 =	sadd.s32 $0xFFFFFFF0, s15;
	v17 =	vld.idx.msk [tilespmem:v17+s9+$0x0], $0xffff;
	vm4 =	vlt.u32 v16, $0x8  }
0x34d: {  	s14 =	sadd.s32 $0x8, s14;
	v16 =	vld [tilespmem:s19+$0xFFFFFFC0];
	v24 =	vmov s0;
	s0 =	sadd.s32 $0xFFFFFFD0, s15;
	v25 =	vmov s23  }
0x34e: {  	v19 =	vnsel vm2, $0x0, v19;
	s23 =	sadd.s32 $0xFFFFFFC0, s15;
	p0 =	slt.u32 s14, $0x38;
	v24 =	vand.u32 $0x380, v24;
	v25 =	vand.u32 $0x380, v25;
	v18 =	vld.idx.msk [tilespmem:v18+s9+$0x0], $0xffff  }
0x34f: {  	v26 =	vmov s17;
	v27 =	vmov s23;
	v29 =	vmov s0;
	s0 =	sadd.s32 $0xFFFFFFE0, s15;
	v28 =	vld [tilespmem:s19+$0xFFFFFFF0]  }
0x350: {  	v27 =	vand.u32 $0x380, v27;
	v30 =	vmov s0;
	v25 =	vbroadcast v25, $0x0;
	[tilespmem:s3+$0xFFFFFFF0] =	vst v19;
	v19 =	vld.idx.msk [tilespmem:v22+s9+$0x0], $0xffff  }
0x351: {  	v29 =	vand.u32 $0x380, v29;
	v30 =	vand.u32 $0x380, v30;
	v23 =	vnsel vm4, $0x0, v23;
	v22 =	vld [tilespmem:s19+$0xFFFFFFD0]  }
0x352: {  	v20 =	vor.u32 v10, v20;
	v24 =	vbroadcast v24, $0x0;
	v17 =	vnsel vm3, $0x0, v17;
	[tilespmem:s3+$0x0] =	vst v23;
	v21 =	vld.idx.msk [tilespmem:v21+s9+$0x0], $0xffff  }
0x353: {  	v16 =	vshra.s32 v16, $0x10;
	v23 =	vand.u32 $0x380, v26;
	v26 =	vld [tilespmem:s19+$0x10];
	[tilespmem:s3+$0xFFFFFFE0] =	vst v17  }
0x354: {  	v29 =	vbroadcast v29, $0x0;
	v17 =	vmin.u32 v16, $0x8;
	v18 =	vnsel vm0, $0x0, v18;
	v31 =	vld [tilespmem:s19+$0x0]  }
0x355: {  	s0 =	sadd.s32 $0xFFFFFF90, s15;
	v23 =	vbroadcast v23, $0x0;
	vm0 =	vlt.u32 v12, $0x8;
	v17 =	vshll.u32 v17, $0xA;
	v32 =	vld [tilespmem:s19+$0xFFFFFFE0];
	[tilespmem:s3+$0xFFFFFFC0] =	vst v18  }
0x356: {  	v18 =	vadd.s32 s0, v17;
	v12 =	vnsel vm0, $0x0, v19;
	v33 =	vld.idx.msk [tilespmem:v15+s9+$0x0], $0xffff  }
0x357: {  	vm3 =	vlt.u32 v13, $0x8;
	vm0 =	vlt.u32 v14, $0x8;
	v15 =	vbroadcast v27, $0x0;
	v17 =	vld [tilespmem:s19+$0x20];
	[tilespmem:s3+$0x10] =	vst v12  }
0x358: {  	v19 =	vshra.s32 v28, $0x10;
	v12 =	vshra.s32 v26, $0x10;
	v14 =	vld [tilespmem:s19+$0x30]  }
0x359: {  	v13 =	vmin.u32 v19, $0x8;
	v21 =	vnsel vm0, $0x0, v21;
	v26 =	vbroadcast v30, $0x0  }
0x35a: {  	v27 =	vshra.s32 v22, $0x10;
	v13 =	vshll.u32 v13, $0xA;
	v20 =	vld.idx.msk [tilespmem:v20+s9+$0x0], $0xffff;
	[tilespmem:s3+$0x30] =	vst v21  }
0x35b: {  	vm0 =	vlt.u32 v16, $0x8;
	v13 =	vor.u32 v15, v13;
	v16 =	vshra.s32 v31, $0x10  }
0x35c: {  	v22 =	vor.u32 v7, v13;
	v21 =	vshra.s32 v32, $0x10;
	v13 =	vshra.s32 v17, $0x10  }
0x35d: {  	v15 =	vmin.u32 v27, $0x8;
	v17 =	vmin.u32 v16, $0x8;
	v14 =	vshra.s32 v14, $0x10  }
0x35e: {  	v15 =	vshll.u32 v15, $0xA;
	v28 =	vmin.u32 v21, $0x8;
	v17 =	vshll.u32 v17, $0xA  }
0x35f: {  	v15 =	vor.u32 v24, v15;
	v24 =	vshll.u32 v28, $0xA;
	v28 =	vor.u32 v29, v17  }
0x360: {  	vm2 =	vlt.u32 v19, $0x8;
	v17 =	vor.u32 v23, v24;
	v19 =	vnsel vm3, $0x0, v20  }
0x361: {  	v17 =	vor.u32 v11, v17;
	v23 =	vor.u32 v9, v28;
	v20 =	vmin.u32 v14, $0x8;
	[tilespmem:s3+$0x20] =	vst v19  }
.Ltmp6:
0x362: {  	v15 =	vor.u32 v6, v15;
	v24 =	vnsel vm1, $0x0, v33;
	v19 =	vld.idx.msk [tilespmem:v22+s9+$0x0], $0xffff;
	v22 =	vmin.u32 v12, $0x8;
	(pc) =	sbr.rel @p0 .LBB2_16-.Ltmp6, $4  }
0x363: {  	v18 =	vor.u32 v2, v18;
	v28 =	vmin.u32 v13, $0x8;
	v22 =	vshll.u32 v22, $0xA;
	[tilespmem:s3+$0xFFFFFFD0] =	vst v24;
	s3 =	smov.u32 s16  }
0x364: {  	v24 =	vshll.u32 v28, $0xA;
	v22 =	vor.u32 v26, v22;
	v26 =	vshll.u32 v20, $0xA  }
0x365: {  	v20 =	vor.u32 v25, v24;
	v22 =	vor.u32 v8, v22;
	v24 =	vadd.s32 s15, v26  }
0x366: {  	s19 =	sadd.s32 $0x80, s19;
	vm1 =	vlt.u32 v27, $0x8;
	vm3 =	vlt.u32 v21, $0x8;
	s16 =	sadd.s32 $0x80, s16;
	s15 =	sadd.s32 $0x80, s15;
	v23 =	vld.idx.msk [tilespmem:v23+s9+$0x0], $0xffff;
	v21 =	vadd.s32 v2, v24  }
0x367: {  	_ =	sdelay $0x2  }
0x368: {  	v20 =	vor.u32 v10, v20  }
0x369: {  	v17 =	vld.idx.msk [tilespmem:v17+s9+$0x0], $0xffff  }
0x36a: {  	v18 =	vld.idx.msk [tilespmem:v18+s9+$0x0], $0xffff  }
0x36b: {  	v22 =	vld.idx.msk [tilespmem:v22+s9+$0x0], $0xffff  }
0x36c: {  	vm4 =	vlt.u32 v16, $0x8;
	v16 =	vnsel vm2, $0x0, v19;
	v19 =	vld.idx.msk [tilespmem:v21+s9+$0x0], $0xffff  }
0x36d: {  	[tilespmem:s3+$0xFFFFFFF0] =	vst v16;
	v16 =	vnsel vm4, $0x0, v23;
	v20 =	vld.idx.msk [tilespmem:v20+s9+$0x0], $0xffff  }
0x36e: {  	v15 =	vld.idx.msk [tilespmem:v15+s9+$0x0], $0xffff;
	v17 =	vnsel vm3, $0x0, v17;
	[tilespmem:s3+$0x0] =	vst v16  }
0x36f: {  	v16 =	vnsel vm0, $0x0, v18;
	vm0 =	vlt.u32 v12, $0x8;
	[tilespmem:s3+$0xFFFFFFE0] =	vst v17  }
0x370: {  	[tilespmem:s3+$0xFFFFFFC0] =	vst v16;
	v12 =	vnsel vm0, $0x0, v22;
	vm0 =	vlt.u32 v14, $0x8  }
0x371: {  	vm2 =	vlt.u32 v13, $0x8;
	[tilespmem:s3+$0x10] =	vst v12;
	v12 =	vnsel vm0, $0x0, v19  }
0x372: {  	[tilespmem:s3+$0x30] =	vst v12;
	v12 =	vnsel vm2, $0x0, v20  }
0x373: {  	[tilespmem:s3+$0x20] =	vst v12;
	v12 =	vnsel vm1, $0x0, v15  }
0x374: {  	[tilespmem:s3+$0xFFFFFFD0] =	vst v12  }
0x375: {  	s0 =	sld [smem:$0x7FD];
	_ =	sdelay $0x2  }
0x376: {  	[tilespmem:s9], [sflag:$0x8] =	stream.linear.gather [spmem:s0], $0x2000, $0x38;
	[tilespmem:$0x1F880] =	vst v63  }
0x377: {  	_ =	swait.ge [sflag:s7], $0x2000  }
0x378: {  	[sflag:s7] =	ssyncset.done $0x0  }
0x379: {  	[sflag:s7] =	ssyncadd.s32 $0xFFFFE000  }
0x37a: {  	v12 =	vld [tilespmem:s1+$0x30]  }
0x37b: {  	v13 =	vld [tilespmem:s1+$0xFFFFFFD0]  }
0x37c: {  	v16 =	vld [tilespmem:s1+$0xFFFFFFC0]  }
0x37d: {  	s23 =	simm.s32 $0xA0;
	s26 =	simm.s32 $0xC0;
	v19 =	vld [tilespmem:s1+$0xFFFFFFF0]  }
0x37e: {  	s28 =	simm.s32 $0x30;
	s14 =	simm.s32 $0x50;
	s15 =	simm.s32 $0x20;
	v62 =	vmov s23;
	v44 =	vmov s26;
	v20 =	vld [tilespmem:s1+$0xFFFFFFE0]  }
0x37f: {  	v18 =	vmov s14;
	s14 =	simm.s32 $0x10;
	v14 =	vmov s28;
	v17 =	vmov s15;
	v22 =	vld [tilespmem:s1+$0x20]  }
0x380: {  	s29 =	simm.s32 $0x60;
	v18 =	vand.u32 $0x380, v18;
	v25 =	vmov s14;
	v14 =	vand.u32 $0x380, v14;
	v24 =	vld [tilespmem:s1+$0x10]  }
0x381: {  	s25 =	sadd.s32 $0x80, s1;
	s28 =	simm.s32 $0x90;
	v18 =	vbroadcast v18, $0x0;
	v17 =	vand.u32 $0x380, v17;
	v25 =	vand.u32 $0x380, v25;
	s3 =	simm.s32 $0x40;
	v28 =	vld [tilespmem:s1+$0x0]  }
0x382: {  	v46 =	vmov s28;
	v15 =	vmov s29;
	v21 =	vmov s3;
	v59 =	vld [tilespmem:s25+$0xFFFFFFD0]  }
0x383: {  	v14 =	vbroadcast v14, $0x0;
	v15 =	vand.u32 $0x380, v15;
	v21 =	vand.u32 $0x380, v21;
	v61 =	vld [tilespmem:s25+$0xFFFFFFC0]  }
0x384: {  	v15 =	vbroadcast v15, $0x0;
	v21 =	vbroadcast v21, $0x0;
	v34 =	vld [tilespmem:s25+$0x20];
	v23 =	vshra.s32 v12, $0x6  }
0x385: {  	v36 =	vld [tilespmem:s25+$0x10];
	v26 =	vand.u32 $0xFFF80000, v13;
	v27 =	vshra.s32 v16, $0x6;
	v16 =	vand.u32 $0xFFF80000, v16  }
0x386: {  	v47 =	vld [tilespmem:s25+$0x0];
	v12 =	vand.u32 $0xFFF80000, v12;
	v13 =	vshra.s32 v13, $0x6;
	v56 =	vand.u32 $0xFFF80000, v22  }
0x387: {  	v22 =	vshra.s32 v22, $0x6;
	v29 =	vshra.s32 v20, $0x6;
	v30 =	vand.u32 $0xFFF80000, v19  }
0x388: {  	v31 =	vshra.s32 v24, $0x6;
	v32 =	vand.u32 $0xFFF80000, v28;
	v24 =	vand.u32 $0xFFF80000, v24  }
0x389: {  	v20 =	vand.u32 $0xFFF80000, v20;
	v28 =	vshra.s32 v28, $0x6;
	v19 =	vshra.s32 v19, $0x6  }
0x38a: {  	v33 =	vand.u32 $0xFFF80000, v59;
	v35 =	vand.u32 $0xFFF80000, v61;
	v48 =	vand.u32 $0xFFF80000, v34  }
0x38b: {  	v34 =	vshra.s32 v34, $0x6;
	v39 =	vshra.s32 v36, $0x6;
	v40 =	vand.u32 $0xFFF80000, v47  }
0x38c: {  	v36 =	vand.u32 $0xFFF80000, v36;
	v27 =	vand.u32 $0xFFFFFC00, v27;
	vm5 =	veq.s32 v26, $0x80000  }
0x38d: {  	v31 =	vand.u32 $0xFFFFFC00, v31;
	v13 =	vand.u32 $0xFFFFFC00, v13;
	vm0 =	veq.s32 v24, $0x80000  }
0x38e: {  	v57 =	vand.u32 $0xFFFFFC00, v29;
	vm1 =	veq.s32 v20, $0x80000;
	v22 =	vand.u32 $0xFFFFFC00, v22  }
0x38f: {  	vm8 =	veq.s32 v30, $0x80000;
	v28 =	vand.u32 $0xFFFFFC00, v28;
	vm6 =	veq.s32 v16, $0x80000  }
0x390: {  	v16 =	vbroadcast v17, $0x0;
	v17 =	vbroadcast v25, $0x0;
	vm4 =	veq.s32 v32, $0x80000  }
0x391: {  	vm2 =	veq.s32 v56, $0x80000;
	v19 =	vand.u32 $0xFFFFFC00, v19;
	vm3 =	veq.s32 v12, $0x80000  }
0x392: {  	v30 =	vand.u32 $0x380, v44;
	v26 =	vshra.s32 v61, $0x6;
	v32 =	vand.u32 $0x380, v46  }
0x393: {  	v39 =	vand.u32 $0xFFFFFC00, v39;
	v50 =	vand.u32 $0xFFFFFC00, v34;
	v55 =	vadd.s32 $0xFFFFE000, v27  }
0x394: {  	v13 =	vadd.s32 $0xFFFFE000, v13;
	v58 =	vadd.s32 $0xFFFFE000, v31;
	v24 =	vadd.s32 $0xFFFFE000, v57  }
0x395: {  	v19 =	vadd.s32 $0xFFFFE000, v19;
	vm7 =	vmmov vm5;
	v27 =	vand.u32 $0x380, v62  }
0x396: {  	v26 =	vand.u32 $0xFFFFFC00, v26;
	v30 =	vbroadcast v30, $0x0;
	v39 =	vadd.s32 $0xFFFFE000, v39  }
0x397: {  	v20 =	vnsel vm0, $0x2000, v58;
	v24 =	vnsel vm1, $0x2000, v24;
	v13 =	vnsel vm5, $0x2000, v13  }
0x398: {  	v19 =	vnsel vm8, $0x2000, v19;
	v18 =	vor.u32 v20, v18;
	v20 =	vadd.s32 $0xFFFFE000, v28  }
0x399: {  	v16 =	vor.u32 v24, v16;
	v14 =	vor.u32 v19, v14;
	v13 =	vor.u32 v13, v17  }
0x39a: {  	v20 =	vnsel vm4, $0x2000, v20;
	v16 =	vor.u32 v11, v16;
	v17 =	vor.u32 v8, v18  }
0x39b: {  	v13 =	vor.u32 v6, v13;
	v20 =	vor.u32 v20, v21;
	v21 =	vadd.s32 $0xFFFFE000, v22  }
0x39c: {  	v14 =	vor.u32 v7, v14;
	v22 =	vand.u32 $0xFFFFFC00, v23;
	v21 =	vnsel vm2, $0x2000, v21  }
0x39d: {  	s15 =	simm.s32 $0xB0;
	v20 =	vor.u32 v9, v20;
	v12 =	vadd.s32 $0xFFFFE000, v22;
	v22 =	vnsel vm6, $0x2000, v55  }
0x39e: {  	s19 =	simm.s32 $0x70;
	s16 =	simm.s32 $0xD0;
	v19 =	vld [tilespmem:s25+$0x30];
	v12 =	vnsel vm3, $0x2000, v12;
	v15 =	vor.u32 v21, v15;
	v21 =	vmov s15  }
0x39f: {  	s29 =	simm.s32 $0x0;
	v60 =	vor.u32 s19, v12;
	v12 =	vand.u32 $0x380, v21;
	v21 =	vmov s16;
	v16 =	vld.idx.msk [tilespmem:v16+s9+$0x0], $0xffff  }
0x3a0: {  	v22 =	vor.u32 s29, v22;
	v28 =	vbroadcast v12, $0x0;
	v12 =	vand.u32 $0x380, v21;
	v21 =	vld [tilespmem:s25+$0xFFFFFFF0]  }
0x3a1: {  	vm5 =	vmmov vm8;
	v24 =	vshra.s32 v59, $0x6;
	v22 =	vor.u32 v2, v22;
	v17 =	vld.idx.msk [tilespmem:v17+s9+$0x0], $0xffff  }
0x3a2: {  	s17 =	simm.s32 $0xE0;
	vm8 =	vmmov vm6;
	v27 =	vbroadcast v27, $0x0;
	v24 =	vand.u32 $0xFFFFFC00, v24;
	v13 =	vld.idx.msk [tilespmem:v13+s9+$0x0], $0xffff  }
0x3a3: {  	v23 =	vmov s17;
	v24 =	vadd.s32 $0xFFFFE000, v24;
	v15 =	vor.u32 v10, v15;
	v42 =	vld.idx.msk [tilespmem:v14+s9+$0x0], $0xffff  }
0x3a4: {  	v45 =	vshra.s32 v19, $0x6;
	v63 =	vbroadcast v12, $0x0;
	v12 =	vand.u32 $0x380, v23;
	v23 =	vld [tilespmem:s25+$0xFFFFFFE0]  }
0x3a5: {  	v19 =	vand.u32 $0xFFF80000, v19;
	v25 =	vor.u32 v2, v60;
	v14 =	vshra.s32 v47, $0x6;
	v20 =	vld.idx.msk [tilespmem:v20+s9+$0x0], $0xffff  }
0x3a6: {  	s3 =	simm.s32 $0xA040;
	v62 =	vand.u32 $0xFFFFFC00, v45;
	v12 =	vbroadcast v12, $0x0;
	v53 =	vld.idx.msk [tilespmem:v22+s9+$0x0], $0xffff;
	v22 =	vand.u32 $0xFFFFFC00, v14  }
0x3a7: {  	v18 =	vld [tilespmem:s3+$0xFFFFFFE0];
	v16 =	vnsel vm1, $0x0, v16;
	vm1 =	veq.s32 v33, $0x80000;
	v17 =	vnsel vm0, $0x0, v17  }
0x3a8: {  	v49 =	vld [tilespmem:s3+$0x0];
	v38 =	vand.u32 $0xFFF80000, v21;
	vm0 =	veq.s32 v36, $0x80000;
	v13 =	vnsel vm7, $0x0, v13  }
0x3a9: {  	v15 =	vld.idx.msk [tilespmem:v15+s9+$0x0], $0xffff;
	vm7 =	veq.s32 v35, $0x80000;
	v22 =	vadd.s32 $0xFFFFE000, v22;
	v55 =	vshra.s32 v21, $0x6  }
0x3aa: {  	v25 =	vld.idx.msk [tilespmem:v25+s9+$0x0], $0xffff;
	v61 =	vnsel vm5, $0x0, v42;
	v37 =	vshra.s32 v23, $0x6;
	v23 =	vand.u32 $0xFFF80000, v23  }
0x3ab: {  	vm5 =	veq.s32 v19, $0x80000;
	v20 =	vnsel vm4, $0x0, v20;
	vm4 =	veq.s32 v23, $0x80000;
	v23 =	vld [tilespmem:s3+$0xFFFFFFD0]  }
0x3ac: {  	v52 =	vld [tilespmem:s3+$0x30];
	v16 =	vadd.f32 v16, v18;
	v18 =	vadd.s32 $0xFFFFE000, v26;
	v37 =	vand.u32 $0xFFFFFC00, v37  }
0x3ad: {  	vm6 =	veq.s32 v38, $0x80000;
	v19 =	vnsel vm7, $0x2000, v18;
	v37 =	vadd.s32 $0xFFFFE000, v37  }
0x3ae: {  	v54 =	vld [tilespmem:s3+$0x20];
	v20 =	vadd.f32 v20, v49;
	[tilespmem:s3+$0xFFFFFFE0] =	vst v16;
	v16 =	vadd.s32 $0xFFFFE000, v50;
	v41 =	vnsel vm2, $0x0, v15  }
0x3af: {  	v56 =	vld [tilespmem:s3+$0xFFFFFFC0];
	v15 =	vnsel vm0, $0x2000, v39;
	v51 =	vnsel vm4, $0x2000, v37;
	vm2 =	veq.s32 v40, $0x80000  }
0x3b0: {  	v21 =	vnsel vm2, $0x2000, v22;
	v22 =	vnsel vm3, $0x0, v25;
	v13 =	vadd.f32 v13, v23;
	v23 =	vld [tilespmem:s3+$0xFFFFFFF0]  }
0x3b1: {  	v14 =	vor.u32 v15, v63;
	v57 =	vor.u32 v51, v27;
	v60 =	vadd.f32 v22, v52  }
0x3b2: {  	v59 =	vld [tilespmem:s3+$0x10];
	v15 =	vbroadcast v32, $0x0;
	vm3 =	veq.s32 v48, $0x80000;
	[tilespmem:s3+$0x0] =	vst v20;
	v25 =	vor.u32 v11, v57  }
0x3b3: {  	v20 =	vnsel vm8, $0x0, v53;
	v22 =	vnsel vm3, $0x2000, v16;
	v16 =	vadd.f32 v41, v54;
	[tilespmem:s3+$0x30] =	vst v60  }
0x3b4: {  	v58 =	vor.u32 v21, v30;
	v20 =	vadd.f32 v20, v56;
	[tilespmem:s3+$0xFFFFFFD0] =	vst v13;
	v13 =	vand.u32 $0xFFFFFC00, v55  }
0x3b5: {  	s14 =	simm.s32 $0xA0C0;
	v21 =	vnsel vm1, $0x2000, v24;
	[tilespmem:s3+$0x20] =	vst v16;
	v13 =	vadd.s32 $0xFFFFE000, v13;
	v24 =	vadd.f32 v61, v23  }
0x3b6: {  	s23 =	simm.s32 $0xA140;
	s15 =	simm.s32 $0xF0;
	v18 =	vld [tilespmem:s14+$0xFFFFFFE0];
	v63 =	vadd.s32 $0xFFFFE000, v62;
	v16 =	vor.u32 v9, v58;
	[tilespmem:s3+$0xFFFFFFC0] =	vst v20;
	v13 =	vnsel vm6, $0x2000, v13  }
0x3b7: {  	s16 =	simm.s32 $0x8;
	s19 =	simm.s32 $0x170;
	s25 =	sadd.s32 $0x80, s25;
	v23 =	vadd.f32 v17, v59;
	v17 =	vld.idx.msk [tilespmem:v25+s9+$0x0], $0xffff;
	v20 =	vor.u32 v13, v28;
	v13 =	vnsel vm5, $0x2000, v63;
	[tilespmem:s3+$0xFFFFFFF0] =	vst v24  }
.LBB2_18:
0x3b8: {  	s0 =	sadd.s32 $0xFFFFFFC0, s19;
	s17 =	sadd.s32 $0xFFFFFFE0, s19;
	v15 =	vor.u32 v21, v15;
	v14 =	vor.u32 v8, v14;
	v12 =	vor.u32 v22, v12  }
0x3b9: {  	s26 =	sadd.s32 $0xFFFFFFF0, s19;
	v24 =	vld [tilespmem:s25+$0x30];
	[tilespmem:s3+$0x10] =	vst v23;
	vm10 =	vmmov vm1;
	vm8 =	vmmov vm6;
	vm9 =	vmmov vm7;
	s3 =	smov.u32 s14;
	s14 =	smov.u32 s23  }
0x3ba: {  	s28 =	sadd.s32 $0xFFFFFFA0, s19;
	s29 =	sadd.s32 $0xFFFFFFB0, s19;
	s16 =	sadd.s32 $0x8, s16;
	v25 =	vor.u32 s15, v13;
	v21 =	vld [tilespmem:s25+$0xFFFFFFD0];
	v22 =	vmov s0;
	v23 =	vmov s26  }
0x3bb: {  	v27 =	vmov s29;
	p0 =	slt.u32 s16, $0x38;
	v26 =	vld [tilespmem:s25+$0xFFFFFFC0];
	v13 =	vand.u32 $0x380, v22;
	v22 =	vmov s17  }
0x3bc: {  	v29 =	vor.u32 v10, v12;
	v28 =	vld [tilespmem:s25+$0xFFFFFFF0];
	v13 =	vbroadcast v13, $0x0;
	v22 =	vand.u32 $0x380, v22  }
0x3bd: {  	s0 =	sadd.s32 $0xFFFFFFD0, s19;
	v15 =	vor.u32 v6, v15;
	v12 =	vand.u32 $0x380, v23;
	v30 =	vld [tilespmem:s25+$0xFFFFFFE0];
	v22 =	vbroadcast v22, $0x0  }
0x3be: {  	v23 =	vmov s0;
	v12 =	vbroadcast v12, $0x0;
	v31 =	vshra.s32 v24, $0x6;
	v14 =	vld.idx.msk [tilespmem:v14+s9+$0x0], $0xffff  }
0x3bf: {  	v25 =	vor.u32 v2, v25;
	v27 =	vand.u32 $0x380, v27;
	v23 =	vand.u32 $0x380, v23;
	v32 =	vld [tilespmem:s25+$0x0]  }
0x3c0: {  	v33 =	vmov s28;
	v17 =	vnsel vm4, $0x0, v17;
	v34 =	vand.u32 $0xFFF80000, v21;
	v35 =	vld [tilespmem:s25+$0x20]  }
0x3c1: {  	v24 =	vand.u32 $0xFFF80000, v24;
	v36 =	vand.u32 $0xFFF80000, v26;
	v26 =	vshra.s32 v26, $0x6;
	v37 =	vld [tilespmem:s25+$0x10]  }
0x3c2: {  	s0 =	sadd.s32 $0xFFFFFF90, s15;
	s15 =	smov.u32 s19;
	v17 =	vadd.f32 v17, v18;
	vm1 =	veq.s32 v34, $0x80000;
	v26 =	vand.u32 $0xFFFFFC00, v26;
	v16 =	vld.idx.msk [tilespmem:v16+s9+$0x0], $0xffff  }
0x3c3: {  	v20 =	vor.u32 v7, v20;
	v19 =	vor.u32 s0, v19;
	v18 =	vadd.s32 $0xFFFFE000, v26;
	v26 =	vld.idx.msk [tilespmem:v29+s9+$0x0], $0xffff  }
0x3c4: {  	v19 =	vor.u32 v2, v19;
	v29 =	vnsel vm0, $0x0, v14;
	v25 =	vld.idx.msk [tilespmem:v25+s9+$0x0], $0xffff  }
0x3c5: {  	v14 =	vshra.s32 v21, $0x6;
	v21 =	vand.u32 $0xFFF80000, v35;
	v34 =	vshra.s32 v35, $0x6  }
0x3c6: {  	v38 =	vand.u32 $0xFFF80000, v28;
	v35 =	vshra.s32 v30, $0x6;
	v39 =	vshra.s32 v37, $0x6  }
0x3c7: {  	v33 =	vand.u32 $0x380, v33;
	v23 =	vbroadcast v23, $0x0;
	v39 =	vand.u32 $0xFFFFFC00, v39;
	v15 =	vld.idx.msk [tilespmem:v15+s9+$0x0], $0xffff  }
0x3c8: {  	v14 =	vand.u32 $0xFFFFFC00, v14;
	v40 =	vand.u32 $0xFFF80000, v32;
	v37 =	vand.u32 $0xFFF80000, v37;
	v20 =	vld.idx.msk [tilespmem:v20+s9+$0x0], $0xffff  }
0x3c9: {  	v41 =	vadd.s32 $0xFFFFE000, v14;
	vm0 =	veq.s32 v37, $0x80000;
	v16 =	vnsel vm2, $0x0, v16;
	v37 =	vld [tilespmem:s3+$0x0]  }
0x3ca: {  	v14 =	vand.u32 $0xFFF80000, v30;
	v30 =	vand.u32 $0xFFFFFC00, v35;
	v35 =	vadd.s32 $0xFFFFE000, v39;
	v19 =	vld.idx.msk [tilespmem:v19+s9+$0x0], $0xffff;
	[tilespmem:s3+$0xFFFFFFE0] =	vst v17  }
0x3cb: {  	v26 =	vnsel vm3, $0x0, v26;
	v17 =	vadd.s32 $0xFFFFE000, v30;
	v30 =	vshra.s32 v32, $0x6;
	v32 =	vld [tilespmem:s3+$0xFFFFFFD0]  }
0x3cc: {  	vm4 =	veq.s32 v14, $0x80000;
	v34 =	vand.u32 $0xFFFFFC00, v34;
	v14 =	vnsel vm0, $0x2000, v35  }
0x3cd: {  	vm6 =	veq.s32 v38, $0x80000;
	v17 =	vnsel vm4, $0x2000, v17;
	v35 =	vnsel vm10, $0x0, v15;
	v38 =	vld [tilespmem:s3+$0x30]  }
0x3ce: {  	v14 =	vor.u32 v14, v22;
	v30 =	vand.u32 $0xFFFFFC00, v30;
	v16 =	vadd.f32 v16, v37  }
0x3cf: {  	vm7 =	veq.s32 v36, $0x80000;
	v15 =	vbroadcast v33, $0x0;
	v22 =	vadd.s32 $0xFFFFE000, v30;
	v30 =	vld [tilespmem:s3+$0x20]  }
0x3d0: {  	v27 =	vbroadcast v27, $0x0;
	vm2 =	veq.s32 v40, $0x80000;
	v32 =	vadd.f32 v35, v32;
	v33 =	vld [tilespmem:s3+$0xFFFFFFF0];
	[tilespmem:s3+$0x0] =	vst v16  }
0x3d1: {  	v25 =	vnsel vm5, $0x0, v25;
	v22 =	vnsel vm2, $0x2000, v22;
	v16 =	vshra.s32 v28, $0x6;
	v28 =	vld [tilespmem:s3+$0xFFFFFFC0]  }
0x3d2: {  	v17 =	vor.u32 v17, v27;
	v23 =	vor.u32 v22, v23;
	[tilespmem:s3+$0xFFFFFFD0] =	vst v32;
	v27 =	vld [tilespmem:s3+$0x10];
	v25 =	vadd.f32 v25, v38  }
0x3d3: {  	vm3 =	veq.s32 v21, $0x80000;
	v17 =	vor.u32 v11, v17;
	v22 =	vadd.s32 $0xFFFFE000, v34  }
0x3d4: {  	v21 =	vnsel vm1, $0x2000, v41;
	v22 =	vnsel vm3, $0x2000, v22;
	v26 =	vadd.f32 v26, v30;
	[tilespmem:s3+$0x30] =	vst v25  }
.Ltmp7:
0x3d5: {  	v20 =	vnsel vm8, $0x0, v20;
	v19 =	vnsel vm9, $0x0, v19;
	v16 =	vand.u32 $0xFFFFFC00, v16;
	(pc) =	sbr.rel @p0 .LBB2_18-.Ltmp7, $4  }
0x3d6: {  	v25 =	vand.u32 $0xFFFFFC00, v31;
	v19 =	vadd.f32 v19, v28;
	v28 =	vadd.f32 v20, v33;
	[tilespmem:s3+$0x20] =	vst v26  }
0x3d7: {  	v20 =	vadd.s32 $0xFFFFE000, v16;
	v16 =	vor.u32 v9, v23;
	v23 =	vadd.f32 v29, v27  }
0x3d8: {  	vm5 =	veq.s32 v24, $0x80000;
	v24 =	vadd.s32 $0xFFFFE000, v25;
	v20 =	vnsel vm6, $0x2000, v20;
	v17 =	vld.idx.msk [tilespmem:v17+s9+$0x0], $0xffff;
	[tilespmem:s3+$0xFFFFFFC0] =	vst v19  }
0x3d9: {  	s23 =	sadd.s32 $0x80, s23;
	s19 =	sadd.s32 $0x80, s19;
	s25 =	sadd.s32 $0x80, s25;
	v19 =	vnsel vm7, $0x2000, v18;
	v20 =	vor.u32 v20, v13;
	v13 =	vnsel vm5, $0x2000, v24;
	v18 =	vld [tilespmem:s14+$0xFFFFFFE0];
	[tilespmem:s3+$0xFFFFFFF0] =	vst v28  }
0x3da: {  	_ =	sdelay $0x3  }
0x3db: {  	v52 =	vld.idx.msk [tilespmem:v16+s9+$0x0], $0xffff  }
0x3dc: {  	v51 =	vor.u32 v21, v15;
	v54 =	vld [tilespmem:s14+$0x0]  }
0x3dd: {  	v11 =	vor.u32 s15, v13;
	v55 =	vld [tilespmem:s14+$0xFFFFFFD0];
	v6 =	vor.u32 v6, v51  }
0x3de: {  	v9 =	vor.u32 v22, v12;
	s0 =	sadd.s32 $0xFFFFFF90, s15;
	v56 =	vld [tilespmem:s14+$0x30];
	v11 =	vor.u32 v2, v11  }
0x3df: {  	v58 =	vld [tilespmem:s14+$0x20];
	v9 =	vor.u32 v10, v9;
	v53 =	vor.u32 s0, v19  }
0x3e0: {  	v59 =	vld [tilespmem:s14+$0xFFFFFFC0];
	v12 =	vor.u32 v2, v53  }
0x3e1: {  	v7 =	vor.u32 v7, v20;
	v60 =	vld [tilespmem:s14+$0xFFFFFFF0]  }
0x3e2: {  	v8 =	vor.u32 v8, v14;
	v6 =	vld.idx.msk [tilespmem:v6+s9+$0x0], $0xffff  }
0x3e3: {  	v11 =	vld.idx.msk [tilespmem:v11+s9+$0x0], $0xffff  }
0x3e4: {  	v9 =	vld.idx.msk [tilespmem:v9+s9+$0x0], $0xffff  }
0x3e5: {  	v57 =	vnsel vm4, $0x0, v17;
	v12 =	vld.idx.msk [tilespmem:v12+s9+$0x0], $0xffff  }
0x3e6: {  	vm1 =	vmmov vm1;
	v16 =	vadd.f32 v57, v18;
	v7 =	vld.idx.msk [tilespmem:v7+s9+$0x0], $0xffff;
	v10 =	vnsel vm2, $0x0, v52  }
0x3e7: {  	[tilespmem:s3+$0x10] =	vst v23;
	v8 =	vld.idx.msk [tilespmem:v8+s9+$0x0], $0xffff;
	v10 =	vadd.f32 v10, v54;
	v6 =	vnsel vm1, $0x0, v6  }
0x3e8: {  	v61 =	vld [tilespmem:s14+$0x10];
	[tilespmem:s14+$0xFFFFFFE0] =	vst v16;
	v11 =	vnsel vm5, $0x0, v11;
	v6 =	vadd.f32 v6, v55  }
0x3e9: {  	vm14 =	vmmov vm7;
	[tilespmem:s14+$0x0] =	vst v10;
	v9 =	vnsel vm3, $0x0, v9;
	v62 =	vadd.f32 v11, v56  }
0x3ea: {  	vm15 =	vmmov vm6;
	v63 =	vnsel vm14, $0x0, v12;
	[tilespmem:s14+$0xFFFFFFD0] =	vst v6;
	v6 =	vadd.f32 v9, v58  }
0x3eb: {  	v7 =	vnsel vm15, $0x0, v7;
	[tilespmem:s14+$0x30] =	vst v62;
	v9 =	vadd.f32 v63, v59  }
0x3ec: {  	v8 =	vnsel vm0, $0x0, v8;
	v7 =	vadd.f32 v7, v60;
	[tilespmem:s14+$0x20] =	vst v6  }
0x3ed: {  	v6 =	vadd.f32 v8, v61;
	[tilespmem:s14+$0xFFFFFFC0] =	vst v9  }
0x3ee: {  	s26 =	sshll.u32 s11, $0xB;
	s3 =	rddreg [dreg:$0x16];
	[tilespmem:s14+$0xFFFFFFF0] =	vst v7  }
0x3ef: {  	s0 =	sadd.s32 s3, s26;
	[tilespmem:s14+$0x10] =	vst v6  }
0x3f0: {  	s11 =	sadd.s32 $0x1, s11;
	s0 =	sshrl.u32 s0, $0x3;
	s28 =	rddreg [dreg:$0x8]  }
0x3f1: {  	s29 =	simm.s32 $0xA000;
	p0 =	sne.s32 s11, $0x100;
	s0 =	sadd.s32 s28, s0  }
0x3f2: {  	[hbm4b:s0+s8] =	stream.strided.scatter [tilespmem:s29], [sflag:$0x8], $0x400, s10, s8, $0x38;
	[tilespmem:$0x1F880] =	vst v63  }
.Ltmp8:
0x3f3: {  	_ =	swait.ge [sflag:s7], $0x400;
	(pc) =	sbr.rel @p0 .LBB2_11-.Ltmp8, $3  }
0x3f4: {  	[sflag:s7] =	ssyncset.done $0x0  }
0x3f5: {  	[sflag:s7] =	ssyncadd.s32 $0xFFFFFC00  }
0x3f6: {  	[bflag:$0x0] =	sbarrier.arrive $0xFFFF;
	_ =	sdelay $0x1  }
0x3f7: {  	s3 =	sld [smem:$0x7F7];
	_ =	sdelay $0x2  }
0x3f8: {  	s0 =	rddreg [dreg:$0x17];
	s3 =	sadd.s32 $0x1, s3  }
0x3f9: {  	p0 =	sne.s32 s3, s0  }
.Ltmp9:
0x3fa: {  	_ = 	snop;
	(pc) =	sbr.rel @p0 .LBB2_1-.Ltmp9, $1  }
0x3fb: {  	_ =	sdelay $0x3  }
0x3fc: {  	_ =	sfence.sel $0x180000  }
0x3fd: {  	[bflag:$0x0] =	sbarrier.arrive $0xFFFF  }
0x3fe: {  	_ =	strace $0x90000047  }
0x3ff: {  	s0 =	stileid.u32;
	[bflag:$0x2] =	sbarrier.arrive $0xFFFF  }
0x400: {  	p0 =	sne.s32 s0, $0x0;
	s0 =	rddreg [dreg:$0x6]  }
0x401: {  	s0 =	sadd.s32 @!p0 $0x100000, s0  }
0x402: {  	[sflag:s0] =	ssyncadd.tile.s32 @!p0 $0x1;
	_ =	shalt  }
.Lfunc_end2:
_tile_overlayer_lowered:
.L_overlay_start_2:
0x403: {  	(tag) =	ssettag $0x2  }
0x404: {  	s0 =	rddreg [dreg:$0x0];
	s2 =	stileid.u32  }
0x405: {  	s1 =	rddreg [dreg:$0x1];
	p0 =	sne.s32 s2, $0x0  }
0x406: {  	s3 =	rddreg [dreg:$0x2];
	[bflag:$0x3] =	sbarrier.arrive $0xFFFF;
	s2 =	simm.s32 @!p0 $0x1C08  }
0x407: {  	[timem:s3], [sflag:s2] =	dma.local @!p0 [hbm:s0], s1  }
0x408: {  	s0 =	simm.s32 @!p0 $0x8  }
0x409: {  	_ =	swait.ge @!p0 [sflag:s0], s1  }
0x40a: {  	s1 =	ssub.s32 @!p0 $0x0, s1;
	[sflag:s0] =	ssyncset.done @!p0 $0x0  }
0x40b: {  	[sflag:s0] =	ssyncadd.s32 @!p0 s1  }
0x40c: {  	[bflag:$0x3] =	sbarrier.arrive $0xFFFF  }
0x40d: {  	_ =	shalt  }

</sc_bundles>
